<compile_context>
chip_gen: v7x
topology: tpu7x:2x2x1
jax: 0.10.2.dev20260603
libtpu: 0.0.44.dev20260713+nightly
codegen_flags: <defaults>
</compile_context>

<pallas_src>
import functools

import jax
import jax.numpy as jnp
from jax import lax
from jax.experimental import pallas as pl
from jax.experimental.pallas import tpu as pltpu
from jax.experimental.pallas import tpu_sc as plsc

_NUM_CORES = 2
_NUM_SUBCORES = 16
_NW = _NUM_CORES * _NUM_SUBCORES
_LANES = 16
_GRP = 128
_UNROLL = 8


def _tc_diag_body(diag_ref, dsi8_ref, dm_ref):
    x = diag_ref[...]
    xp1 = x + 1.0
    inv = lax.rsqrt(xp1)
    dm_ref[...] = x / xp1
    jj = lax.broadcasted_iota(jnp.int32, (128, 256), 0)
    kk = lax.broadcasted_iota(jnp.int32, (128, 256), 1)
    sel = 4 * lax.shift_right_logical(kk, 3) + lax.bitwise_and(kk, 3)
    perm = jnp.where(jj == sel, 1.0, 0.0).astype(jnp.float32)
    dsi8_ref[...] = jax.lax.dot_general(
        inv, perm, (((1,), (0,)), ((), ())),
        precision=jax.lax.Precision.HIGHEST,
        preferred_element_type=jnp.float32)


def _compute_dsi(diag, np_nodes):
    n, d = diag.shape
    flat = diag.reshape(-1)
    total_p = np_nodes * d
    flat_p = jnp.pad(flat, (0, total_p - flat.shape[0]))
    rows = total_p // 128
    diag2d = flat_p.reshape(rows, 128)
    dsi8_2d, dm2d = pl.pallas_call(
        _tc_diag_body,
        out_shape=(
            jax.ShapeDtypeStruct((rows, 256), jnp.float32),
            jax.ShapeDtypeStruct((rows, 128), jnp.float32),
        ),
    )(diag2d)
    diag_maps = dm2d.reshape(-1)[:n * d].reshape(n, d)
    dsi8 = dsi8_2d.reshape(np_nodes, 8)
    return dsi8, diag_maps


def _sc_edge_kernel(e_edges, d, cgrp, np_nodes):
    g_total = e_edges // _GRP
    chunk = cgrp * _GRP
    fchunk = chunk * d
    nvec = fchunk // _LANES
    nout = nvec // _UNROLL
    nchunks = -(-g_total // (_NW * cgrp))

    mesh = plsc.VectorSubcoreMesh(
        core_axis_name="c", subcore_axis_name="s",
        num_cores=_NUM_CORES, num_subcores=_NUM_SUBCORES,
    )

    @functools.partial(
        pl.kernel,
        mesh=mesh,
        out_type=jax.ShapeDtypeStruct((e_edges * d,), jnp.float32),
        compiler_params=pltpu.CompilerParams(
            use_tc_tiling_on_sc=False, needs_layout_passes=False),
        scratch_types=[
            pltpu.VMEM((2, chunk), jnp.int32),
            pltpu.VMEM((2, chunk), jnp.int32),
            pltpu.VMEM((2, chunk, 8), jnp.float32),
            pltpu.VMEM((2, chunk, 8), jnp.float32),
            pltpu.VMEM((2, fchunk), jnp.float32),
            pltpu.VMEM((2, fchunk), jnp.float32),
            pltpu.VMEM_SHARED((np_nodes, 8), jnp.float32),
            pltpu.SemaphoreType.DMA,
            pltpu.SemaphoreType.DMA,
            pltpu.SemaphoreType.DMA,
            pltpu.SemaphoreType.DMA,
            pltpu.SemaphoreType.DMA,
            pltpu.SemaphoreType.DMA,
            pltpu.SemaphoreType.DMA,
            pltpu.SemaphoreType.DMA,
        ],
    )
    def edge_kernel(dsi_hbm, trilf_hbm, row_hbm, col_hbm, outf_hbm,
                    row_v, col_v, left_v, right_v, tril_v, out_v, dsi_spm,
                    sem_i0, sem_i1, sem_g0, sem_g1,
                    sem_t0, sem_t1, sem_o0, sem_o1):
        wid = lax.axis_index("s") * _NUM_CORES + lax.axis_index("c")
        iota = lax.iota(jnp.int32, _LANES)

        @pl.when(lax.axis_index("s") == 0)
        def _():
            pltpu.sync_copy(dsi_hbm, dsi_spm)

        plsc.subcore_barrier()
        sem_i = (sem_i0, sem_i1)
        sem_g = (sem_g0, sem_g1)
        sem_t = (sem_t0, sem_t1)
        sem_o = (sem_o0, sem_o1)

        def chunk_base(c):
            gs = jnp.minimum((wid * nchunks + c) * cgrp, g_total - cgrp)
            return pl.multiple_of(gs * _GRP, 8)

        def issue_idx(c, b):
            base = chunk_base(c)
            pltpu.async_copy(row_hbm.at[pl.ds(base, chunk)],
                             row_v.at[b], sem_i[b])
            pltpu.async_copy(col_hbm.at[pl.ds(base, chunk)],
                             col_v.at[b], sem_i[b])

        def wait_idx(b):
            pltpu.make_async_copy(row_hbm.at[pl.ds(0, chunk)],
                                  row_v.at[b], sem_i[b]).wait()
            pltpu.make_async_copy(col_hbm.at[pl.ds(0, chunk)],
                                  col_v.at[b], sem_i[b]).wait()

        def issue_data(c, b):
            fbase = pl.multiple_of(chunk_base(c) * d, 8)
            pltpu.async_copy(trilf_hbm.at[pl.ds(fbase, fchunk)],
                             tril_v.at[b], sem_t[b])
            pltpu.async_copy(dsi_spm.at[row_v.at[b]], left_v.at[b], sem_g[b])
            pltpu.async_copy(dsi_spm.at[col_v.at[b]], right_v.at[b], sem_g[b])

        def wait_data(b):
            pltpu.make_async_copy(dsi_spm.at[row_v.at[b]],
                                  left_v.at[b], sem_g[b]).wait()
            pltpu.make_async_copy(dsi_spm.at[col_v.at[b]],
                                  right_v.at[b], sem_g[b]).wait()
            pltpu.make_async_copy(trilf_hbm.at[pl.ds(0, fchunk)],
                                  tril_v.at[b], sem_t[b]).wait()

        def issue_out(c, b):
            fbase = pl.multiple_of(chunk_base(c) * d, 8)
            pltpu.async_copy(out_v.at[b],
                             outf_hbm.at[pl.ds(fbase, fchunk)], sem_o[b])

        def wait_out(b):
            pltpu.make_async_copy(out_v.at[b],
                                  outf_hbm.at[pl.ds(0, fchunk)], sem_o[b]).wait()

        def compute(b):
            lvb = left_v.at[b]
            rvb = right_v.at[b]
            tvb = tril_v.at[b]
            ovb = out_v.at[b]

            def step(k, c2):
                comp = lax.bitwise_and(k, 3)
                elbase = lax.shift_left(lax.shift_right_logical(k, 2), 7)
                cols = lax.broadcast(comp, (_LANES,))
                fb = k * (_UNROLL * _LANES)
                for u in range(_UNROLL):
                    rows = lax.broadcast(elbase + u * _LANES, (_LANES,)) + iota
                    lv = plsc.load_gather(lvb, [rows, cols])
                    rv = plsc.load_gather(rvb, [rows, cols])
                    t = tvb[pl.ds(fb + u * _LANES, _LANES)]
                    ovb[pl.ds(fb + u * _LANES, _LANES)] = lv * t * rv
                return c2

            lax.fori_loop(0, nout, step, 0)

        issue_idx(0, 0)
        wait_idx(0)
        issue_data(0, 0)
        issue_idx(1, 1)

        def pipe_step(c, b):
            bp = 1 - b
            wait_idx(b)
            issue_data(c, b)
            wait_data(bp)

            @pl.when(c + 1 < nchunks)
            def _():
                issue_idx(c + 1, bp)

            @pl.when(c >= 3)
            def _():
                wait_out(bp)

            compute(bp)
            issue_out(c - 1, bp)

        def body(j, carry):
            c1 = 2 * j + 1
            pipe_step(c1, 1)

            @pl.when(c1 + 1 < nchunks)
            def _():
                pipe_step(c1 + 1, 0)

            return carry

        lax.fori_loop(0, -(-(nchunks - 1) // 2), body, 0)

        bl = (nchunks - 1) & 1
        wait_data(bl)

        @pl.when(nchunks >= 3)
        def _():
            wait_out(bl)

        compute(bl)
        issue_out(nchunks - 1, bl)
        wait_out(bl)

        @pl.when(nchunks >= 2)
        def _():
            wait_out(1 - bl)

    return edge_kernel


def kernel(diag, tril, row, col):
    n, d = diag.shape
    e = tril.shape[0]
    np_nodes = -(-n // 256) * 256
    dsi8, diag_maps = _compute_dsi(diag, np_nodes)

    assert e % _GRP == 0
    gb = e // _GRP
    trilf = tril.reshape(gb, _GRP, d).transpose(0, 2, 1).reshape(-1)

    edge_kernel = _sc_edge_kernel(e, d, 12, np_nodes)
    outf = edge_kernel(dsi8, trilf, row, col)
    out = outf.reshape(gb, d, _GRP).transpose(0, 2, 1).reshape(e, d)
    return diag_maps, out

# --- scband reference (transcript-rebuilt; emitter-appended) ---
"""Pipeline reference for scband-laplacian-builder-18459769438523 (READ-ONLY COPY).

The authoritative reference and input builder live on the scoring server;
editing this copy changes nothing except your own understanding.
"""

import jax, jax.numpy as jnp
import numpy as np

N, E, D = 100000, 3200000, 4

def setup_inputs(seed: int = 0) -> dict:
    key = jax.random.key(seed)
    k1, k2, k3, k4 = jax.random.split(key, 4)
    diag = jax.random.uniform(k1, (N, D), dtype=jnp.float32)
    tril = jax.random.normal(k2, (E, D), dtype=jnp.float32)
    row = jax.random.randint(k3, (E,), 0, N, dtype=jnp.int32)
    col = jax.random.randint(k4, (E,), 0, N, dtype=jnp.int32)
    return {"diag": diag, "tril": tril, "row": row, "col": col}

def reference(diag, tril, row, col):
    # Faithful port of LaplacianBuilder.scalar_normalise for the 2-D tril case
    # (diagonal sheaf restriction maps: diag [N, d], tril [E, d]).
    d = diag.shape[-1]
    diag_sqrt_inv = jnp.power(diag + 1.0, -0.5)          # [N, d]
    dsi = diag_sqrt_inv.reshape(-1, d)                    # tril.ndim == 2 branch
    left_norm = jnp.take(dsi, row, axis=0)                # gather [E, d]
    right_norm = jnp.take(dsi, col, axis=0)               # gather [E, d]
    non_diag_maps = left_norm * tril * right_norm         # [E, d]
    dsi2 = diag_sqrt_inv.reshape(-1, d)                   # diag.ndim == 2 branch
    diag_maps = (dsi2 ** 2) * diag                        # [N, d]
    return (diag_maps, non_diag_maps)

if __name__ == "__main__":
    import jax
    _d = setup_inputs()
    print(jax.jit(kernel)(*tuple(_d.values())))

</pallas_src>

<mosaic_0001>
#map = affine_map<(d0, d1) -> (0, 0)>
#map1 = affine_map<(d0, d1) -> (0)>
module attributes {stable_mosaic.version = 14 : i64} {
  func.func @edge_kernel(%arg0: i32, %arg1: i32, %arg2: memref<100096x8xf32, #tpu.memory_space<hbm>>, %arg3: memref<12800000xf32, #tpu.memory_space<hbm>>, %arg4: memref<3200000xi32, #tpu.memory_space<hbm>>, %arg5: memref<3200000xi32, #tpu.memory_space<hbm>>, %arg6: memref<12800000xf32, #tpu.memory_space<hbm>>, %arg7: memref<2x1536xi32, #tpu.memory_space<vmem>>, %arg8: memref<2x1536xi32, #tpu.memory_space<vmem>>, %arg9: memref<2x1536x8xf32, #tpu.memory_space<vmem>>, %arg10: memref<2x1536x8xf32, #tpu.memory_space<vmem>>, %arg11: memref<2x6144xf32, #tpu.memory_space<vmem>>, %arg12: memref<2x6144xf32, #tpu.memory_space<vmem>>, %arg13: memref<100096x8xf32, #tpu.memory_space<vmem_shared>>, %arg14: memref<!tpu.dma_semaphore, #tpu.memory_space<semaphore_mem>>, %arg15: memref<!tpu.dma_semaphore, #tpu.memory_space<semaphore_mem>>, %arg16: memref<!tpu.dma_semaphore, #tpu.memory_space<semaphore_mem>>, %arg17: memref<!tpu.dma_semaphore, #tpu.memory_space<semaphore_mem>>, %arg18: memref<!tpu.dma_semaphore, #tpu.memory_space<semaphore_mem>>, %arg19: memref<!tpu.dma_semaphore, #tpu.memory_space<semaphore_mem>>, %arg20: memref<!tpu.dma_semaphore, #tpu.memory_space<semaphore_mem>>, %arg21: memref<!tpu.dma_semaphore, #tpu.memory_space<semaphore_mem>>) attributes {dimension_semantics = [#tpu.dimension_semantics<core_parallel>, #tpu.dimension_semantics<subcore_parallel>], iteration_bounds = array<i64: 2, 16>, scalar_prefetch = 0 : i64, scratch_operands = 15 : i64, tpu.core_type = #tpu.core_type<sc_vector_subcore>, window_params = [{transform_indices = #map}, {transform_indices = #map1}, {transform_indices = #map1}, {transform_indices = #map1}, {transform_indices = #map1}]} {
    %mul3A = arith.constant 2 : i32
    %mul3A_0 = arith.muli %arg1, %mul3A : i32
    %add3A = arith.addi %mul3A_0, %arg0 : i32
    %iota3A = tpu.iota {dimensions = array<i32: 0>} : vector<16xi32>
    %eq3A = arith.constant 0 : i32
    %eq3A_1 = arith.cmpi eq, %arg1, %eq3A : i32
    %convert_element_type3A = arith.extui %eq3A_1 : i1 to i32
    %cond3A = arith.constant 0 : i32
    %cond3A_2 = arith.cmpi ne, %convert_element_type3A, %cond3A : i32
    scf.if %cond3A_2 {
      "tpu.region"() ({
        %run_scoped3A = tpu.sem_alloc : memref<!tpu.dma_semaphore, #tpu.memory_space<semaphore_mem>>
        tpu.enqueue_dma source(%arg2 : memref<100096x8xf32, #tpu.memory_space<hbm>>) target(%arg13 : memref<100096x8xf32, #tpu.memory_space<vmem_shared>>) target_semaphore(%run_scoped3A : memref<!tpu.dma_semaphore, #tpu.memory_space<semaphore_mem>>)
        tpu.wait_dma2 semaphore(%run_scoped3A : memref<!tpu.dma_semaphore, #tpu.memory_space<semaphore_mem>>) src(%arg2 : memref<100096x8xf32, #tpu.memory_space<hbm>>) dst(%arg13 : memref<100096x8xf32, #tpu.memory_space<vmem_shared>>)
        tpu.yield
      }) : () -> ()
    } else {
    }
    %barrier3A = arith.constant 0 : index
    tpu.barrier barrier_id(%barrier3A)
    %mul3A_3 = arith.constant 66 : i32
    %mul3A_4 = arith.muli %add3A, %mul3A_3 : i32
    %add3A_5 = arith.constant 0 : i32
    %add3A_6 = arith.addi %mul3A_4, %add3A_5 : i32
    %mul3A_7 = arith.constant 12 : i32
    %mul3A_8 = arith.muli %add3A_6, %mul3A_7 : i32
    %min3A = arith.constant 24988 : i32
    %min3A_9 = arith.minsi %mul3A_8, %min3A : i32
    %mul3A_10 = arith.constant 128 : i32
    %mul3A_11 = arith.muli %min3A_9, %mul3A_10 : i32
    %multiple_of3A = tpu.assume_multiple %mul3A_11, 8 : i32
    %dma_start3A = arith.constant 0 : i32
    %dma_start3A_12 = arith.constant 0 : i32
    %dma_start3A_13 = tpu.memref_slice %arg7[%dma_start3A, %dma_start3A_12] : memref<2x1536xi32, #tpu.memory_space<vmem>> -> memref<1x1536xi32, #tpu.memory_space<vmem>>
    %dma_start3A_14 = tpu.memref_squeeze %dma_start3A_13 : memref<1x1536xi32, #tpu.memory_space<vmem>> -> memref<1536xi32, #tpu.memory_space<vmem>>
    %dma_start3A_15 = tpu.memref_slice %arg4[%multiple_of3A] : memref<3200000xi32, #tpu.memory_space<hbm>> -> memref<1536xi32, #tpu.memory_space<hbm>>
    %dma_start3A_16 = arith.constant 0 : i32
    %dma_start3A_17 = tpu.memref_slice %arg7[%dma_start3A, %dma_start3A_16] : memref<2x1536xi32, #tpu.memory_space<vmem>> -> memref<1x1536xi32, #tpu.memory_space<vmem>>
    %dma_start3A_18 = tpu.memref_squeeze %dma_start3A_17 : memref<1x1536xi32, #tpu.memory_space<vmem>> -> memref<1536xi32, #tpu.memory_space<vmem>>
    %dma_start3A_19 = tpu.memref_slice %arg4[%multiple_of3A] : memref<3200000xi32, #tpu.memory_space<hbm>> -> memref<1536xi32, #tpu.memory_space<hbm>>
    tpu.enqueue_dma source(%dma_start3A_19 : memref<1536xi32, #tpu.memory_space<hbm>>) target(%dma_start3A_18 : memref<1536xi32, #tpu.memory_space<vmem>>) target_semaphore(%arg14 : memref<!tpu.dma_semaphore, #tpu.memory_space<semaphore_mem>>)
    %dma_start3A_20 = arith.constant 0 : i32
    %dma_start3A_21 = arith.constant 0 : i32
    %dma_start3A_22 = tpu.memref_slice %arg8[%dma_start3A_20, %dma_start3A_21] : memref<2x1536xi32, #tpu.memory_space<vmem>> -> memref<1x1536xi32, #tpu.memory_space<vmem>>
    %dma_start3A_23 = tpu.memref_squeeze %dma_start3A_22 : memref<1x1536xi32, #tpu.memory_space<vmem>> -> memref<1536xi32, #tpu.memory_space<vmem>>
    %dma_start3A_24 = tpu.memref_slice %arg5[%multiple_of3A] : memref<3200000xi32, #tpu.memory_space<hbm>> -> memref<1536xi32, #tpu.memory_space<hbm>>
    %dma_start3A_25 = arith.constant 0 : i32
    %dma_start3A_26 = tpu.memref_slice %arg8[%dma_start3A_20, %dma_start3A_25] : memref<2x1536xi32, #tpu.memory_space<vmem>> -> memref<1x1536xi32, #tpu.memory_space<vmem>>
    %dma_start3A_27 = tpu.memref_squeeze %dma_start3A_26 : memref<1x1536xi32, #tpu.memory_space<vmem>> -> memref<1536xi32, #tpu.memory_space<vmem>>
    %dma_start3A_28 = tpu.memref_slice %arg5[%multiple_of3A] : memref<3200000xi32, #tpu.memory_space<hbm>> -> memref<1536xi32, #tpu.memory_space<hbm>>
    tpu.enqueue_dma source(%dma_start3A_28 : memref<1536xi32, #tpu.memory_space<hbm>>) target(%dma_start3A_27 : memref<1536xi32, #tpu.memory_space<vmem>>) target_semaphore(%arg14 : memref<!tpu.dma_semaphore, #tpu.memory_space<semaphore_mem>>)
    %dma_wait3A = arith.constant 0 : i32
    %dma_wait3A_29 = arith.constant 0 : i32
    %dma_wait3A_30 = tpu.memref_slice %arg7[%dma_wait3A, %dma_wait3A_29] : memref<2x1536xi32, #tpu.memory_space<vmem>> -> memref<1x1536xi32, #tpu.memory_space<vmem>>
    %dma_wait3A_31 = tpu.memref_squeeze %dma_wait3A_30 : memref<1x1536xi32, #tpu.memory_space<vmem>> -> memref<1536xi32, #tpu.memory_space<vmem>>
    %dma_wait3A_32 = arith.constant 0 : i32
    %dma_wait3A_33 = tpu.memref_slice %arg4[%dma_wait3A_32] : memref<3200000xi32, #tpu.memory_space<hbm>> -> memref<1536xi32, #tpu.memory_space<hbm>>
    %dma_wait3A_34 = arith.constant 0 : i32
    %dma_wait3A_35 = tpu.memref_slice %arg7[%dma_wait3A, %dma_wait3A_34] : memref<2x1536xi32, #tpu.memory_space<vmem>> -> memref<1x1536xi32, #tpu.memory_space<vmem>>
    %dma_wait3A_36 = tpu.memref_squeeze %dma_wait3A_35 : memref<1x1536xi32, #tpu.memory_space<vmem>> -> memref<1536xi32, #tpu.memory_space<vmem>>
    %dma_wait3A_37 = arith.constant 0 : i32
    %dma_wait3A_38 = tpu.memref_slice %arg4[%dma_wait3A_37] : memref<3200000xi32, #tpu.memory_space<hbm>> -> memref<1536xi32, #tpu.memory_space<hbm>>
    tpu.wait_dma2 semaphore(%arg14 : memref<!tpu.dma_semaphore, #tpu.memory_space<semaphore_mem>>) src(%dma_wait3A_38 : memref<1536xi32, #tpu.memory_space<hbm>>) dst(%dma_wait3A_36 : memref<1536xi32, #tpu.memory_space<vmem>>)
    %dma_wait3A_39 = arith.constant 0 : i32
    %dma_wait3A_40 = arith.constant 0 : i32
    %dma_wait3A_41 = tpu.memref_slice %arg8[%dma_wait3A_39, %dma_wait3A_40] : memref<2x1536xi32, #tpu.memory_space<vmem>> -> memref<1x1536xi32, #tpu.memory_space<vmem>>
    %dma_wait3A_42 = tpu.memref_squeeze %dma_wait3A_41 : memref<1x1536xi32, #tpu.memory_space<vmem>> -> memref<1536xi32, #tpu.memory_space<vmem>>
    %dma_wait3A_43 = arith.constant 0 : i32
    %dma_wait3A_44 = tpu.memref_slice %arg5[%dma_wait3A_43] : memref<3200000xi32, #tpu.memory_space<hbm>> -> memref<1536xi32, #tpu.memory_space<hbm>>
    %dma_wait3A_45 = arith.constant 0 : i32
    %dma_wait3A_46 = tpu.memref_slice %arg8[%dma_wait3A_39, %dma_wait3A_45] : memref<2x1536xi32, #tpu.memory_space<vmem>> -> memref<1x1536xi32, #tpu.memory_space<vmem>>
    %dma_wait3A_47 = tpu.memref_squeeze %dma_wait3A_46 : memref<1x1536xi32, #tpu.memory_space<vmem>> -> memref<1536xi32, #tpu.memory_space<vmem>>
    %dma_wait3A_48 = arith.constant 0 : i32
    %dma_wait3A_49 = tpu.memref_slice %arg5[%dma_wait3A_48] : memref<3200000xi32, #tpu.memory_space<hbm>> -> memref<1536xi32, #tpu.memory_space<hbm>>
    tpu.wait_dma2 semaphore(%arg14 : memref<!tpu.dma_semaphore, #tpu.memory_space<semaphore_mem>>) src(%dma_wait3A_49 : memref<1536xi32, #tpu.memory_space<hbm>>) dst(%dma_wait3A_47 : memref<1536xi32, #tpu.memory_space<vmem>>)
    %mul3A_50 = arith.constant 66 : i32
    %mul3A_51 = arith.muli %add3A, %mul3A_50 : i32
    %add3A_52 = arith.constant 0 : i32
    %add3A_53 = arith.addi %mul3A_51, %add3A_52 : i32
    %mul3A_54 = arith.constant 12 : i32
    %mul3A_55 = arith.muli %add3A_53, %mul3A_54 : i32
    %min3A_56 = arith.constant 24988 : i32
    %min3A_57 = arith.minsi %mul3A_55, %min3A_56 : i32
    %mul3A_58 = arith.constant 128 : i32
    %mul3A_59 = arith.muli %min3A_57, %mul3A_58 : i32
    %multiple_of3A_60 = tpu.assume_multiple %mul3A_59, 8 : i32
    %mul3A_61 = arith.constant 4 : i32
    %mul3A_62 = arith.muli %multiple_of3A_60, %mul3A_61 : i32
    %multiple_of3A_63 = tpu.assume_multiple %mul3A_62, 8 : i32
    %dma_start3A_64 = arith.constant 0 : i32
    %dma_start3A_65 = arith.constant 0 : i32
    %dma_start3A_66 = tpu.memref_slice %arg11[%dma_start3A_64, %dma_start3A_65] : memref<2x6144xf32, #tpu.memory_space<vmem>> -> memref<1x6144xf32, #tpu.memory_space<vmem>>
    %dma_start3A_67 = tpu.memref_squeeze %dma_start3A_66 : memref<1x6144xf32, #tpu.memory_space<vmem>> -> memref<6144xf32, #tpu.memory_space<vmem>>
    %dma_start3A_68 = tpu.memref_slice %arg3[%multiple_of3A_63] : memref<12800000xf32, #tpu.memory_space<hbm>> -> memref<6144xf32, #tpu.memory_space<hbm>>
    %dma_start3A_69 = arith.constant 0 : i32
    %dma_start3A_70 = tpu.memref_slice %arg11[%dma_start3A_64, %dma_start3A_69] : memref<2x6144xf32, #tpu.memory_space<vmem>> -> memref<1x6144xf32, #tpu.memory_space<vmem>>
    %dma_start3A_71 = tpu.memref_squeeze %dma_start3A_70 : memref<1x6144xf32, #tpu.memory_space<vmem>> -> memref<6144xf32, #tpu.memory_space<vmem>>
    %dma_start3A_72 = tpu.memref_slice %arg3[%multiple_of3A_63] : memref<12800000xf32, #tpu.memory_space<hbm>> -> memref<6144xf32, #tpu.memory_space<hbm>>
    tpu.enqueue_dma source(%dma_start3A_72 : memref<6144xf32, #tpu.memory_space<hbm>>) target(%dma_start3A_71 : memref<6144xf32, #tpu.memory_space<vmem>>) target_semaphore(%arg18 : memref<!tpu.dma_semaphore, #tpu.memory_space<semaphore_mem>>)
    %dma_start3A_73 = arith.constant 0 : i32
    %dma_start3A_74 = arith.constant 0 : i32
    %dma_start3A_75 = arith.constant 0 : i32
    %dma_start3A_76 = arith.constant 0 : i32
    %dma_start3A_77 = tpu.memref_slice %arg9[%dma_start3A_74, %dma_start3A_75, %dma_start3A_76] : memref<2x1536x8xf32, #tpu.memory_space<vmem>> -> memref<1x1536x8xf32, #tpu.memory_space<vmem>>
    %dma_start3A_78 = tpu.memref_squeeze %dma_start3A_77 : memref<1x1536x8xf32, #tpu.memory_space<vmem>> -> memref<1536x8xf32, #tpu.memory_space<vmem>>
    %dma_start3A_79 = arith.constant 0 : i32
    %dma_start3A_80 = tpu.memref_slice %arg7[%dma_start3A_73, %dma_start3A_79] : memref<2x1536xi32, #tpu.memory_space<vmem>> -> memref<1x1536xi32, #tpu.memory_space<vmem>>
    %dma_start3A_81 = tpu.memref_squeeze %dma_start3A_80 : memref<1x1536xi32, #tpu.memory_space<vmem>> -> memref<1536xi32, #tpu.memory_space<vmem>>
    %dma_start3A_82 = arith.constant 0 : i32
    %dma_start3A_83 = arith.constant 0 : i32
    %dma_start3A_84 = tpu.memref_slice %arg13[%dma_start3A_82, %dma_start3A_83] : memref<100096x8xf32, #tpu.memory_space<vmem_shared>> -> memref<100096x8xf32, #tpu.memory_space<vmem_shared>>
    tpu.enqueue_indirect_dma source(%dma_start3A_84 : memref<100096x8xf32, #tpu.memory_space<vmem_shared>>) target(%dma_start3A_78 : memref<1536x8xf32, #tpu.memory_space<vmem>>) offsets(%dma_start3A_81 : memref<1536xi32, #tpu.memory_space<vmem>>) semaphore(%arg16 : memref<!tpu.dma_semaphore, #tpu.memory_space<semaphore_mem>>)
    %dma_start3A_85 = arith.constant 0 : i32
    %dma_start3A_86 = arith.constant 0 : i32
    %dma_start3A_87 = arith.constant 0 : i32
    %dma_start3A_88 = arith.constant 0 : i32
    %dma_start3A_89 = tpu.memref_slice %arg10[%dma_start3A_86, %dma_start3A_87, %dma_start3A_88] : memref<2x1536x8xf32, #tpu.memory_space<vmem>> -> memref<1x1536x8xf32, #tpu.memory_space<vmem>>
    %dma_start3A_90 = tpu.memref_squeeze %dma_start3A_89 : memref<1x1536x8xf32, #tpu.memory_space<vmem>> -> memref<1536x8xf32, #tpu.memory_space<vmem>>
    %dma_start3A_91 = arith.constant 0 : i32
    %dma_start3A_92 = tpu.memref_slice %arg8[%dma_start3A_85, %dma_start3A_91] : memref<2x1536xi32, #tpu.memory_space<vmem>> -> memref<1x1536xi32, #tpu.memory_space<vmem>>
    %dma_start3A_93 = tpu.memref_squeeze %dma_start3A_92 : memref<1x1536xi32, #tpu.memory_space<vmem>> -> memref<1536xi32, #tpu.memory_space<vmem>>
    %dma_start3A_94 = arith.constant 0 : i32
    %dma_start3A_95 = arith.constant 0 : i32
    %dma_start3A_96 = tpu.memref_slice %arg13[%dma_start3A_94, %dma_start3A_95] : memref<100096x8xf32, #tpu.memory_space<vmem_shared>> -> memref<100096x8xf32, #tpu.memory_space<vmem_shared>>
    tpu.enqueue_indirect_dma source(%dma_start3A_96 : memref<100096x8xf32, #tpu.memory_space<vmem_shared>>) target(%dma_start3A_90 : memref<1536x8xf32, #tpu.memory_space<vmem>>) offsets(%dma_start3A_93 : memref<1536xi32, #tpu.memory_space<vmem>>) semaphore(%arg16 : memref<!tpu.dma_semaphore, #tpu.memory_space<semaphore_mem>>)
    %mul3A_97 = arith.constant 66 : i32
    %mul3A_98 = arith.muli %add3A, %mul3A_97 : i32
    %add3A_99 = arith.constant 1 : i32
    %add3A_100 = arith.addi %mul3A_98, %add3A_99 : i32
    %mul3A_101 = arith.constant 12 : i32
    %mul3A_102 = arith.muli %add3A_100, %mul3A_101 : i32
    %min3A_103 = arith.constant 24988 : i32
    %min3A_104 = arith.minsi %mul3A_102, %min3A_103 : i32
    %mul3A_105 = arith.constant 128 : i32
    %mul3A_106 = arith.muli %min3A_104, %mul3A_105 : i32
    %multiple_of3A_107 = tpu.assume_multiple %mul3A_106, 8 : i32
    %dma_start3A_108 = arith.constant 1 : i32
    %dma_start3A_109 = arith.constant 0 : i32
    %dma_start3A_110 = tpu.memref_slice %arg7[%dma_start3A_108, %dma_start3A_109] : memref<2x1536xi32, #tpu.memory_space<vmem>> -> memref<1x1536xi32, #tpu.memory_space<vmem>>
    %dma_start3A_111 = tpu.memref_squeeze %dma_start3A_110 : memref<1x1536xi32, #tpu.memory_space<vmem>> -> memref<1536xi32, #tpu.memory_space<vmem>>
    %dma_start3A_112 = tpu.memref_slice %arg4[%multiple_of3A_107] : memref<3200000xi32, #tpu.memory_space<hbm>> -> memref<1536xi32, #tpu.memory_space<hbm>>
    %dma_start3A_113 = arith.constant 0 : i32
    %dma_start3A_114 = tpu.memref_slice %arg7[%dma_start3A_108, %dma_start3A_113] : memref<2x1536xi32, #tpu.memory_space<vmem>> -> memref<1x1536xi32, #tpu.memory_space<vmem>>
    %dma_start3A_115 = tpu.memref_squeeze %dma_start3A_114 : memref<1x1536xi32, #tpu.memory_space<vmem>> -> memref<1536xi32, #tpu.memory_space<vmem>>
    %dma_start3A_116 = tpu.memref_slice %arg4[%multiple_of3A_107] : memref<3200000xi32, #tpu.memory_space<hbm>> -> memref<1536xi32, #tpu.memory_space<hbm>>
    tpu.enqueue_dma source(%dma_start3A_116 : memref<1536xi32, #tpu.memory_space<hbm>>) target(%dma_start3A_115 : memref<1536xi32, #tpu.memory_space<vmem>>) target_semaphore(%arg15 : memref<!tpu.dma_semaphore, #tpu.memory_space<semaphore_mem>>)
    %dma_start3A_117 = arith.constant 1 : i32
    %dma_start3A_118 = arith.constant 0 : i32
    %dma_start3A_119 = tpu.memref_slice %arg8[%dma_start3A_117, %dma_start3A_118] : memref<2x1536xi32, #tpu.memory_space<vmem>> -> memref<1x1536xi32, #tpu.memory_space<vmem>>
    %dma_start3A_120 = tpu.memref_squeeze %dma_start3A_119 : memref<1x1536xi32, #tpu.memory_space<vmem>> -> memref<1536xi32, #tpu.memory_space<vmem>>
    %dma_start3A_121 = tpu.memref_slice %arg5[%multiple_of3A_107] : memref<3200000xi32, #tpu.memory_space<hbm>> -> memref<1536xi32, #tpu.memory_space<hbm>>
    %dma_start3A_122 = arith.constant 0 : i32
    %dma_start3A_123 = tpu.memref_slice %arg8[%dma_start3A_117, %dma_start3A_122] : memref<2x1536xi32, #tpu.memory_space<vmem>> -> memref<1x1536xi32, #tpu.memory_space<vmem>>
    %dma_start3A_124 = tpu.memref_squeeze %dma_start3A_123 : memref<1x1536xi32, #tpu.memory_space<vmem>> -> memref<1536xi32, #tpu.memory_space<vmem>>
    %dma_start3A_125 = tpu.memref_slice %arg5[%multiple_of3A_107] : memref<3200000xi32, #tpu.memory_space<hbm>> -> memref<1536xi32, #tpu.memory_space<hbm>>
    tpu.enqueue_dma source(%dma_start3A_125 : memref<1536xi32, #tpu.memory_space<hbm>>) target(%dma_start3A_124 : memref<1536xi32, #tpu.memory_space<vmem>>) target_semaphore(%arg15 : memref<!tpu.dma_semaphore, #tpu.memory_space<semaphore_mem>>)
    %scan3A = arith.constant 0 : i32
    %scan3A_126 = arith.constant 0 : i32
    %scan3A_127 = arith.constant 33 : i32
    %scan3A_128 = arith.addi %scan3A_126, %scan3A_127 : i32
    %scan3A_129 = arith.constant 1 : i32
    scf.for %scan3A_232 = %scan3A_126 to %scan3A_128 step %scan3A_129  : i32 {
      %mul3A_233 = arith.constant 2 : i32
      %mul3A_234 = arith.muli %mul3A_233, %scan3A_232 : i32
      %add3A_235 = arith.constant 1 : i32
      %add3A_236 = arith.addi %mul3A_234, %add3A_235 : i32
      %dma_wait3A_237 = arith.constant 1 : i32
      %dma_wait3A_238 = arith.constant 0 : i32
      %dma_wait3A_239 = tpu.memref_slice %arg7[%dma_wait3A_237, %dma_wait3A_238] : memref<2x1536xi32, #tpu.memory_space<vmem>> -> memref<1x1536xi32, #tpu.memory_space<vmem>>
      %dma_wait3A_240 = tpu.memref_squeeze %dma_wait3A_239 : memref<1x1536xi32, #tpu.memory_space<vmem>> -> memref<1536xi32, #tpu.memory_space<vmem>>
      %dma_wait3A_241 = arith.constant 0 : i32
      %dma_wait3A_242 = tpu.memref_slice %arg4[%dma_wait3A_241] : memref<3200000xi32, #tpu.memory_space<hbm>> -> memref<1536xi32, #tpu.memory_space<hbm>>
      %dma_wait3A_243 = arith.constant 0 : i32
      %dma_wait3A_244 = tpu.memref_slice %arg7[%dma_wait3A_237, %dma_wait3A_243] : memref<2x1536xi32, #tpu.memory_space<vmem>> -> memref<1x1536xi32, #tpu.memory_space<vmem>>
      %dma_wait3A_245 = tpu.memref_squeeze %dma_wait3A_244 : memref<1x1536xi32, #tpu.memory_space<vmem>> -> memref<1536xi32, #tpu.memory_space<vmem>>
      %dma_wait3A_246 = arith.constant 0 : i32
      %dma_wait3A_247 = tpu.memref_slice %arg4[%dma_wait3A_246] : memref<3200000xi32, #tpu.memory_space<hbm>> -> memref<1536xi32, #tpu.memory_space<hbm>>
      tpu.wait_dma2 semaphore(%arg15 : memref<!tpu.dma_semaphore, #tpu.memory_space<semaphore_mem>>) src(%dma_wait3A_247 : memref<1536xi32, #tpu.memory_space<hbm>>) dst(%dma_wait3A_245 : memref<1536xi32, #tpu.memory_space<vmem>>)
      %dma_wait3A_248 = arith.constant 1 : i32
      %dma_wait3A_249 = arith.constant 0 : i32
      %dma_wait3A_250 = tpu.memref_slice %arg8[%dma_wait3A_248, %dma_wait3A_249] : memref<2x1536xi32, #tpu.memory_space<vmem>> -> memref<1x1536xi32, #tpu.memory_space<vmem>>
      %dma_wait3A_251 = tpu.memref_squeeze %dma_wait3A_250 : memref<1x1536xi32, #tpu.memory_space<vmem>> -> memref<1536xi32, #tpu.memory_space<vmem>>
      %dma_wait3A_252 = arith.constant 0 : i32
      %dma_wait3A_253 = tpu.memref_slice %arg5[%dma_wait3A_252] : memref<3200000xi32, #tpu.memory_space<hbm>> -> memref<1536xi32, #tpu.memory_space<hbm>>
      %dma_wait3A_254 = arith.constant 0 : i32
      %dma_wait3A_255 = tpu.memref_slice %arg8[%dma_wait3A_248, %dma_wait3A_254] : memref<2x1536xi32, #tpu.memory_space<vmem>> -> memref<1x1536xi32, #tpu.memory_space<vmem>>
      %dma_wait3A_256 = tpu.memref_squeeze %dma_wait3A_255 : memref<1x1536xi32, #tpu.memory_space<vmem>> -> memref<1536xi32, #tpu.memory_space<vmem>>
      %dma_wait3A_257 = arith.constant 0 : i32
      %dma_wait3A_258 = tpu.memref_slice %arg5[%dma_wait3A_257] : memref<3200000xi32, #tpu.memory_space<hbm>> -> memref<1536xi32, #tpu.memory_space<hbm>>
      tpu.wait_dma2 semaphore(%arg15 : memref<!tpu.dma_semaphore, #tpu.memory_space<semaphore_mem>>) src(%dma_wait3A_258 : memref<1536xi32, #tpu.memory_space<hbm>>) dst(%dma_wait3A_256 : memref<1536xi32, #tpu.memory_space<vmem>>)
      %mul3A_259 = arith.constant 66 : i32
      %mul3A_260 = arith.muli %add3A, %mul3A_259 : i32
      %add3A_261 = arith.addi %mul3A_260, %add3A_236 : i32
      %mul3A_262 = arith.constant 12 : i32
      %mul3A_263 = arith.muli %add3A_261, %mul3A_262 : i32
      %min3A_264 = arith.constant 24988 : i32
      %min3A_265 = arith.minsi %mul3A_263, %min3A_264 : i32
      %mul3A_266 = arith.constant 128 : i32
      %mul3A_267 = arith.muli %min3A_265, %mul3A_266 : i32
      %multiple_of3A_268 = tpu.assume_multiple %mul3A_267, 8 : i32
      %mul3A_269 = arith.constant 4 : i32
      %mul3A_270 = arith.muli %multiple_of3A_268, %mul3A_269 : i32
      %multiple_of3A_271 = tpu.assume_multiple %mul3A_270, 8 : i32
      %dma_start3A_272 = arith.constant 1 : i32
      %dma_start3A_273 = arith.constant 0 : i32
      %dma_start3A_274 = tpu.memref_slice %arg11[%dma_start3A_272, %dma_start3A_273] : memref<2x6144xf32, #tpu.memory_space<vmem>> -> memref<1x6144xf32, #tpu.memory_space<vmem>>
      %dma_start3A_275 = tpu.memref_squeeze %dma_start3A_274 : memref<1x6144xf32, #tpu.memory_space<vmem>> -> memref<6144xf32, #tpu.memory_space<vmem>>
      %dma_start3A_276 = tpu.memref_slice %arg3[%multiple_of3A_271] : memref<12800000xf32, #tpu.memory_space<hbm>> -> memref<6144xf32, #tpu.memory_space<hbm>>
      %dma_start3A_277 = arith.constant 0 : i32
      %dma_start3A_278 = tpu.memref_slice %arg11[%dma_start3A_272, %dma_start3A_277] : memref<2x6144xf32, #tpu.memory_space<vmem>> -> memref<1x6144xf32, #tpu.memory_space<vmem>>
      %dma_start3A_279 = tpu.memref_squeeze %dma_start3A_278 : memref<1x6144xf32, #tpu.memory_space<vmem>> -> memref<6144xf32, #tpu.memory_space<vmem>>
      %dma_start3A_280 = tpu.memref_slice %arg3[%multiple_of3A_271] : memref<12800000xf32, #tpu.memory_space<hbm>> -> memref<6144xf32, #tpu.memory_space<hbm>>
      tpu.enqueue_dma source(%dma_start3A_280 : memref<6144xf32, #tpu.memory_space<hbm>>) target(%dma_start3A_279 : memref<6144xf32, #tpu.memory_space<vmem>>) target_semaphore(%arg19 : memref<!tpu.dma_semaphore, #tpu.memory_space<semaphore_mem>>)
      %dma_start3A_281 = arith.constant 1 : i32
      %dma_start3A_282 = arith.constant 1 : i32
      %dma_start3A_283 = arith.constant 0 : i32
      %dma_start3A_284 = arith.constant 0 : i32
      %dma_start3A_285 = tpu.memref_slice %arg9[%dma_start3A_282, %dma_start3A_283, %dma_start3A_284] : memref<2x1536x8xf32, #tpu.memory_space<vmem>> -> memref<1x1536x8xf32, #tpu.memory_space<vmem>>
      %dma_start3A_286 = tpu.memref_squeeze %dma_start3A_285 : memref<1x1536x8xf32, #tpu.memory_space<vmem>> -> memref<1536x8xf32, #tpu.memory_space<vmem>>
      %dma_start3A_287 = arith.constant 0 : i32
      %dma_start3A_288 = tpu.memref_slice %arg7[%dma_start3A_281, %dma_start3A_287] : memref<2x1536xi32, #tpu.memory_space<vmem>> -> memref<1x1536xi32, #tpu.memory_space<vmem>>
      %dma_start3A_289 = tpu.memref_squeeze %dma_start3A_288 : memref<1x1536xi32, #tpu.memory_space<vmem>> -> memref<1536xi32, #tpu.memory_space<vmem>>
      %dma_start3A_290 = arith.constant 0 : i32
      %dma_start3A_291 = arith.constant 0 : i32
      %dma_start3A_292 = tpu.memref_slice %arg13[%dma_start3A_290, %dma_start3A_291] : memref<100096x8xf32, #tpu.memory_space<vmem_shared>> -> memref<100096x8xf32, #tpu.memory_space<vmem_shared>>
      tpu.enqueue_indirect_dma source(%dma_start3A_292 : memref<100096x8xf32, #tpu.memory_space<vmem_shared>>) target(%dma_start3A_286 : memref<1536x8xf32, #tpu.memory_space<vmem>>) offsets(%dma_start3A_289 : memref<1536xi32, #tpu.memory_space<vmem>>) semaphore(%arg17 : memref<!tpu.dma_semaphore, #tpu.memory_space<semaphore_mem>>)
      %dma_start3A_293 = arith.constant 1 : i32
      %dma_start3A_294 = arith.constant 1 : i32
      %dma_start3A_295 = arith.constant 0 : i32
      %dma_start3A_296 = arith.constant 0 : i32
      %dma_start3A_297 = tpu.memref_slice %arg10[%dma_start3A_294, %dma_start3A_295, %dma_start3A_296] : memref<2x1536x8xf32, #tpu.memory_space<vmem>> -> memref<1x1536x8xf32, #tpu.memory_space<vmem>>
      %dma_start3A_298 = tpu.memref_squeeze %dma_start3A_297 : memref<1x1536x8xf32, #tpu.memory_space<vmem>> -> memref<1536x8xf32, #tpu.memory_space<vmem>>
      %dma_start3A_299 = arith.constant 0 : i32
      %dma_start3A_300 = tpu.memref_slice %arg8[%dma_start3A_293, %dma_start3A_299] : memref<2x1536xi32, #tpu.memory_space<vmem>> -> memref<1x1536xi32, #tpu.memory_space<vmem>>
      %dma_start3A_301 = tpu.memref_squeeze %dma_start3A_300 : memref<1x1536xi32, #tpu.memory_space<vmem>> -> memref<1536xi32, #tpu.memory_space<vmem>>
      %dma_start3A_302 = arith.constant 0 : i32
      %dma_start3A_303 = arith.constant 0 : i32
      %dma_start3A_304 = tpu.memref_slice %arg13[%dma_start3A_302, %dma_start3A_303] : memref<100096x8xf32, #tpu.memory_space<vmem_shared>> -> memref<100096x8xf32, #tpu.memory_space<vmem_shared>>
      tpu.enqueue_indirect_dma source(%dma_start3A_304 : memref<100096x8xf32, #tpu.memory_space<vmem_shared>>) target(%dma_start3A_298 : memref<1536x8xf32, #tpu.memory_space<vmem>>) offsets(%dma_start3A_301 : memref<1536xi32, #tpu.memory_space<vmem>>) semaphore(%arg17 : memref<!tpu.dma_semaphore, #tpu.memory_space<semaphore_mem>>)
      %dma_wait3A_305 = arith.constant 0 : i32
      %dma_wait3A_306 = arith.constant 0 : i32
      %dma_wait3A_307 = arith.constant 0 : i32
      %dma_wait3A_308 = arith.constant 0 : i32
      %dma_wait3A_309 = tpu.memref_slice %arg9[%dma_wait3A_306, %dma_wait3A_307, %dma_wait3A_308] : memref<2x1536x8xf32, #tpu.memory_space<vmem>> -> memref<1x1536x8xf32, #tpu.memory_space<vmem>>
      %dma_wait3A_310 = tpu.memref_squeeze %dma_wait3A_309 : memref<1x1536x8xf32, #tpu.memory_space<vmem>> -> memref<1536x8xf32, #tpu.memory_space<vmem>>
      %dma_wait3A_311 = arith.constant 0 : i32
      %dma_wait3A_312 = tpu.memref_slice %arg7[%dma_wait3A_305, %dma_wait3A_311] : memref<2x1536xi32, #tpu.memory_space<vmem>> -> memref<1x1536xi32, #tpu.memory_space<vmem>>
      %dma_wait3A_313 = tpu.memref_squeeze %dma_wait3A_312 : memref<1x1536xi32, #tpu.memory_space<vmem>> -> memref<1536xi32, #tpu.memory_space<vmem>>
      %dma_wait3A_314 = arith.constant 0 : i32
      %dma_wait3A_315 = arith.constant 0 : i32
      %dma_wait3A_316 = tpu.memref_slice %arg13[%dma_wait3A_314, %dma_wait3A_315] : memref<100096x8xf32, #tpu.memory_space<vmem_shared>> -> memref<100096x8xf32, #tpu.memory_space<vmem_shared>>
      tpu.wait_indirect_dma semaphore(%arg16 : memref<!tpu.dma_semaphore, #tpu.memory_space<semaphore_mem>>) src(%dma_wait3A_316 : memref<100096x8xf32, #tpu.memory_space<vmem_shared>>) dst(%dma_wait3A_310 : memref<1536x8xf32, #tpu.memory_space<vmem>>)
      %dma_wait3A_317 = arith.constant 0 : i32
      %dma_wait3A_318 = arith.constant 0 : i32
      %dma_wait3A_319 = arith.constant 0 : i32
      %dma_wait3A_320 = arith.constant 0 : i32
      %dma_wait3A_321 = tpu.memref_slice %arg10[%dma_wait3A_318, %dma_wait3A_319, %dma_wait3A_320] : memref<2x1536x8xf32, #tpu.memory_space<vmem>> -> memref<1x1536x8xf32, #tpu.memory_space<vmem>>
      %dma_wait3A_322 = tpu.memref_squeeze %dma_wait3A_321 : memref<1x1536x8xf32, #tpu.memory_space<vmem>> -> memref<1536x8xf32, #tpu.memory_space<vmem>>
      %dma_wait3A_323 = arith.constant 0 : i32
      %dma_wait3A_324 = tpu.memref_slice %arg8[%dma_wait3A_317, %dma_wait3A_323] : memref<2x1536xi32, #tpu.memory_space<vmem>> -> memref<1x1536xi32, #tpu.memory_space<vmem>>
      %dma_wait3A_325 = tpu.memref_squeeze %dma_wait3A_324 : memref<1x1536xi32, #tpu.memory_space<vmem>> -> memref<1536xi32, #tpu.memory_space<vmem>>
      %dma_wait3A_326 = arith.constant 0 : i32
      %dma_wait3A_327 = arith.constant 0 : i32
      %dma_wait3A_328 = tpu.memref_slice %arg13[%dma_wait3A_326, %dma_wait3A_327] : memref<100096x8xf32, #tpu.memory_space<vmem_shared>> -> memref<100096x8xf32, #tpu.memory_space<vmem_shared>>
      tpu.wait_indirect_dma semaphore(%arg16 : memref<!tpu.dma_semaphore, #tpu.memory_space<semaphore_mem>>) src(%dma_wait3A_328 : memref<100096x8xf32, #tpu.memory_space<vmem_shared>>) dst(%dma_wait3A_322 : memref<1536x8xf32, #tpu.memory_space<vmem>>)
      %dma_wait3A_329 = arith.constant 0 : i32
      %dma_wait3A_330 = arith.constant 0 : i32
      %dma_wait3A_331 = tpu.memref_slice %arg11[%dma_wait3A_329, %dma_wait3A_330] : memref<2x6144xf32, #tpu.memory_space<vmem>> -> memref<1x6144xf32, #tpu.memory_space<vmem>>
      %dma_wait3A_332 = tpu.memref_squeeze %dma_wait3A_331 : memref<1x6144xf32, #tpu.memory_space<vmem>> -> memref<6144xf32, #tpu.memory_space<vmem>>
      %dma_wait3A_333 = arith.constant 0 : i32
      %dma_wait3A_334 = tpu.memref_slice %arg3[%dma_wait3A_333] : memref<12800000xf32, #tpu.memory_space<hbm>> -> memref<6144xf32, #tpu.memory_space<hbm>>
      %dma_wait3A_335 = arith.constant 0 : i32
      %dma_wait3A_336 = tpu.memref_slice %arg11[%dma_wait3A_329, %dma_wait3A_335] : memref<2x6144xf32, #tpu.memory_space<vmem>> -> memref<1x6144xf32, #tpu.memory_space<vmem>>
      %dma_wait3A_337 = tpu.memref_squeeze %dma_wait3A_336 : memref<1x6144xf32, #tpu.memory_space<vmem>> -> memref<6144xf32, #tpu.memory_space<vmem>>
      %dma_wait3A_338 = arith.constant 0 : i32
      %dma_wait3A_339 = tpu.memref_slice %arg3[%dma_wait3A_338] : memref<12800000xf32, #tpu.memory_space<hbm>> -> memref<6144xf32, #tpu.memory_space<hbm>>
      tpu.wait_dma2 semaphore(%arg18 : memref<!tpu.dma_semaphore, #tpu.memory_space<semaphore_mem>>) src(%dma_wait3A_339 : memref<6144xf32, #tpu.memory_space<hbm>>) dst(%dma_wait3A_337 : memref<6144xf32, #tpu.memory_space<vmem>>)
      %add3A_340 = arith.constant 1 : i32
      %add3A_341 = arith.addi %add3A_236, %add3A_340 : i32
      %lt3A = arith.constant 66 : i32
      %lt3A_342 = arith.cmpi slt, %add3A_341, %lt3A : i32
      %convert_element_type3A_343 = arith.extui %lt3A_342 : i1 to i32
      %cond3A_344 = arith.constant 0 : i32
      %cond3A_345 = arith.cmpi ne, %convert_element_type3A_343, %cond3A_344 : i32
      scf.if %cond3A_345 {
        %add3A_390 = arith.constant 1 : i32
        %add3A_391 = arith.addi %add3A_236, %add3A_390 : i32
        %mul3A_392 = arith.constant 66 : i32
        %mul3A_393 = arith.muli %add3A, %mul3A_392 : i32
        %add3A_394 = arith.addi %mul3A_393, %add3A_391 : i32
        %mul3A_395 = arith.constant 12 : i32
        %mul3A_396 = arith.muli %add3A_394, %mul3A_395 : i32
        %min3A_397 = arith.constant 24988 : i32
        %min3A_398 = arith.minsi %mul3A_396, %min3A_397 : i32
        %mul3A_399 = arith.constant 128 : i32
        %mul3A_400 = arith.muli %min3A_398, %mul3A_399 : i32
        %multiple_of3A_401 = tpu.assume_multiple %mul3A_400, 8 : i32
        %dma_start3A_402 = arith.constant 0 : i32
        %dma_start3A_403 = arith.constant 0 : i32
        %dma_start3A_404 = tpu.memref_slice %arg7[%dma_start3A_402, %dma_start3A_403] : memref<2x1536xi32, #tpu.memory_space<vmem>> -> memref<1x1536xi32, #tpu.memory_space<vmem>>
        %dma_start3A_405 = tpu.memref_squeeze %dma_start3A_404 : memref<1x1536xi32, #tpu.memory_space<vmem>> -> memref<1536xi32, #tpu.memory_space<vmem>>
        %dma_start3A_406 = tpu.memref_slice %arg4[%multiple_of3A_401] : memref<3200000xi32, #tpu.memory_space<hbm>> -> memref<1536xi32, #tpu.memory_space<hbm>>
        %dma_start3A_407 = arith.constant 0 : i32
        %dma_start3A_408 = tpu.memref_slice %arg7[%dma_start3A_402, %dma_start3A_407] : memref<2x1536xi32, #tpu.memory_space<vmem>> -> memref<1x1536xi32, #tpu.memory_space<vmem>>
        %dma_start3A_409 = tpu.memref_squeeze %dma_start3A_408 : memref<1x1536xi32, #tpu.memory_space<vmem>> -> memref<1536xi32, #tpu.memory_space<vmem>>
        %dma_start3A_410 = tpu.memref_slice %arg4[%multiple_of3A_401] : memref<3200000xi32, #tpu.memory_space<hbm>> -> memref<1536xi32, #tpu.memory_space<hbm>>
        tpu.enqueue_dma source(%dma_start3A_410 : memref<1536xi32, #tpu.memory_space<hbm>>) target(%dma_start3A_409 : memref<1536xi32, #tpu.memory_space<vmem>>) target_semaphore(%arg14 : memref<!tpu.dma_semaphore, #tpu.memory_space<semaphore_mem>>)
        %dma_start3A_411 = arith.constant 0 : i32
        %dma_start3A_412 = arith.constant 0 : i32
        %dma_start3A_413 = tpu.memref_slice %arg8[%dma_start3A_411, %dma_start3A_412] : memref<2x1536xi32, #tpu.memory_space<vmem>> -> memref<1x1536xi32, #tpu.memory_space<vmem>>
        %dma_start3A_414 = tpu.memref_squeeze %dma_start3A_413 : memref<1x1536xi32, #tpu.memory_space<vmem>> -> memref<1536xi32, #tpu.memory_space<vmem>>
        %dma_start3A_415 = tpu.memref_slice %arg5[%multiple_of3A_401] : memref<3200000xi32, #tpu.memory_space<hbm>> -> memref<1536xi32, #tpu.memory_space<hbm>>
        %dma_start3A_416 = arith.constant 0 : i32
        %dma_start3A_417 = tpu.memref_slice %arg8[%dma_start3A_411, %dma_start3A_416] : memref<2x1536xi32, #tpu.memory_space<vmem>> -> memref<1x1536xi32, #tpu.memory_space<vmem>>
        %dma_start3A_418 = tpu.memref_squeeze %dma_start3A_417 : memref<1x1536xi32, #tpu.memory_space<vmem>> -> memref<1536xi32, #tpu.memory_space<vmem>>
        %dma_start3A_419 = tpu.memref_slice %arg5[%multiple_of3A_401] : memref<3200000xi32, #tpu.memory_space<hbm>> -> memref<1536xi32, #tpu.memory_space<hbm>>
        tpu.enqueue_dma source(%dma_start3A_419 : memref<1536xi32, #tpu.memory_space<hbm>>) target(%dma_start3A_418 : memref<1536xi32, #tpu.memory_space<vmem>>) target_semaphore(%arg14 : memref<!tpu.dma_semaphore, #tpu.memory_space<semaphore_mem>>)
      } else {
      }
      %ge3A = arith.constant 3 : i32
      %ge3A_346 = arith.cmpi sge, %add3A_236, %ge3A : i32
      %convert_element_type3A_347 = arith.extui %ge3A_346 : i1 to i32
      %cond3A_348 = arith.constant 0 : i32
      %cond3A_349 = arith.cmpi ne, %convert_element_type3A_347, %cond3A_348 : i32
      scf.if %cond3A_349 {
        %dma_wait3A_390 = arith.constant 0 : i32
        %dma_wait3A_391 = arith.constant 0 : i32
        %dma_wait3A_392 = tpu.memref_slice %arg12[%dma_wait3A_390, %dma_wait3A_391] : memref<2x6144xf32, #tpu.memory_space<vmem>> -> memref<1x6144xf32, #tpu.memory_space<vmem>>
        %dma_wait3A_393 = tpu.memref_squeeze %dma_wait3A_392 : memref<1x6144xf32, #tpu.memory_space<vmem>> -> memref<6144xf32, #tpu.memory_space<vmem>>
        %dma_wait3A_394 = arith.constant 0 : i32
        %dma_wait3A_395 = tpu.memref_slice %arg6[%dma_wait3A_394] : memref<12800000xf32, #tpu.memory_space<hbm>> -> memref<6144xf32, #tpu.memory_space<hbm>>
        %dma_wait3A_396 = arith.constant 0 : i32
        %dma_wait3A_397 = tpu.memref_slice %arg6[%dma_wait3A_396] : memref<12800000xf32, #tpu.memory_space<hbm>> -> memref<6144xf32, #tpu.memory_space<hbm>>
        %dma_wait3A_398 = arith.constant 0 : i32
        %dma_wait3A_399 = tpu.memref_slice %arg12[%dma_wait3A_390, %dma_wait3A_398] : memref<2x6144xf32, #tpu.memory_space<vmem>> -> memref<1x6144xf32, #tpu.memory_space<vmem>>
        %dma_wait3A_400 = tpu.memref_squeeze %dma_wait3A_399 : memref<1x6144xf32, #tpu.memory_space<vmem>> -> memref<6144xf32, #tpu.memory_space<vmem>>
        tpu.wait_dma2 semaphore(%arg20 : memref<!tpu.dma_semaphore, #tpu.memory_space<semaphore_mem>>) src(%dma_wait3A_400 : memref<6144xf32, #tpu.memory_space<vmem>>) dst(%dma_wait3A_397 : memref<6144xf32, #tpu.memory_space<hbm>>)
      } else {
      }
      %scan3A_350 = arith.constant 0 : i32
      %scan3A_351 = arith.constant 0 : i32
      %scan3A_352 = arith.constant 0 : i32
      %scan3A_353 = arith.constant 0 : i32
      %scan3A_354 = arith.constant 0 : i32
      %scan3A_355 = arith.constant 0 : i32
      %scan3A_356 = arith.constant 48 : i32
      %scan3A_357 = arith.addi %scan3A_355, %scan3A_356 : i32
      %scan3A_358 = arith.constant 1 : i32
      scf.for %scan3A_390 = %scan3A_355 to %scan3A_357 step %scan3A_358  : i32 {
        %and3A = arith.constant 3 : i32
        %and3A_391 = arith.andi %scan3A_390, %and3A : i32
        %shift_right_logical3A = arith.constant 2 : i32
        %shift_right_logical3A_392 = arith.shrui %scan3A_390, %shift_right_logical3A : i32
        %shift_left3A = arith.constant 7 : i32
        %shift_left3A_393 = arith.shli %shift_right_logical3A_392, %shift_left3A : i32
        %broadcast_in_dim3A = vector.broadcast %and3A_391 : i32 to vector<16xi32>
        %mul3A_394 = arith.constant 128 : i32
        %mul3A_395 = arith.muli %scan3A_390, %mul3A_394 : i32
        %add3A_396 = arith.constant 0 : i32
        %add3A_397 = arith.addi %shift_left3A_393, %add3A_396 : i32
        %broadcast_in_dim3A_398 = vector.broadcast %add3A_397 : i32 to vector<16xi32>
        %add3A_399 = arith.addi %broadcast_in_dim3A_398, %iota3A : vector<16xi32>
        %gather3A = arith.constant 0 : i32
        %gather3A_400 = arith.constant 0 : i32
        %gather3A_401 = tpu.memref_slice %arg9[%scan3A_351, %gather3A, %gather3A_400] : memref<2x1536x8xf32, #tpu.memory_space<vmem>> -> memref<1x1536x8xf32, #tpu.memory_space<vmem>>
        %gather3A_402 = tpu.memref_squeeze %gather3A_401 : memref<1x1536x8xf32, #tpu.memory_space<vmem>> -> memref<1536x8xf32, #tpu.memory_space<vmem>>
        %gather3A_403 = tpu.vector_load_idx %gather3A_402[%add3A_399, %broadcast_in_dim3A] : memref<1536x8xf32, #tpu.memory_space<vmem>>[vector<16xi32>, vector<16xi32>], vector<16xf32>,
        %gather3A_404 = arith.constant 0 : i32
        %gather3A_405 = arith.constant 0 : i32
        %gather3A_406 = tpu.memref_slice %arg10[%scan3A_352, %gather3A_404, %gather3A_405] : memref<2x1536x8xf32, #tpu.memory_space<vmem>> -> memref<1x1536x8xf32, #tpu.memory_space<vmem>>
        %gather3A_407 = tpu.memref_squeeze %gather3A_406 : memref<1x1536x8xf32, #tpu.memory_space<vmem>> -> memref<1536x8xf32, #tpu.memory_space<vmem>>
        %gather3A_408 = tpu.vector_load_idx %gather3A_407[%add3A_399, %broadcast_in_dim3A] : memref<1536x8xf32, #tpu.memory_space<vmem>>[vector<16xi32>, vector<16xi32>], vector<16xf32>,
        %add3A_409 = arith.constant 0 : i32
        %add3A_410 = arith.addi %mul3A_395, %add3A_409 : i32
        %get3A = arith.constant 0 : i32
        %get3A_411 = tpu.memref_slice %arg11[%scan3A_353, %get3A] : memref<2x6144xf32, #tpu.memory_space<vmem>> -> memref<1x6144xf32, #tpu.memory_space<vmem>>
        %get3A_412 = tpu.memref_squeeze %get3A_411 : memref<1x6144xf32, #tpu.memory_space<vmem>> -> memref<6144xf32, #tpu.memory_space<vmem>>
        %get3A_413 = arith.index_cast %add3A_410 : i32 to index
        %get3A_414 = tpu.vector_load %get3A_412[%get3A_413] {strides = array<i32>} : memref<6144xf32, #tpu.memory_space<vmem>>, vector<16xf32>,
        %mul3A_415 = arith.mulf %gather3A_403, %get3A_414 : vector<16xf32>
        %mul3A_416 = arith.mulf %mul3A_415, %gather3A_408 : vector<16xf32>
        %add3A_417 = arith.constant 0 : i32
        %add3A_418 = arith.addi %mul3A_395, %add3A_417 : i32
        %swap3A = arith.constant 0 : i32
        %swap3A_419 = tpu.memref_slice %arg12[%scan3A_354, %swap3A] : memref<2x6144xf32, #tpu.memory_space<vmem>> -> memref<1x6144xf32, #tpu.memory_space<vmem>>
        %swap3A_420 = tpu.memref_squeeze %swap3A_419 : memref<1x6144xf32, #tpu.memory_space<vmem>> -> memref<6144xf32, #tpu.memory_space<vmem>>
        %swap3A_421 = arith.index_cast %add3A_418 : i32 to index
        %swap3A_422 = tpu.vector_load %swap3A_420[%swap3A_421] {strides = array<i32>} : memref<6144xf32, #tpu.memory_space<vmem>>, vector<16xf32>,
        tpu.vector_store %swap3A_420[%swap3A_421], %mul3A_416 {strides = array<i32>} : memref<6144xf32, #tpu.memory_space<vmem>>, vector<16xf32>,
        %add3A_423 = arith.constant 16 : i32
        %add3A_424 = arith.addi %shift_left3A_393, %add3A_423 : i32
        %broadcast_in_dim3A_425 = vector.broadcast %add3A_424 : i32 to vector<16xi32>
        %add3A_426 = arith.addi %broadcast_in_dim3A_425, %iota3A : vector<16xi32>
        %gather3A_427 = arith.constant 0 : i32
        %gather3A_428 = arith.constant 0 : i32
        %gather3A_429 = tpu.memref_slice %arg9[%scan3A_351, %gather3A_427, %gather3A_428] : memref<2x1536x8xf32, #tpu.memory_space<vmem>> -> memref<1x1536x8xf32, #tpu.memory_space<vmem>>
        %gather3A_430 = tpu.memref_squeeze %gather3A_429 : memref<1x1536x8xf32, #tpu.memory_space<vmem>> -> memref<1536x8xf32, #tpu.memory_space<vmem>>
        %gather3A_431 = tpu.vector_load_idx %gather3A_430[%add3A_426, %broadcast_in_dim3A] : memref<1536x8xf32, #tpu.memory_space<vmem>>[vector<16xi32>, vector<16xi32>], vector<16xf32>,
        %gather3A_432 = arith.constant 0 : i32
        %gather3A_433 = arith.constant 0 : i32
        %gather3A_434 = tpu.memref_slice %arg10[%scan3A_352, %gather3A_432, %gather3A_433] : memref<2x1536x8xf32, #tpu.memory_space<vmem>> -> memref<1x1536x8xf32, #tpu.memory_space<vmem>>
        %gather3A_435 = tpu.memref_squeeze %gather3A_434 : memref<1x1536x8xf32, #tpu.memory_space<vmem>> -> memref<1536x8xf32, #tpu.memory_space<vmem>>
        %gather3A_436 = tpu.vector_load_idx %gather3A_435[%add3A_426, %broadcast_in_dim3A] : memref<1536x8xf32, #tpu.memory_space<vmem>>[vector<16xi32>, vector<16xi32>], vector<16xf32>,
        %add3A_437 = arith.constant 16 : i32
        %add3A_438 = arith.addi %mul3A_395, %add3A_437 : i32
        %get3A_439 = arith.constant 0 : i32
        %get3A_440 = tpu.memref_slice %arg11[%scan3A_353, %get3A_439] : memref<2x6144xf32, #tpu.memory_space<vmem>> -> memref<1x6144xf32, #tpu.memory_space<vmem>>
        %get3A_441 = tpu.memref_squeeze %get3A_440 : memref<1x6144xf32, #tpu.memory_space<vmem>> -> memref<6144xf32, #tpu.memory_space<vmem>>
        %get3A_442 = arith.index_cast %add3A_438 : i32 to index
        %get3A_443 = tpu.vector_load %get3A_441[%get3A_442] {strides = array<i32>} : memref<6144xf32, #tpu.memory_space<vmem>>, vector<16xf32>,
        %mul3A_444 = arith.mulf %gather3A_431, %get3A_443 : vector<16xf32>
        %mul3A_445 = arith.mulf %mul3A_444, %gather3A_436 : vector<16xf32>
        %add3A_446 = arith.constant 16 : i32
        %add3A_447 = arith.addi %mul3A_395, %add3A_446 : i32
        %swap3A_448 = arith.constant 0 : i32
        %swap3A_449 = tpu.memref_slice %arg12[%scan3A_354, %swap3A_448] : memref<2x6144xf32, #tpu.memory_space<vmem>> -> memref<1x6144xf32, #tpu.memory_space<vmem>>
        %swap3A_450 = tpu.memref_squeeze %swap3A_449 : memref<1x6144xf32, #tpu.memory_space<vmem>> -> memref<6144xf32, #tpu.memory_space<vmem>>
        %swap3A_451 = arith.index_cast %add3A_447 : i32 to index
        %swap3A_452 = tpu.vector_load %swap3A_450[%swap3A_451] {strides = array<i32>} : memref<6144xf32, #tpu.memory_space<vmem>>, vector<16xf32>,
        tpu.vector_store %swap3A_450[%swap3A_451], %mul3A_445 {strides = array<i32>} : memref<6144xf32, #tpu.memory_space<vmem>>, vector<16xf32>,
        %add3A_453 = arith.constant 32 : i32
        %add3A_454 = arith.addi %shift_left3A_393, %add3A_453 : i32
        %broadcast_in_dim3A_455 = vector.broadcast %add3A_454 : i32 to vector<16xi32>
        %add3A_456 = arith.addi %broadcast_in_dim3A_455, %iota3A : vector<16xi32>
        %gather3A_457 = arith.constant 0 : i32
        %gather3A_458 = arith.constant 0 : i32
        %gather3A_459 = tpu.memref_slice %arg9[%scan3A_351, %gather3A_457, %gather3A_458] : memref<2x1536x8xf32, #tpu.memory_space<vmem>> -> memref<1x1536x8xf32, #tpu.memory_space<vmem>>
        %gather3A_460 = tpu.memref_squeeze %gather3A_459 : memref<1x1536x8xf32, #tpu.memory_space<vmem>> -> memref<1536x8xf32, #tpu.memory_space<vmem>>
        %gather3A_461 = tpu.vector_load_idx %gather3A_460[%add3A_456, %broadcast_in_dim3A] : memref<1536x8xf32, #tpu.memory_space<vmem>>[vector<16xi32>, vector<16xi32>], vector<16xf32>,
        %gather3A_462 = arith.constant 0 : i32
        %gather3A_463 = arith.constant 0 : i32
        %gather3A_464 = tpu.memref_slice %arg10[%scan3A_352, %gather3A_462, %gather3A_463] : memref<2x1536x8xf32, #tpu.memory_space<vmem>> -> memref<1x1536x8xf32, #tpu.memory_space<vmem>>
        %gather3A_465 = tpu.memref_squeeze %gather3A_464 : memref<1x1536x8xf32, #tpu.memory_space<vmem>> -> memref<1536x8xf32, #tpu.memory_space<vmem>>
        %gather3A_466 = tpu.vector_load_idx %gather3A_465[%add3A_456, %broadcast_in_dim3A] : memref<1536x8xf32, #tpu.memory_space<vmem>>[vector<16xi32>, vector<16xi32>], vector<16xf32>,
        %add3A_467 = arith.constant 32 : i32
        %add3A_468 = arith.addi %mul3A_395, %add3A_467 : i32
        %get3A_469 = arith.constant 0 : i32
        %get3A_470 = tpu.memref_slice %arg11[%scan3A_353, %get3A_469] : memref<2x6144xf32, #tpu.memory_space<vmem>> -> memref<1x6144xf32, #tpu.memory_space<vmem>>
        %get3A_471 = tpu.memref_squeeze %get3A_470 : memref<1x6144xf32, #tpu.memory_space<vmem>> -> memref<6144xf32, #tpu.memory_space<vmem>>
        %get3A_472 = arith.index_cast %add3A_468 : i32 to index
        %get3A_473 = tpu.vector_load %get3A_471[%get3A_472] {strides = array<i32>} : memref<6144xf32, #tpu.memory_space<vmem>>, vector<16xf32>,
        %mul3A_474 = arith.mulf %gather3A_461, %get3A_473 : vector<16xf32>
        %mul3A_475 = arith.mulf %mul3A_474, %gather3A_466 : vector<16xf32>
        %add3A_476 = arith.constant 32 : i32
        %add3A_477 = arith.addi %mul3A_395, %add3A_476 : i32
        %swap3A_478 = arith.constant 0 : i32
        %swap3A_479 = tpu.memref_slice %arg12[%scan3A_354, %swap3A_478] : memref<2x6144xf32, #tpu.memory_space<vmem>> -> memref<1x6144xf32, #tpu.memory_space<vmem>>
        %swap3A_480 = tpu.memref_squeeze %swap3A_479 : memref<1x6144xf32, #tpu.memory_space<vmem>> -> memref<6144xf32, #tpu.memory_space<vmem>>
        %swap3A_481 = arith.index_cast %add3A_477 : i32 to index
        %swap3A_482 = tpu.vector_load %swap3A_480[%swap3A_481] {strides = array<i32>} : memref<6144xf32, #tpu.memory_space<vmem>>, vector<16xf32>,
        tpu.vector_store %swap3A_480[%swap3A_481], %mul3A_475 {strides = array<i32>} : memref<6144xf32, #tpu.memory_space<vmem>>, vector<16xf32>,
        %add3A_483 = arith.constant 48 : i32
        %add3A_484 = arith.addi %shift_left3A_393, %add3A_483 : i32
        %broadcast_in_dim3A_485 = vector.broadcast %add3A_484 : i32 to vector<16xi32>
        %add3A_486 = arith.addi %broadcast_in_dim3A_485, %iota3A : vector<16xi32>
        %gather3A_487 = arith.constant 0 : i32
        %gather3A_488 = arith.constant 0 : i32
        %gather3A_489 = tpu.memref_slice %arg9[%scan3A_351, %gather3A_487, %gather3A_488] : memref<2x1536x8xf32, #tpu.memory_space<vmem>> -> memref<1x1536x8xf32, #tpu.memory_space<vmem>>
        %gather3A_490 = tpu.memref_squeeze %gather3A_489 : memref<1x1536x8xf32, #tpu.memory_space<vmem>> -> memref<1536x8xf32, #tpu.memory_space<vmem>>
        %gather3A_491 = tpu.vector_load_idx %gather3A_490[%add3A_486, %broadcast_in_dim3A] : memref<1536x8xf32, #tpu.memory_space<vmem>>[vector<16xi32>, vector<16xi32>], vector<16xf32>,
        %gather3A_492 = arith.constant 0 : i32
        %gather3A_493 = arith.constant 0 : i32
        %gather3A_494 = tpu.memref_slice %arg10[%scan3A_352, %gather3A_492, %gather3A_493] : memref<2x1536x8xf32, #tpu.memory_space<vmem>> -> memref<1x1536x8xf32, #tpu.memory_space<vmem>>
        %gather3A_495 = tpu.memref_squeeze %gather3A_494 : memref<1x1536x8xf32, #tpu.memory_space<vmem>> -> memref<1536x8xf32, #tpu.memory_space<vmem>>
        %gather3A_496 = tpu.vector_load_idx %gather3A_495[%add3A_486, %broadcast_in_dim3A] : memref<1536x8xf32, #tpu.memory_space<vmem>>[vector<16xi32>, vector<16xi32>], vector<16xf32>,
        %add3A_497 = arith.constant 48 : i32
        %add3A_498 = arith.addi %mul3A_395, %add3A_497 : i32
        %get3A_499 = arith.constant 0 : i32
        %get3A_500 = tpu.memref_slice %arg11[%scan3A_353, %get3A_499] : memref<2x6144xf32, #tpu.memory_space<vmem>> -> memref<1x6144xf32, #tpu.memory_space<vmem>>
        %get3A_501 = tpu.memref_squeeze %get3A_500 : memref<1x6144xf32, #tpu.memory_space<vmem>> -> memref<6144xf32, #tpu.memory_space<vmem>>
        %get3A_502 = arith.index_cast %add3A_498 : i32 to index
        %get3A_503 = tpu.vector_load %get3A_501[%get3A_502] {strides = array<i32>} : memref<6144xf32, #tpu.memory_space<vmem>>, vector<16xf32>,
        %mul3A_504 = arith.mulf %gather3A_491, %get3A_503 : vector<16xf32>
        %mul3A_505 = arith.mulf %mul3A_504, %gather3A_496 : vector<16xf32>
        %add3A_506 = arith.constant 48 : i32
        %add3A_507 = arith.addi %mul3A_395, %add3A_506 : i32
        %swap3A_508 = arith.constant 0 : i32
        %swap3A_509 = tpu.memref_slice %arg12[%scan3A_354, %swap3A_508] : memref<2x6144xf32, #tpu.memory_space<vmem>> -> memref<1x6144xf32, #tpu.memory_space<vmem>>
        %swap3A_510 = tpu.memref_squeeze %swap3A_509 : memref<1x6144xf32, #tpu.memory_space<vmem>> -> memref<6144xf32, #tpu.memory_space<vmem>>
        %swap3A_511 = arith.index_cast %add3A_507 : i32 to index
        %swap3A_512 = tpu.vector_load %swap3A_510[%swap3A_511] {strides = array<i32>} : memref<6144xf32, #tpu.memory_space<vmem>>, vector<16xf32>,
        tpu.vector_store %swap3A_510[%swap3A_511], %mul3A_505 {strides = array<i32>} : memref<6144xf32, #tpu.memory_space<vmem>>, vector<16xf32>,
        %add3A_513 = arith.constant 64 : i32
        %add3A_514 = arith.addi %shift_left3A_393, %add3A_513 : i32
        %broadcast_in_dim3A_515 = vector.broadcast %add3A_514 : i32 to vector<16xi32>
        %add3A_516 = arith.addi %broadcast_in_dim3A_515, %iota3A : vector<16xi32>
        %gather3A_517 = arith.constant 0 : i32
        %gather3A_518 = arith.constant 0 : i32
        %gather3A_519 = tpu.memref_slice %arg9[%scan3A_351, %gather3A_517, %gather3A_518] : memref<2x1536x8xf32, #tpu.memory_space<vmem>> -> memref<1x1536x8xf32, #tpu.memory_space<vmem>>
        %gather3A_520 = tpu.memref_squeeze %gather3A_519 : memref<1x1536x8xf32, #tpu.memory_space<vmem>> -> memref<1536x8xf32, #tpu.memory_space<vmem>>
        %gather3A_521 = tpu.vector_load_idx %gather3A_520[%add3A_516, %broadcast_in_dim3A] : memref<1536x8xf32, #tpu.memory_space<vmem>>[vector<16xi32>, vector<16xi32>], vector<16xf32>,
        %gather3A_522 = arith.constant 0 : i32
        %gather3A_523 = arith.constant 0 : i32
        %gather3A_524 = tpu.memref_slice %arg10[%scan3A_352, %gather3A_522, %gather3A_523] : memref<2x1536x8xf32, #tpu.memory_space<vmem>> -> memref<1x1536x8xf32, #tpu.memory_space<vmem>>
        %gather3A_525 = tpu.memref_squeeze %gather3A_524 : memref<1x1536x8xf32, #tpu.memory_space<vmem>> -> memref<1536x8xf32, #tpu.memory_space<vmem>>
        %gather3A_526 = tpu.vector_load_idx %gather3A_525[%add3A_516, %broadcast_in_dim3A] : memref<1536x8xf32, #tpu.memory_space<vmem>>[vector<16xi32>, vector<16xi32>], vector<16xf32>,
        %add3A_527 = arith.constant 64 : i32
        %add3A_528 = arith.addi %mul3A_395, %add3A_527 : i32
        %get3A_529 = arith.constant 0 : i32
        %get3A_530 = tpu.memref_slice %arg11[%scan3A_353, %get3A_529] : memref<2x6144xf32, #tpu.memory_space<vmem>> -> memref<1x6144xf32, #tpu.memory_space<vmem>>
        %get3A_531 = tpu.memref_squeeze %get3A_530 : memref<1x6144xf32, #tpu.memory_space<vmem>> -> memref<6144xf32, #tpu.memory_space<vmem>>
        %get3A_532 = arith.index_cast %add3A_528 : i32 to index
        %get3A_533 = tpu.vector_load %get3A_531[%get3A_532] {strides = array<i32>} : memref<6144xf32, #tpu.memory_space<vmem>>, vector<16xf32>,
        %mul3A_534 = arith.mulf %gather3A_521, %get3A_533 : vector<16xf32>
        %mul3A_535 = arith.mulf %mul3A_534, %gather3A_526 : vector<16xf32>
        %add3A_536 = arith.constant 64 : i32
        %add3A_537 = arith.addi %mul3A_395, %add3A_536 : i32
        %swap3A_538 = arith.constant 0 : i32
        %swap3A_539 = tpu.memref_slice %arg12[%scan3A_354, %swap3A_538] : memref<2x6144xf32, #tpu.memory_space<vmem>> -> memref<1x6144xf32, #tpu.memory_space<vmem>>
        %swap3A_540 = tpu.memref_squeeze %swap3A_539 : memref<1x6144xf32, #tpu.memory_space<vmem>> -> memref<6144xf32, #tpu.memory_space<vmem>>
        %swap3A_541 = arith.index_cast %add3A_537 : i32 to index
        %swap3A_542 = tpu.vector_load %swap3A_540[%swap3A_541] {strides = array<i32>} : memref<6144xf32, #tpu.memory_space<vmem>>, vector<16xf32>,
        tpu.vector_store %swap3A_540[%swap3A_541], %mul3A_535 {strides = array<i32>} : memref<6144xf32, #tpu.memory_space<vmem>>, vector<16xf32>,
        %add3A_543 = arith.constant 80 : i32
        %add3A_544 = arith.addi %shift_left3A_393, %add3A_543 : i32
        %broadcast_in_dim3A_545 = vector.broadcast %add3A_544 : i32 to vector<16xi32>
        %add3A_546 = arith.addi %broadcast_in_dim3A_545, %iota3A : vector<16xi32>
        %gather3A_547 = arith.constant 0 : i32
        %gather3A_548 = arith.constant 0 : i32
        %gather3A_549 = tpu.memref_slice %arg9[%scan3A_351, %gather3A_547, %gather3A_548] : memref<2x1536x8xf32, #tpu.memory_space<vmem>> -> memref<1x1536x8xf32, #tpu.memory_space<vmem>>
        %gather3A_550 = tpu.memref_squeeze %gather3A_549 : memref<1x1536x8xf32, #tpu.memory_space<vmem>> -> memref<1536x8xf32, #tpu.memory_space<vmem>>
        %gather3A_551 = tpu.vector_load_idx %gather3A_550[%add3A_546, %broadcast_in_dim3A] : memref<1536x8xf32, #tpu.memory_space<vmem>>[vector<16xi32>, vector<16xi32>], vector<16xf32>,
        %gather3A_552 = arith.constant 0 : i32
        %gather3A_553 = arith.constant 0 : i32
        %gather3A_554 = tpu.memref_slice %arg10[%scan3A_352, %gather3A_552, %gather3A_553] : memref<2x1536x8xf32, #tpu.memory_space<vmem>> -> memref<1x1536x8xf32, #tpu.memory_space<vmem>>
        %gather3A_555 = tpu.memref_squeeze %gather3A_554 : memref<1x1536x8xf32, #tpu.memory_space<vmem>> -> memref<1536x8xf32, #tpu.memory_space<vmem>>
        %gather3A_556 = tpu.vector_load_idx %gather3A_555[%add3A_546, %broadcast_in_dim3A] : memref<1536x8xf32, #tpu.memory_space<vmem>>[vector<16xi32>, vector<16xi32>], vector<16xf32>,
        %add3A_557 = arith.constant 80 : i32
        %add3A_558 = arith.addi %mul3A_395, %add3A_557 : i32
        %get3A_559 = arith.constant 0 : i32
        %get3A_560 = tpu.memref_slice %arg11[%scan3A_353, %get3A_559] : memref<2x6144xf32, #tpu.memory_space<vmem>> -> memref<1x6144xf32, #tpu.memory_space<vmem>>
        %get3A_561 = tpu.memref_squeeze %get3A_560 : memref<1x6144xf32, #tpu.memory_space<vmem>> -> memref<6144xf32, #tpu.memory_space<vmem>>
        %get3A_562 = arith.index_cast %add3A_558 : i32 to index
        %get3A_563 = tpu.vector_load %get3A_561[%get3A_562] {strides = array<i32>} : memref<6144xf32, #tpu.memory_space<vmem>>, vector<16xf32>,
        %mul3A_564 = arith.mulf %gather3A_551, %get3A_563 : vector<16xf32>
        %mul3A_565 = arith.mulf %mul3A_564, %gather3A_556 : vector<16xf32>
        %add3A_566 = arith.constant 80 : i32
        %add3A_567 = arith.addi %mul3A_395, %add3A_566 : i32
        %swap3A_568 = arith.constant 0 : i32
        %swap3A_569 = tpu.memref_slice %arg12[%scan3A_354, %swap3A_568] : memref<2x6144xf32, #tpu.memory_space<vmem>> -> memref<1x6144xf32, #tpu.memory_space<vmem>>
        %swap3A_570 = tpu.memref_squeeze %swap3A_569 : memref<1x6144xf32, #tpu.memory_space<vmem>> -> memref<6144xf32, #tpu.memory_space<vmem>>
        %swap3A_571 = arith.index_cast %add3A_567 : i32 to index
        %swap3A_572 = tpu.vector_load %swap3A_570[%swap3A_571] {strides = array<i32>} : memref<6144xf32, #tpu.memory_space<vmem>>, vector<16xf32>,
        tpu.vector_store %swap3A_570[%swap3A_571], %mul3A_565 {strides = array<i32>} : memref<6144xf32, #tpu.memory_space<vmem>>, vector<16xf32>,
        %add3A_573 = arith.constant 96 : i32
        %add3A_574 = arith.addi %shift_left3A_393, %add3A_573 : i32
        %broadcast_in_dim3A_575 = vector.broadcast %add3A_574 : i32 to vector<16xi32>
        %add3A_576 = arith.addi %broadcast_in_dim3A_575, %iota3A : vector<16xi32>
        %gather3A_577 = arith.constant 0 : i32
        %gather3A_578 = arith.constant 0 : i32
        %gather3A_579 = tpu.memref_slice %arg9[%scan3A_351, %gather3A_577, %gather3A_578] : memref<2x1536x8xf32, #tpu.memory_space<vmem>> -> memref<1x1536x8xf32, #tpu.memory_space<vmem>>
        %gather3A_580 = tpu.memref_squeeze %gather3A_579 : memref<1x1536x8xf32, #tpu.memory_space<vmem>> -> memref<1536x8xf32, #tpu.memory_space<vmem>>
        %gather3A_581 = tpu.vector_load_idx %gather3A_580[%add3A_576, %broadcast_in_dim3A] : memref<1536x8xf32, #tpu.memory_space<vmem>>[vector<16xi32>, vector<16xi32>], vector<16xf32>,
        %gather3A_582 = arith.constant 0 : i32
        %gather3A_583 = arith.constant 0 : i32
        %gather3A_584 = tpu.memref_slice %arg10[%scan3A_352, %gather3A_582, %gather3A_583] : memref<2x1536x8xf32, #tpu.memory_space<vmem>> -> memref<1x1536x8xf32, #tpu.memory_space<vmem>>
        %gather3A_585 = tpu.memref_squeeze %gather3A_584 : memref<1x1536x8xf32, #tpu.memory_space<vmem>> -> memref<1536x8xf32, #tpu.memory_space<vmem>>
        %gather3A_586 = tpu.vector_load_idx %gather3A_585[%add3A_576, %broadcast_in_dim3A] : memref<1536x8xf32, #tpu.memory_space<vmem>>[vector<16xi32>, vector<16xi32>], vector<16xf32>,
        %add3A_587 = arith.constant 96 : i32
        %add3A_588 = arith.addi %mul3A_395, %add3A_587 : i32
        %get3A_589 = arith.constant 0 : i32
        %get3A_590 = tpu.memref_slice %arg11[%scan3A_353, %get3A_589] : memref<2x6144xf32, #tpu.memory_space<vmem>> -> memref<1x6144xf32, #tpu.memory_space<vmem>>
        %get3A_591 = tpu.memref_squeeze %get3A_590 : memref<1x6144xf32, #tpu.memory_space<vmem>> -> memref<6144xf32, #tpu.memory_space<vmem>>
        %get3A_592 = arith.index_cast %add3A_588 : i32 to index
        %get3A_593 = tpu.vector_load %get3A_591[%get3A_592] {strides = array<i32>} : memref<6144xf32, #tpu.memory_space<vmem>>, vector<16xf32>,
        %mul3A_594 = arith.mulf %gather3A_581, %get3A_593 : vector<16xf32>
        %mul3A_595 = arith.mulf %mul3A_594, %gather3A_586 : vector<16xf32>
        %add3A_596 = arith.constant 96 : i32
        %add3A_597 = arith.addi %mul3A_395, %add3A_596 : i32
        %swap3A_598 = arith.constant 0 : i32
        %swap3A_599 = tpu.memref_slice %arg12[%scan3A_354, %swap3A_598] : memref<2x6144xf32, #tpu.memory_space<vmem>> -> memref<1x6144xf32, #tpu.memory_space<vmem>>
        %swap3A_600 = tpu.memref_squeeze %swap3A_599 : memref<1x6144xf32, #tpu.memory_space<vmem>> -> memref<6144xf32, #tpu.memory_space<vmem>>
        %swap3A_601 = arith.index_cast %add3A_597 : i32 to index
        %swap3A_602 = tpu.vector_load %swap3A_600[%swap3A_601] {strides = array<i32>} : memref<6144xf32, #tpu.memory_space<vmem>>, vector<16xf32>,
        tpu.vector_store %swap3A_600[%swap3A_601], %mul3A_595 {strides = array<i32>} : memref<6144xf32, #tpu.memory_space<vmem>>, vector<16xf32>,
        %add3A_603 = arith.constant 112 : i32
        %add3A_604 = arith.addi %shift_left3A_393, %add3A_603 : i32
        %broadcast_in_dim3A_605 = vector.broadcast %add3A_604 : i32 to vector<16xi32>
        %add3A_606 = arith.addi %broadcast_in_dim3A_605, %iota3A : vector<16xi32>
        %gather3A_607 = arith.constant 0 : i32
        %gather3A_608 = arith.constant 0 : i32
        %gather3A_609 = tpu.memref_slice %arg9[%scan3A_351, %gather3A_607, %gather3A_608] : memref<2x1536x8xf32, #tpu.memory_space<vmem>> -> memref<1x1536x8xf32, #tpu.memory_space<vmem>>
        %gather3A_610 = tpu.memref_squeeze %gather3A_609 : memref<1x1536x8xf32, #tpu.memory_space<vmem>> -> memref<1536x8xf32, #tpu.memory_space<vmem>>
        %gather3A_611 = tpu.vector_load_idx %gather3A_610[%add3A_606, %broadcast_in_dim3A] : memref<1536x8xf32, #tpu.memory_space<vmem>>[vector<16xi32>, vector<16xi32>], vector<16xf32>,
        %gather3A_612 = arith.constant 0 : i32
        %gather3A_613 = arith.constant 0 : i32
        %gather3A_614 = tpu.memref_slice %arg10[%scan3A_352, %gather3A_612, %gather3A_613] : memref<2x1536x8xf32, #tpu.memory_space<vmem>> -> memref<1x1536x8xf32, #tpu.memory_space<vmem>>
        %gather3A_615 = tpu.memref_squeeze %gather3A_614 : memref<1x1536x8xf32, #tpu.memory_space<vmem>> -> memref<1536x8xf32, #tpu.memory_space<vmem>>
        %gather3A_616 = tpu.vector_load_idx %gather3A_615[%add3A_606, %broadcast_in_dim3A] : memref<1536x8xf32, #tpu.memory_space<vmem>>[vector<16xi32>, vector<16xi32>], vector<16xf32>,
        %add3A_617 = arith.constant 112 : i32
        %add3A_618 = arith.addi %mul3A_395, %add3A_617 : i32
        %get3A_619 = arith.constant 0 : i32
        %get3A_620 = tpu.memref_slice %arg11[%scan3A_353, %get3A_619] : memref<2x6144xf32, #tpu.memory_space<vmem>> -> memref<1x6144xf32, #tpu.memory_space<vmem>>
        %get3A_621 = tpu.memref_squeeze %get3A_620 : memref<1x6144xf32, #tpu.memory_space<vmem>> -> memref<6144xf32, #tpu.memory_space<vmem>>
        %get3A_622 = arith.index_cast %add3A_618 : i32 to index
        %get3A_623 = tpu.vector_load %get3A_621[%get3A_622] {strides = array<i32>} : memref<6144xf32, #tpu.memory_space<vmem>>, vector<16xf32>,
        %mul3A_624 = arith.mulf %gather3A_611, %get3A_623 : vector<16xf32>
        %mul3A_625 = arith.mulf %mul3A_624, %gather3A_616 : vector<16xf32>
        %add3A_626 = arith.constant 112 : i32
        %add3A_627 = arith.addi %mul3A_395, %add3A_626 : i32
        %swap3A_628 = arith.constant 0 : i32
        %swap3A_629 = tpu.memref_slice %arg12[%scan3A_354, %swap3A_628] : memref<2x6144xf32, #tpu.memory_space<vmem>> -> memref<1x6144xf32, #tpu.memory_space<vmem>>
        %swap3A_630 = tpu.memref_squeeze %swap3A_629 : memref<1x6144xf32, #tpu.memory_space<vmem>> -> memref<6144xf32, #tpu.memory_space<vmem>>
        %swap3A_631 = arith.index_cast %add3A_627 : i32 to index
        %swap3A_632 = tpu.vector_load %swap3A_630[%swap3A_631] {strides = array<i32>} : memref<6144xf32, #tpu.memory_space<vmem>>, vector<16xf32>,
        tpu.vector_store %swap3A_630[%swap3A_631], %mul3A_625 {strides = array<i32>} : memref<6144xf32, #tpu.memory_space<vmem>>, vector<16xf32>,
      }
      %scan3A_359 = arith.constant 48 : i32
      %sub3A = arith.constant 1 : i32
      %sub3A_360 = arith.subi %add3A_236, %sub3A : i32
      %mul3A_361 = arith.constant 66 : i32
      %mul3A_362 = arith.muli %add3A, %mul3A_361 : i32
      %add3A_363 = arith.addi %mul3A_362, %sub3A_360 : i32
      %mul3A_364 = arith.constant 12 : i32
      %mul3A_365 = arith.muli %add3A_363, %mul3A_364 : i32
      %min3A_366 = arith.constant 24988 : i32
      %min3A_367 = arith.minsi %mul3A_365, %min3A_366 : i32
      %mul3A_368 = arith.constant 128 : i32
      %mul3A_369 = arith.muli %min3A_367, %mul3A_368 : i32
      %multiple_of3A_370 = tpu.assume_multiple %mul3A_369, 8 : i32
      %mul3A_371 = arith.constant 4 : i32
      %mul3A_372 = arith.muli %multiple_of3A_370, %mul3A_371 : i32
      %multiple_of3A_373 = tpu.assume_multiple %mul3A_372, 8 : i32
      %dma_start3A_374 = arith.constant 0 : i32
      %dma_start3A_375 = arith.constant 0 : i32
      %dma_start3A_376 = tpu.memref_slice %arg12[%dma_start3A_374, %dma_start3A_375] : memref<2x6144xf32, #tpu.memory_space<vmem>> -> memref<1x6144xf32, #tpu.memory_space<vmem>>
      %dma_start3A_377 = tpu.memref_squeeze %dma_start3A_376 : memref<1x6144xf32, #tpu.memory_space<vmem>> -> memref<6144xf32, #tpu.memory_space<vmem>>
      %dma_start3A_378 = tpu.memref_slice %arg6[%multiple_of3A_373] : memref<12800000xf32, #tpu.memory_space<hbm>> -> memref<6144xf32, #tpu.memory_space<hbm>>
      %dma_start3A_379 = tpu.memref_slice %arg6[%multiple_of3A_373] : memref<12800000xf32, #tpu.memory_space<hbm>> -> memref<6144xf32, #tpu.memory_space<hbm>>
      %dma_start3A_380 = arith.constant 0 : i32
      %dma_start3A_381 = tpu.memref_slice %arg12[%dma_start3A_374, %dma_start3A_380] : memref<2x6144xf32, #tpu.memory_space<vmem>> -> memref<1x6144xf32, #tpu.memory_space<vmem>>
      %dma_start3A_382 = tpu.memref_squeeze %dma_start3A_381 : memref<1x6144xf32, #tpu.memory_space<vmem>> -> memref<6144xf32, #tpu.memory_space<vmem>>
      tpu.enqueue_dma source(%dma_start3A_382 : memref<6144xf32, #tpu.memory_space<vmem>>) target(%dma_start3A_379 : memref<6144xf32, #tpu.memory_space<hbm>>) target_semaphore(%arg20 : memref<!tpu.dma_semaphore, #tpu.memory_space<semaphore_mem>>)
      %add3A_383 = arith.constant 1 : i32
      %add3A_384 = arith.addi %add3A_236, %add3A_383 : i32
      %lt3A_385 = arith.constant 66 : i32
      %lt3A_386 = arith.cmpi slt, %add3A_384, %lt3A_385 : i32
      %convert_element_type3A_387 = arith.extui %lt3A_386 : i1 to i32
      %cond3A_388 = arith.constant 0 : i32
      %cond3A_389 = arith.cmpi ne, %convert_element_type3A_387, %cond3A_388 : i32
      scf.if %cond3A_389 {
        %add3A_390 = arith.constant 1 : i32
        %add3A_391 = arith.addi %add3A_236, %add3A_390 : i32
        %dma_wait3A_392 = arith.constant 0 : i32
        %dma_wait3A_393 = arith.constant 0 : i32
        %dma_wait3A_394 = tpu.memref_slice %arg7[%dma_wait3A_392, %dma_wait3A_393] : memref<2x1536xi32, #tpu.memory_space<vmem>> -> memref<1x1536xi32, #tpu.memory_space<vmem>>
        %dma_wait3A_395 = tpu.memref_squeeze %dma_wait3A_394 : memref<1x1536xi32, #tpu.memory_space<vmem>> -> memref<1536xi32, #tpu.memory_space<vmem>>
        %dma_wait3A_396 = arith.constant 0 : i32
        %dma_wait3A_397 = tpu.memref_slice %arg4[%dma_wait3A_396] : memref<3200000xi32, #tpu.memory_space<hbm>> -> memref<1536xi32, #tpu.memory_space<hbm>>
        %dma_wait3A_398 = arith.constant 0 : i32
        %dma_wait3A_399 = tpu.memref_slice %arg7[%dma_wait3A_392, %dma_wait3A_398] : memref<2x1536xi32, #tpu.memory_space<vmem>> -> memref<1x1536xi32, #tpu.memory_space<vmem>>
        %dma_wait3A_400 = tpu.memref_squeeze %dma_wait3A_399 : memref<1x1536xi32, #tpu.memory_space<vmem>> -> memref<1536xi32, #tpu.memory_space<vmem>>
        %dma_wait3A_401 = arith.constant 0 : i32
        %dma_wait3A_402 = tpu.memref_slice %arg4[%dma_wait3A_401] : memref<3200000xi32, #tpu.memory_space<hbm>> -> memref<1536xi32, #tpu.memory_space<hbm>>
        tpu.wait_dma2 semaphore(%arg14 : memref<!tpu.dma_semaphore, #tpu.memory_space<semaphore_mem>>) src(%dma_wait3A_402 : memref<1536xi32, #tpu.memory_space<hbm>>) dst(%dma_wait3A_400 : memref<1536xi32, #tpu.memory_space<vmem>>)
        %dma_wait3A_403 = arith.constant 0 : i32
        %dma_wait3A_404 = arith.constant 0 : i32
        %dma_wait3A_405 = tpu.memref_slice %arg8[%dma_wait3A_403, %dma_wait3A_404] : memref<2x1536xi32, #tpu.memory_space<vmem>> -> memref<1x1536xi32, #tpu.memory_space<vmem>>
        %dma_wait3A_406 = tpu.memref_squeeze %dma_wait3A_405 : memref<1x1536xi32, #tpu.memory_space<vmem>> -> memref<1536xi32, #tpu.memory_space<vmem>>
        %dma_wait3A_407 = arith.constant 0 : i32
        %dma_wait3A_408 = tpu.memref_slice %arg5[%dma_wait3A_407] : memref<3200000xi32, #tpu.memory_space<hbm>> -> memref<1536xi32, #tpu.memory_space<hbm>>
        %dma_wait3A_409 = arith.constant 0 : i32
        %dma_wait3A_410 = tpu.memref_slice %arg8[%dma_wait3A_403, %dma_wait3A_409] : memref<2x1536xi32, #tpu.memory_space<vmem>> -> memref<1x1536xi32, #tpu.memory_space<vmem>>
        %dma_wait3A_411 = tpu.memref_squeeze %dma_wait3A_410 : memref<1x1536xi32, #tpu.memory_space<vmem>> -> memref<1536xi32, #tpu.memory_space<vmem>>
        %dma_wait3A_412 = arith.constant 0 : i32
        %dma_wait3A_413 = tpu.memref_slice %arg5[%dma_wait3A_412] : memref<3200000xi32, #tpu.memory_space<hbm>> -> memref<1536xi32, #tpu.memory_space<hbm>>
        tpu.wait_dma2 semaphore(%arg14 : memref<!tpu.dma_semaphore, #tpu.memory_space<semaphore_mem>>) src(%dma_wait3A_413 : memref<1536xi32, #tpu.memory_space<hbm>>) dst(%dma_wait3A_411 : memref<1536xi32, #tpu.memory_space<vmem>>)
        %mul3A_414 = arith.constant 66 : i32
        %mul3A_415 = arith.muli %add3A, %mul3A_414 : i32
        %add3A_416 = arith.addi %mul3A_415, %add3A_391 : i32
        %mul3A_417 = arith.constant 12 : i32
        %mul3A_418 = arith.muli %add3A_416, %mul3A_417 : i32
        %min3A_419 = arith.constant 24988 : i32
        %min3A_420 = arith.minsi %mul3A_418, %min3A_419 : i32
        %mul3A_421 = arith.constant 128 : i32
        %mul3A_422 = arith.muli %min3A_420, %mul3A_421 : i32
        %multiple_of3A_423 = tpu.assume_multiple %mul3A_422, 8 : i32
        %mul3A_424 = arith.constant 4 : i32
        %mul3A_425 = arith.muli %multiple_of3A_423, %mul3A_424 : i32
        %multiple_of3A_426 = tpu.assume_multiple %mul3A_425, 8 : i32
        %dma_start3A_427 = arith.constant 0 : i32
        %dma_start3A_428 = arith.constant 0 : i32
        %dma_start3A_429 = tpu.memref_slice %arg11[%dma_start3A_427, %dma_start3A_428] : memref<2x6144xf32, #tpu.memory_space<vmem>> -> memref<1x6144xf32, #tpu.memory_space<vmem>>
        %dma_start3A_430 = tpu.memref_squeeze %dma_start3A_429 : memref<1x6144xf32, #tpu.memory_space<vmem>> -> memref<6144xf32, #tpu.memory_space<vmem>>
        %dma_start3A_431 = tpu.memref_slice %arg3[%multiple_of3A_426] : memref<12800000xf32, #tpu.memory_space<hbm>> -> memref<6144xf32, #tpu.memory_space<hbm>>
        %dma_start3A_432 = arith.constant 0 : i32
        %dma_start3A_433 = tpu.memref_slice %arg11[%dma_start3A_427, %dma_start3A_432] : memref<2x6144xf32, #tpu.memory_space<vmem>> -> memref<1x6144xf32, #tpu.memory_space<vmem>>
        %dma_start3A_434 = tpu.memref_squeeze %dma_start3A_433 : memref<1x6144xf32, #tpu.memory_space<vmem>> -> memref<6144xf32, #tpu.memory_space<vmem>>
        %dma_start3A_435 = tpu.memref_slice %arg3[%multiple_of3A_426] : memref<12800000xf32, #tpu.memory_space<hbm>> -> memref<6144xf32, #tpu.memory_space<hbm>>
        tpu.enqueue_dma source(%dma_start3A_435 : memref<6144xf32, #tpu.memory_space<hbm>>) target(%dma_start3A_434 : memref<6144xf32, #tpu.memory_space<vmem>>) target_semaphore(%arg18 : memref<!tpu.dma_semaphore, #tpu.memory_space<semaphore_mem>>)
        %dma_start3A_436 = arith.constant 0 : i32
        %dma_start3A_437 = arith.constant 0 : i32
        %dma_start3A_438 = arith.constant 0 : i32
        %dma_start3A_439 = arith.constant 0 : i32
        %dma_start3A_440 = tpu.memref_slice %arg9[%dma_start3A_437, %dma_start3A_438, %dma_start3A_439] : memref<2x1536x8xf32, #tpu.memory_space<vmem>> -> memref<1x1536x8xf32, #tpu.memory_space<vmem>>
        %dma_start3A_441 = tpu.memref_squeeze %dma_start3A_440 : memref<1x1536x8xf32, #tpu.memory_space<vmem>> -> memref<1536x8xf32, #tpu.memory_space<vmem>>
        %dma_start3A_442 = arith.constant 0 : i32
        %dma_start3A_443 = tpu.memref_slice %arg7[%dma_start3A_436, %dma_start3A_442] : memref<2x1536xi32, #tpu.memory_space<vmem>> -> memref<1x1536xi32, #tpu.memory_space<vmem>>
        %dma_start3A_444 = tpu.memref_squeeze %dma_start3A_443 : memref<1x1536xi32, #tpu.memory_space<vmem>> -> memref<1536xi32, #tpu.memory_space<vmem>>
        %dma_start3A_445 = arith.constant 0 : i32
        %dma_start3A_446 = arith.constant 0 : i32
        %dma_start3A_447 = tpu.memref_slice %arg13[%dma_start3A_445, %dma_start3A_446] : memref<100096x8xf32, #tpu.memory_space<vmem_shared>> -> memref<100096x8xf32, #tpu.memory_space<vmem_shared>>
        tpu.enqueue_indirect_dma source(%dma_start3A_447 : memref<100096x8xf32, #tpu.memory_space<vmem_shared>>) target(%dma_start3A_441 : memref<1536x8xf32, #tpu.memory_space<vmem>>) offsets(%dma_start3A_444 : memref<1536xi32, #tpu.memory_space<vmem>>) semaphore(%arg16 : memref<!tpu.dma_semaphore, #tpu.memory_space<semaphore_mem>>)
        %dma_start3A_448 = arith.constant 0 : i32
        %dma_start3A_449 = arith.constant 0 : i32
        %dma_start3A_450 = arith.constant 0 : i32
        %dma_start3A_451 = arith.constant 0 : i32
        %dma_start3A_452 = tpu.memref_slice %arg10[%dma_start3A_449, %dma_start3A_450, %dma_start3A_451] : memref<2x1536x8xf32, #tpu.memory_space<vmem>> -> memref<1x1536x8xf32, #tpu.memory_space<vmem>>
        %dma_start3A_453 = tpu.memref_squeeze %dma_start3A_452 : memref<1x1536x8xf32, #tpu.memory_space<vmem>> -> memref<1536x8xf32, #tpu.memory_space<vmem>>
        %dma_start3A_454 = arith.constant 0 : i32
        %dma_start3A_455 = tpu.memref_slice %arg8[%dma_start3A_448, %dma_start3A_454] : memref<2x1536xi32, #tpu.memory_space<vmem>> -> memref<1x1536xi32, #tpu.memory_space<vmem>>
        %dma_start3A_456 = tpu.memref_squeeze %dma_start3A_455 : memref<1x1536xi32, #tpu.memory_space<vmem>> -> memref<1536xi32, #tpu.memory_space<vmem>>
        %dma_start3A_457 = arith.constant 0 : i32
        %dma_start3A_458 = arith.constant 0 : i32
        %dma_start3A_459 = tpu.memref_slice %arg13[%dma_start3A_457, %dma_start3A_458] : memref<100096x8xf32, #tpu.memory_space<vmem_shared>> -> memref<100096x8xf32, #tpu.memory_space<vmem_shared>>
        tpu.enqueue_indirect_dma source(%dma_start3A_459 : memref<100096x8xf32, #tpu.memory_space<vmem_shared>>) target(%dma_start3A_453 : memref<1536x8xf32, #tpu.memory_space<vmem>>) offsets(%dma_start3A_456 : memref<1536xi32, #tpu.memory_space<vmem>>) semaphore(%arg16 : memref<!tpu.dma_semaphore, #tpu.memory_space<semaphore_mem>>)
        %dma_wait3A_460 = arith.constant 1 : i32
        %dma_wait3A_461 = arith.constant 1 : i32
        %dma_wait3A_462 = arith.constant 0 : i32
        %dma_wait3A_463 = arith.constant 0 : i32
        %dma_wait3A_464 = tpu.memref_slice %arg9[%dma_wait3A_461, %dma_wait3A_462, %dma_wait3A_463] : memref<2x1536x8xf32, #tpu.memory_space<vmem>> -> memref<1x1536x8xf32, #tpu.memory_space<vmem>>
        %dma_wait3A_465 = tpu.memref_squeeze %dma_wait3A_464 : memref<1x1536x8xf32, #tpu.memory_space<vmem>> -> memref<1536x8xf32, #tpu.memory_space<vmem>>
        %dma_wait3A_466 = arith.constant 0 : i32
        %dma_wait3A_467 = tpu.memref_slice %arg7[%dma_wait3A_460, %dma_wait3A_466] : memref<2x1536xi32, #tpu.memory_space<vmem>> -> memref<1x1536xi32, #tpu.memory_space<vmem>>
        %dma_wait3A_468 = tpu.memref_squeeze %dma_wait3A_467 : memref<1x1536xi32, #tpu.memory_space<vmem>> -> memref<1536xi32, #tpu.memory_space<vmem>>
        %dma_wait3A_469 = arith.constant 0 : i32
        %dma_wait3A_470 = arith.constant 0 : i32
        %dma_wait3A_471 = tpu.memref_slice %arg13[%dma_wait3A_469, %dma_wait3A_470] : memref<100096x8xf32, #tpu.memory_space<vmem_shared>> -> memref<100096x8xf32, #tpu.memory_space<vmem_shared>>
        tpu.wait_indirect_dma semaphore(%arg17 : memref<!tpu.dma_semaphore, #tpu.memory_space<semaphore_mem>>) src(%dma_wait3A_471 : memref<100096x8xf32, #tpu.memory_space<vmem_shared>>) dst(%dma_wait3A_465 : memref<1536x8xf32, #tpu.memory_space<vmem>>)
        %dma_wait3A_472 = arith.constant 1 : i32
        %dma_wait3A_473 = arith.constant 1 : i32
        %dma_wait3A_474 = arith.constant 0 : i32
        %dma_wait3A_475 = arith.constant 0 : i32
        %dma_wait3A_476 = tpu.memref_slice %arg10[%dma_wait3A_473, %dma_wait3A_474, %dma_wait3A_475] : memref<2x1536x8xf32, #tpu.memory_space<vmem>> -> memref<1x1536x8xf32, #tpu.memory_space<vmem>>
        %dma_wait3A_477 = tpu.memref_squeeze %dma_wait3A_476 : memref<1x1536x8xf32, #tpu.memory_space<vmem>> -> memref<1536x8xf32, #tpu.memory_space<vmem>>
        %dma_wait3A_478 = arith.constant 0 : i32
        %dma_wait3A_479 = tpu.memref_slice %arg8[%dma_wait3A_472, %dma_wait3A_478] : memref<2x1536xi32, #tpu.memory_space<vmem>> -> memref<1x1536xi32, #tpu.memory_space<vmem>>
        %dma_wait3A_480 = tpu.memref_squeeze %dma_wait3A_479 : memref<1x1536xi32, #tpu.memory_space<vmem>> -> memref<1536xi32, #tpu.memory_space<vmem>>
        %dma_wait3A_481 = arith.constant 0 : i32
        %dma_wait3A_482 = arith.constant 0 : i32
        %dma_wait3A_483 = tpu.memref_slice %arg13[%dma_wait3A_481, %dma_wait3A_482] : memref<100096x8xf32, #tpu.memory_space<vmem_shared>> -> memref<100096x8xf32, #tpu.memory_space<vmem_shared>>
        tpu.wait_indirect_dma semaphore(%arg17 : memref<!tpu.dma_semaphore, #tpu.memory_space<semaphore_mem>>) src(%dma_wait3A_483 : memref<100096x8xf32, #tpu.memory_space<vmem_shared>>) dst(%dma_wait3A_477 : memref<1536x8xf32, #tpu.memory_space<vmem>>)
        %dma_wait3A_484 = arith.constant 1 : i32
        %dma_wait3A_485 = arith.constant 0 : i32
        %dma_wait3A_486 = tpu.memref_slice %arg11[%dma_wait3A_484, %dma_wait3A_485] : memref<2x6144xf32, #tpu.memory_space<vmem>> -> memref<1x6144xf32, #tpu.memory_space<vmem>>
        %dma_wait3A_487 = tpu.memref_squeeze %dma_wait3A_486 : memref<1x6144xf32, #tpu.memory_space<vmem>> -> memref<6144xf32, #tpu.memory_space<vmem>>
        %dma_wait3A_488 = arith.constant 0 : i32
        %dma_wait3A_489 = tpu.memref_slice %arg3[%dma_wait3A_488] : memref<12800000xf32, #tpu.memory_space<hbm>> -> memref<6144xf32, #tpu.memory_space<hbm>>
        %dma_wait3A_490 = arith.constant 0 : i32
        %dma_wait3A_491 = tpu.memref_slice %arg11[%dma_wait3A_484, %dma_wait3A_490] : memref<2x6144xf32, #tpu.memory_space<vmem>> -> memref<1x6144xf32, #tpu.memory_space<vmem>>
        %dma_wait3A_492 = tpu.memref_squeeze %dma_wait3A_491 : memref<1x6144xf32, #tpu.memory_space<vmem>> -> memref<6144xf32, #tpu.memory_space<vmem>>
        %dma_wait3A_493 = arith.constant 0 : i32
        %dma_wait3A_494 = tpu.memref_slice %arg3[%dma_wait3A_493] : memref<12800000xf32, #tpu.memory_space<hbm>> -> memref<6144xf32, #tpu.memory_space<hbm>>
        tpu.wait_dma2 semaphore(%arg19 : memref<!tpu.dma_semaphore, #tpu.memory_space<semaphore_mem>>) src(%dma_wait3A_494 : memref<6144xf32, #tpu.memory_space<hbm>>) dst(%dma_wait3A_492 : memref<6144xf32, #tpu.memory_space<vmem>>)
        %add3A_495 = arith.constant 1 : i32
        %add3A_496 = arith.addi %add3A_391, %add3A_495 : i32
        %lt3A_497 = arith.constant 66 : i32
        %lt3A_498 = arith.cmpi slt, %add3A_496, %lt3A_497 : i32
        %convert_element_type3A_499 = arith.extui %lt3A_498 : i1 to i32
        %cond3A_500 = arith.constant 0 : i32
        %cond3A_501 = arith.cmpi ne, %convert_element_type3A_499, %cond3A_500 : i32
        scf.if %cond3A_501 {
          %add3A_541 = arith.constant 1 : i32
          %add3A_542 = arith.addi %add3A_391, %add3A_541 : i32
          %mul3A_543 = arith.constant 66 : i32
          %mul3A_544 = arith.muli %add3A, %mul3A_543 : i32
          %add3A_545 = arith.addi %mul3A_544, %add3A_542 : i32
          %mul3A_546 = arith.constant 12 : i32
          %mul3A_547 = arith.muli %add3A_545, %mul3A_546 : i32
          %min3A_548 = arith.constant 24988 : i32
          %min3A_549 = arith.minsi %mul3A_547, %min3A_548 : i32
          %mul3A_550 = arith.constant 128 : i32
          %mul3A_551 = arith.muli %min3A_549, %mul3A_550 : i32
          %multiple_of3A_552 = tpu.assume_multiple %mul3A_551, 8 : i32
          %dma_start3A_553 = arith.constant 1 : i32
          %dma_start3A_554 = arith.constant 0 : i32
          %dma_start3A_555 = tpu.memref_slice %arg7[%dma_start3A_553, %dma_start3A_554] : memref<2x1536xi32, #tpu.memory_space<vmem>> -> memref<1x1536xi32, #tpu.memory_space<vmem>>
          %dma_start3A_556 = tpu.memref_squeeze %dma_start3A_555 : memref<1x1536xi32, #tpu.memory_space<vmem>> -> memref<1536xi32, #tpu.memory_space<vmem>>
          %dma_start3A_557 = tpu.memref_slice %arg4[%multiple_of3A_552] : memref<3200000xi32, #tpu.memory_space<hbm>> -> memref<1536xi32, #tpu.memory_space<hbm>>
          %dma_start3A_558 = arith.constant 0 : i32
          %dma_start3A_559 = tpu.memref_slice %arg7[%dma_start3A_553, %dma_start3A_558] : memref<2x1536xi32, #tpu.memory_space<vmem>> -> memref<1x1536xi32, #tpu.memory_space<vmem>>
          %dma_start3A_560 = tpu.memref_squeeze %dma_start3A_559 : memref<1x1536xi32, #tpu.memory_space<vmem>> -> memref<1536xi32, #tpu.memory_space<vmem>>
          %dma_start3A_561 = tpu.memref_slice %arg4[%multiple_of3A_552] : memref<3200000xi32, #tpu.memory_space<hbm>> -> memref<1536xi32, #tpu.memory_space<hbm>>
          tpu.enqueue_dma source(%dma_start3A_561 : memref<1536xi32, #tpu.memory_space<hbm>>) target(%dma_start3A_560 : memref<1536xi32, #tpu.memory_space<vmem>>) target_semaphore(%arg15 : memref<!tpu.dma_semaphore, #tpu.memory_space<semaphore_mem>>)
          %dma_start3A_562 = arith.constant 1 : i32
          %dma_start3A_563 = arith.constant 0 : i32
          %dma_start3A_564 = tpu.memref_slice %arg8[%dma_start3A_562, %dma_start3A_563] : memref<2x1536xi32, #tpu.memory_space<vmem>> -> memref<1x1536xi32, #tpu.memory_space<vmem>>
          %dma_start3A_565 = tpu.memref_squeeze %dma_start3A_564 : memref<1x1536xi32, #tpu.memory_space<vmem>> -> memref<1536xi32, #tpu.memory_space<vmem>>
          %dma_start3A_566 = tpu.memref_slice %arg5[%multiple_of3A_552] : memref<3200000xi32, #tpu.memory_space<hbm>> -> memref<1536xi32, #tpu.memory_space<hbm>>
          %dma_start3A_567 = arith.constant 0 : i32
          %dma_start3A_568 = tpu.memref_slice %arg8[%dma_start3A_562, %dma_start3A_567] : memref<2x1536xi32, #tpu.memory_space<vmem>> -> memref<1x1536xi32, #tpu.memory_space<vmem>>
          %dma_start3A_569 = tpu.memref_squeeze %dma_start3A_568 : memref<1x1536xi32, #tpu.memory_space<vmem>> -> memref<1536xi32, #tpu.memory_space<vmem>>
          %dma_start3A_570 = tpu.memref_slice %arg5[%multiple_of3A_552] : memref<3200000xi32, #tpu.memory_space<hbm>> -> memref<1536xi32, #tpu.memory_space<hbm>>
          tpu.enqueue_dma source(%dma_start3A_570 : memref<1536xi32, #tpu.memory_space<hbm>>) target(%dma_start3A_569 : memref<1536xi32, #tpu.memory_space<vmem>>) target_semaphore(%arg15 : memref<!tpu.dma_semaphore, #tpu.memory_space<semaphore_mem>>)
        } else {
        }
        %ge3A_502 = arith.constant 3 : i32
        %ge3A_503 = arith.cmpi sge, %add3A_391, %ge3A_502 : i32
        %convert_element_type3A_504 = arith.extui %ge3A_503 : i1 to i32
        %cond3A_505 = arith.constant 0 : i32
        %cond3A_506 = arith.cmpi ne, %convert_element_type3A_504, %cond3A_505 : i32
        scf.if %cond3A_506 {
          %dma_wait3A_541 = arith.constant 1 : i32
          %dma_wait3A_542 = arith.constant 0 : i32
          %dma_wait3A_543 = tpu.memref_slice %arg12[%dma_wait3A_541, %dma_wait3A_542] : memref<2x6144xf32, #tpu.memory_space<vmem>> -> memref<1x6144xf32, #tpu.memory_space<vmem>>
          %dma_wait3A_544 = tpu.memref_squeeze %dma_wait3A_543 : memref<1x6144xf32, #tpu.memory_space<vmem>> -> memref<6144xf32, #tpu.memory_space<vmem>>
          %dma_wait3A_545 = arith.constant 0 : i32
          %dma_wait3A_546 = tpu.memref_slice %arg6[%dma_wait3A_545] : memref<12800000xf32, #tpu.memory_space<hbm>> -> memref<6144xf32, #tpu.memory_space<hbm>>
          %dma_wait3A_547 = arith.constant 0 : i32
          %dma_wait3A_548 = tpu.memref_slice %arg6[%dma_wait3A_547] : memref<12800000xf32, #tpu.memory_space<hbm>> -> memref<6144xf32, #tpu.memory_space<hbm>>
          %dma_wait3A_549 = arith.constant 0 : i32
          %dma_wait3A_550 = tpu.memref_slice %arg12[%dma_wait3A_541, %dma_wait3A_549] : memref<2x6144xf32, #tpu.memory_space<vmem>> -> memref<1x6144xf32, #tpu.memory_space<vmem>>
          %dma_wait3A_551 = tpu.memref_squeeze %dma_wait3A_550 : memref<1x6144xf32, #tpu.memory_space<vmem>> -> memref<6144xf32, #tpu.memory_space<vmem>>
          tpu.wait_dma2 semaphore(%arg21 : memref<!tpu.dma_semaphore, #tpu.memory_space<semaphore_mem>>) src(%dma_wait3A_551 : memref<6144xf32, #tpu.memory_space<vmem>>) dst(%dma_wait3A_548 : memref<6144xf32, #tpu.memory_space<hbm>>)
        } else {
        }
        %scan3A_507 = arith.constant 0 : i32
        %scan3A_508 = arith.constant 1 : i32
        %scan3A_509 = arith.constant 1 : i32
        %scan3A_510 = arith.constant 1 : i32
        %scan3A_511 = arith.constant 1 : i32
        %scan3A_512 = arith.constant 0 : i32
        %scan3A_513 = arith.constant 48 : i32
        %scan3A_514 = arith.addi %scan3A_512, %scan3A_513 : i32
        %scan3A_515 = arith.constant 1 : i32
        scf.for %scan3A_541 = %scan3A_512 to %scan3A_514 step %scan3A_515  : i32 {
          %and3A = arith.constant 3 : i32
          %and3A_542 = arith.andi %scan3A_541, %and3A : i32
          %shift_right_logical3A = arith.constant 2 : i32
          %shift_right_logical3A_543 = arith.shrui %scan3A_541, %shift_right_logical3A : i32
          %shift_left3A = arith.constant 7 : i32
          %shift_left3A_544 = arith.shli %shift_right_logical3A_543, %shift_left3A : i32
          %broadcast_in_dim3A = vector.broadcast %and3A_542 : i32 to vector<16xi32>
          %mul3A_545 = arith.constant 128 : i32
          %mul3A_546 = arith.muli %scan3A_541, %mul3A_545 : i32
          %add3A_547 = arith.constant 0 : i32
          %add3A_548 = arith.addi %shift_left3A_544, %add3A_547 : i32
          %broadcast_in_dim3A_549 = vector.broadcast %add3A_548 : i32 to vector<16xi32>
          %add3A_550 = arith.addi %broadcast_in_dim3A_549, %iota3A : vector<16xi32>
          %gather3A = arith.constant 0 : i32
          %gather3A_551 = arith.constant 0 : i32
          %gather3A_552 = tpu.memref_slice %arg9[%scan3A_508, %gather3A, %gather3A_551] : memref<2x1536x8xf32, #tpu.memory_space<vmem>> -> memref<1x1536x8xf32, #tpu.memory_space<vmem>>
          %gather3A_553 = tpu.memref_squeeze %gather3A_552 : memref<1x1536x8xf32, #tpu.memory_space<vmem>> -> memref<1536x8xf32, #tpu.memory_space<vmem>>
          %gather3A_554 = tpu.vector_load_idx %gather3A_553[%add3A_550, %broadcast_in_dim3A] : memref<1536x8xf32, #tpu.memory_space<vmem>>[vector<16xi32>, vector<16xi32>], vector<16xf32>,
          %gather3A_555 = arith.constant 0 : i32
          %gather3A_556 = arith.constant 0 : i32
          %gather3A_557 = tpu.memref_slice %arg10[%scan3A_509, %gather3A_555, %gather3A_556] : memref<2x1536x8xf32, #tpu.memory_space<vmem>> -> memref<1x1536x8xf32, #tpu.memory_space<vmem>>
          %gather3A_558 = tpu.memref_squeeze %gather3A_557 : memref<1x1536x8xf32, #tpu.memory_space<vmem>> -> memref<1536x8xf32, #tpu.memory_space<vmem>>
          %gather3A_559 = tpu.vector_load_idx %gather3A_558[%add3A_550, %broadcast_in_dim3A] : memref<1536x8xf32, #tpu.memory_space<vmem>>[vector<16xi32>, vector<16xi32>], vector<16xf32>,
          %add3A_560 = arith.constant 0 : i32
          %add3A_561 = arith.addi %mul3A_546, %add3A_560 : i32
          %get3A = arith.constant 0 : i32
          %get3A_562 = tpu.memref_slice %arg11[%scan3A_510, %get3A] : memref<2x6144xf32, #tpu.memory_space<vmem>> -> memref<1x6144xf32, #tpu.memory_space<vmem>>
          %get3A_563 = tpu.memref_squeeze %get3A_562 : memref<1x6144xf32, #tpu.memory_space<vmem>> -> memref<6144xf32, #tpu.memory_space<vmem>>
          %get3A_564 = arith.index_cast %add3A_561 : i32 to index
          %get3A_565 = tpu.vector_load %get3A_563[%get3A_564] {strides = array<i32>} : memref<6144xf32, #tpu.memory_space<vmem>>, vector<16xf32>,
          %mul3A_566 = arith.mulf %gather3A_554, %get3A_565 : vector<16xf32>
          %mul3A_567 = arith.mulf %mul3A_566, %gather3A_559 : vector<16xf32>
          %add3A_568 = arith.constant 0 : i32
          %add3A_569 = arith.addi %mul3A_546, %add3A_568 : i32
          %swap3A = arith.constant 0 : i32
          %swap3A_570 = tpu.memref_slice %arg12[%scan3A_511, %swap3A] : memref<2x6144xf32, #tpu.memory_space<vmem>> -> memref<1x6144xf32, #tpu.memory_space<vmem>>
          %swap3A_571 = tpu.memref_squeeze %swap3A_570 : memref<1x6144xf32, #tpu.memory_space<vmem>> -> memref<6144xf32, #tpu.memory_space<vmem>>
          %swap3A_572 = arith.index_cast %add3A_569 : i32 to index
          %swap3A_573 = tpu.vector_load %swap3A_571[%swap3A_572] {strides = array<i32>} : memref<6144xf32, #tpu.memory_space<vmem>>, vector<16xf32>,
          tpu.vector_store %swap3A_571[%swap3A_572], %mul3A_567 {strides = array<i32>} : memref<6144xf32, #tpu.memory_space<vmem>>, vector<16xf32>,
          %add3A_574 = arith.constant 16 : i32
          %add3A_575 = arith.addi %shift_left3A_544, %add3A_574 : i32
          %broadcast_in_dim3A_576 = vector.broadcast %add3A_575 : i32 to vector<16xi32>
          %add3A_577 = arith.addi %broadcast_in_dim3A_576, %iota3A : vector<16xi32>
          %gather3A_578 = arith.constant 0 : i32
          %gather3A_579 = arith.constant 0 : i32
          %gather3A_580 = tpu.memref_slice %arg9[%scan3A_508, %gather3A_578, %gather3A_579] : memref<2x1536x8xf32, #tpu.memory_space<vmem>> -> memref<1x1536x8xf32, #tpu.memory_space<vmem>>
          %gather3A_581 = tpu.memref_squeeze %gather3A_580 : memref<1x1536x8xf32, #tpu.memory_space<vmem>> -> memref<1536x8xf32, #tpu.memory_space<vmem>>
          %gather3A_582 = tpu.vector_load_idx %gather3A_581[%add3A_577, %broadcast_in_dim3A] : memref<1536x8xf32, #tpu.memory_space<vmem>>[vector<16xi32>, vector<16xi32>], vector<16xf32>,
          %gather3A_583 = arith.constant 0 : i32
          %gather3A_584 = arith.constant 0 : i32
          %gather3A_585 = tpu.memref_slice %arg10[%scan3A_509, %gather3A_583, %gather3A_584] : memref<2x1536x8xf32, #tpu.memory_space<vmem>> -> memref<1x1536x8xf32, #tpu.memory_space<vmem>>
          %gather3A_586 = tpu.memref_squeeze %gather3A_585 : memref<1x1536x8xf32, #tpu.memory_space<vmem>> -> memref<1536x8xf32, #tpu.memory_space<vmem>>
          %gather3A_587 = tpu.vector_load_idx %gather3A_586[%add3A_577, %broadcast_in_dim3A] : memref<1536x8xf32, #tpu.memory_space<vmem>>[vector<16xi32>, vector<16xi32>], vector<16xf32>,
          %add3A_588 = arith.constant 16 : i32
          %add3A_589 = arith.addi %mul3A_546, %add3A_588 : i32
          %get3A_590 = arith.constant 0 : i32
          %get3A_591 = tpu.memref_slice %arg11[%scan3A_510, %get3A_590] : memref<2x6144xf32, #tpu.memory_space<vmem>> -> memref<1x6144xf32, #tpu.memory_space<vmem>>
          %get3A_592 = tpu.memref_squeeze %get3A_591 : memref<1x6144xf32, #tpu.memory_space<vmem>> -> memref<6144xf32, #tpu.memory_space<vmem>>
          %get3A_593 = arith.index_cast %add3A_589 : i32 to index
          %get3A_594 = tpu.vector_load %get3A_592[%get3A_593] {strides = array<i32>} : memref<6144xf32, #tpu.memory_space<vmem>>, vector<16xf32>,
          %mul3A_595 = arith.mulf %gather3A_582, %get3A_594 : vector<16xf32>
          %mul3A_596 = arith.mulf %mul3A_595, %gather3A_587 : vector<16xf32>
          %add3A_597 = arith.constant 16 : i32
          %add3A_598 = arith.addi %mul3A_546, %add3A_597 : i32
          %swap3A_599 = arith.constant 0 : i32
          %swap3A_600 = tpu.memref_slice %arg12[%scan3A_511, %swap3A_599] : memref<2x6144xf32, #tpu.memory_space<vmem>> -> memref<1x6144xf32, #tpu.memory_space<vmem>>
          %swap3A_601 = tpu.memref_squeeze %swap3A_600 : memref<1x6144xf32, #tpu.memory_space<vmem>> -> memref<6144xf32, #tpu.memory_space<vmem>>
          %swap3A_602 = arith.index_cast %add3A_598 : i32 to index
          %swap3A_603 = tpu.vector_load %swap3A_601[%swap3A_602] {strides = array<i32>} : memref<6144xf32, #tpu.memory_space<vmem>>, vector<16xf32>,
          tpu.vector_store %swap3A_601[%swap3A_602], %mul3A_596 {strides = array<i32>} : memref<6144xf32, #tpu.memory_space<vmem>>, vector<16xf32>,
          %add3A_604 = arith.constant 32 : i32
          %add3A_605 = arith.addi %shift_left3A_544, %add3A_604 : i32
          %broadcast_in_dim3A_606 = vector.broadcast %add3A_605 : i32 to vector<16xi32>
          %add3A_607 = arith.addi %broadcast_in_dim3A_606, %iota3A : vector<16xi32>
          %gather3A_608 = arith.constant 0 : i32
          %gather3A_609 = arith.constant 0 : i32
          %gather3A_610 = tpu.memref_slice %arg9[%scan3A_508, %gather3A_608, %gather3A_609] : memref<2x1536x8xf32, #tpu.memory_space<vmem>> -> memref<1x1536x8xf32, #tpu.memory_space<vmem>>
          %gather3A_611 = tpu.memref_squeeze %gather3A_610 : memref<1x1536x8xf32, #tpu.memory_space<vmem>> -> memref<1536x8xf32, #tpu.memory_space<vmem>>
          %gather3A_612 = tpu.vector_load_idx %gather3A_611[%add3A_607, %broadcast_in_dim3A] : memref<1536x8xf32, #tpu.memory_space<vmem>>[vector<16xi32>, vector<16xi32>], vector<16xf32>,
          %gather3A_613 = arith.constant 0 : i32
          %gather3A_614 = arith.constant 0 : i32
          %gather3A_615 = tpu.memref_slice %arg10[%scan3A_509, %gather3A_613, %gather3A_614] : memref<2x1536x8xf32, #tpu.memory_space<vmem>> -> memref<1x1536x8xf32, #tpu.memory_space<vmem>>
          %gather3A_616 = tpu.memref_squeeze %gather3A_615 : memref<1x1536x8xf32, #tpu.memory_space<vmem>> -> memref<1536x8xf32, #tpu.memory_space<vmem>>
          %gather3A_617 = tpu.vector_load_idx %gather3A_616[%add3A_607, %broadcast_in_dim3A] : memref<1536x8xf32, #tpu.memory_space<vmem>>[vector<16xi32>, vector<16xi32>], vector<16xf32>,
          %add3A_618 = arith.constant 32 : i32
          %add3A_619 = arith.addi %mul3A_546, %add3A_618 : i32
          %get3A_620 = arith.constant 0 : i32
          %get3A_621 = tpu.memref_slice %arg11[%scan3A_510, %get3A_620] : memref<2x6144xf32, #tpu.memory_space<vmem>> -> memref<1x6144xf32, #tpu.memory_space<vmem>>
          %get3A_622 = tpu.memref_squeeze %get3A_621 : memref<1x6144xf32, #tpu.memory_space<vmem>> -> memref<6144xf32, #tpu.memory_space<vmem>>
          %get3A_623 = arith.index_cast %add3A_619 : i32 to index
          %get3A_624 = tpu.vector_load %get3A_622[%get3A_623] {strides = array<i32>} : memref<6144xf32, #tpu.memory_space<vmem>>, vector<16xf32>,
          %mul3A_625 = arith.mulf %gather3A_612, %get3A_624 : vector<16xf32>
          %mul3A_626 = arith.mulf %mul3A_625, %gather3A_617 : vector<16xf32>
          %add3A_627 = arith.constant 32 : i32
          %add3A_628 = arith.addi %mul3A_546, %add3A_627 : i32
          %swap3A_629 = arith.constant 0 : i32
          %swap3A_630 = tpu.memref_slice %arg12[%scan3A_511, %swap3A_629] : memref<2x6144xf32, #tpu.memory_space<vmem>> -> memref<1x6144xf32, #tpu.memory_space<vmem>>
          %swap3A_631 = tpu.memref_squeeze %swap3A_630 : memref<1x6144xf32, #tpu.memory_space<vmem>> -> memref<6144xf32, #tpu.memory_space<vmem>>
          %swap3A_632 = arith.index_cast %add3A_628 : i32 to index
          %swap3A_633 = tpu.vector_load %swap3A_631[%swap3A_632] {strides = array<i32>} : memref<6144xf32, #tpu.memory_space<vmem>>, vector<16xf32>,
          tpu.vector_store %swap3A_631[%swap3A_632], %mul3A_626 {strides = array<i32>} : memref<6144xf32, #tpu.memory_space<vmem>>, vector<16xf32>,
          %add3A_634 = arith.constant 48 : i32
          %add3A_635 = arith.addi %shift_left3A_544, %add3A_634 : i32
          %broadcast_in_dim3A_636 = vector.broadcast %add3A_635 : i32 to vector<16xi32>
          %add3A_637 = arith.addi %broadcast_in_dim3A_636, %iota3A : vector<16xi32>
          %gather3A_638 = arith.constant 0 : i32
          %gather3A_639 = arith.constant 0 : i32
          %gather3A_640 = tpu.memref_slice %arg9[%scan3A_508, %gather3A_638, %gather3A_639] : memref<2x1536x8xf32, #tpu.memory_space<vmem>> -> memref<1x1536x8xf32, #tpu.memory_space<vmem>>
          %gather3A_641 = tpu.memref_squeeze %gather3A_640 : memref<1x1536x8xf32, #tpu.memory_space<vmem>> -> memref<1536x8xf32, #tpu.memory_space<vmem>>
          %gather3A_642 = tpu.vector_load_idx %gather3A_641[%add3A_637, %broadcast_in_dim3A] : memref<1536x8xf32, #tpu.memory_space<vmem>>[vector<16xi32>, vector<16xi32>], vector<16xf32>,
          %gather3A_643 = arith.constant 0 : i32
          %gather3A_644 = arith.constant 0 : i32
          %gather3A_645 = tpu.memref_slice %arg10[%scan3A_509, %gather3A_643, %gather3A_644] : memref<2x1536x8xf32, #tpu.memory_space<vmem>> -> memref<1x1536x8xf32, #tpu.memory_space<vmem>>
          %gather3A_646 = tpu.memref_squeeze %gather3A_645 : memref<1x1536x8xf32, #tpu.memory_space<vmem>> -> memref<1536x8xf32, #tpu.memory_space<vmem>>
          %gather3A_647 = tpu.vector_load_idx %gather3A_646[%add3A_637, %broadcast_in_dim3A] : memref<1536x8xf32, #tpu.memory_space<vmem>>[vector<16xi32>, vector<16xi32>], vector<16xf32>,
          %add3A_648 = arith.constant 48 : i32
          %add3A_649 = arith.addi %mul3A_546, %add3A_648 : i32
          %get3A_650 = arith.constant 0 : i32
          %get3A_651 = tpu.memref_slice %arg11[%scan3A_510, %get3A_650] : memref<2x6144xf32, #tpu.memory_space<vmem>> -> memref<1x6144xf32, #tpu.memory_space<vmem>>
          %get3A_652 = tpu.memref_squeeze %get3A_651 : memref<1x6144xf32, #tpu.memory_space<vmem>> -> memref<6144xf32, #tpu.memory_space<vmem>>
          %get3A_653 = arith.index_cast %add3A_649 : i32 to index
          %get3A_654 = tpu.vector_load %get3A_652[%get3A_653] {strides = array<i32>} : memref<6144xf32, #tpu.memory_space<vmem>>, vector<16xf32>,
          %mul3A_655 = arith.mulf %gather3A_642, %get3A_654 : vector<16xf32>
          %mul3A_656 = arith.mulf %mul3A_655, %gather3A_647 : vector<16xf32>
          %add3A_657 = arith.constant 48 : i32
          %add3A_658 = arith.addi %mul3A_546, %add3A_657 : i32
          %swap3A_659 = arith.constant 0 : i32
          %swap3A_660 = tpu.memref_slice %arg12[%scan3A_511, %swap3A_659] : memref<2x6144xf32, #tpu.memory_space<vmem>> -> memref<1x6144xf32, #tpu.memory_space<vmem>>
          %swap3A_661 = tpu.memref_squeeze %swap3A_660 : memref<1x6144xf32, #tpu.memory_space<vmem>> -> memref<6144xf32, #tpu.memory_space<vmem>>
          %swap3A_662 = arith.index_cast %add3A_658 : i32 to index
          %swap3A_663 = tpu.vector_load %swap3A_661[%swap3A_662] {strides = array<i32>} : memref<6144xf32, #tpu.memory_space<vmem>>, vector<16xf32>,
          tpu.vector_store %swap3A_661[%swap3A_662], %mul3A_656 {strides = array<i32>} : memref<6144xf32, #tpu.memory_space<vmem>>, vector<16xf32>,
          %add3A_664 = arith.constant 64 : i32
          %add3A_665 = arith.addi %shift_left3A_544, %add3A_664 : i32
          %broadcast_in_dim3A_666 = vector.broadcast %add3A_665 : i32 to vector<16xi32>
          %add3A_667 = arith.addi %broadcast_in_dim3A_666, %iota3A : vector<16xi32>
          %gather3A_668 = arith.constant 0 : i32
          %gather3A_669 = arith.constant 0 : i32
          %gather3A_670 = tpu.memref_slice %arg9[%scan3A_508, %gather3A_668, %gather3A_669] : memref<2x1536x8xf32, #tpu.memory_space<vmem>> -> memref<1x1536x8xf32, #tpu.memory_space<vmem>>
          %gather3A_671 = tpu.memref_squeeze %gather3A_670 : memref<1x1536x8xf32, #tpu.memory_space<vmem>> -> memref<1536x8xf32, #tpu.memory_space<vmem>>
          %gather3A_672 = tpu.vector_load_idx %gather3A_671[%add3A_667, %broadcast_in_dim3A] : memref<1536x8xf32, #tpu.memory_space<vmem>>[vector<16xi32>, vector<16xi32>], vector<16xf32>,
          %gather3A_673 = arith.constant 0 : i32
          %gather3A_674 = arith.constant 0 : i32
          %gather3A_675 = tpu.memref_slice %arg10[%scan3A_509, %gather3A_673, %gather3A_674] : memref<2x1536x8xf32, #tpu.memory_space<vmem>> -> memref<1x1536x8xf32, #tpu.memory_space<vmem>>
          %gather3A_676 = tpu.memref_squeeze %gather3A_675 : memref<1x1536x8xf32, #tpu.memory_space<vmem>> -> memref<1536x8xf32, #tpu.memory_space<vmem>>
          %gather3A_677 = tpu.vector_load_idx %gather3A_676[%add3A_667, %broadcast_in_dim3A] : memref<1536x8xf32, #tpu.memory_space<vmem>>[vector<16xi32>, vector<16xi32>], vector<16xf32>,
          %add3A_678 = arith.constant 64 : i32
          %add3A_679 = arith.addi %mul3A_546, %add3A_678 : i32
          %get3A_680 = arith.constant 0 : i32
          %get3A_681 = tpu.memref_slice %arg11[%scan3A_510, %get3A_680] : memref<2x6144xf32, #tpu.memory_space<vmem>> -> memref<1x6144xf32, #tpu.memory_space<vmem>>
          %get3A_682 = tpu.memref_squeeze %get3A_681 : memref<1x6144xf32, #tpu.memory_space<vmem>> -> memref<6144xf32, #tpu.memory_space<vmem>>
          %get3A_683 = arith.index_cast %add3A_679 : i32 to index
          %get3A_684 = tpu.vector_load %get3A_682[%get3A_683] {strides = array<i32>} : memref<6144xf32, #tpu.memory_space<vmem>>, vector<16xf32>,
          %mul3A_685 = arith.mulf %gather3A_672, %get3A_684 : vector<16xf32>
          %mul3A_686 = arith.mulf %mul3A_685, %gather3A_677 : vector<16xf32>
          %add3A_687 = arith.constant 64 : i32
          %add3A_688 = arith.addi %mul3A_546, %add3A_687 : i32
          %swap3A_689 = arith.constant 0 : i32
          %swap3A_690 = tpu.memref_slice %arg12[%scan3A_511, %swap3A_689] : memref<2x6144xf32, #tpu.memory_space<vmem>> -> memref<1x6144xf32, #tpu.memory_space<vmem>>
          %swap3A_691 = tpu.memref_squeeze %swap3A_690 : memref<1x6144xf32, #tpu.memory_space<vmem>> -> memref<6144xf32, #tpu.memory_space<vmem>>
          %swap3A_692 = arith.index_cast %add3A_688 : i32 to index
          %swap3A_693 = tpu.vector_load %swap3A_691[%swap3A_692] {strides = array<i32>} : memref<6144xf32, #tpu.memory_space<vmem>>, vector<16xf32>,
          tpu.vector_store %swap3A_691[%swap3A_692], %mul3A_686 {strides = array<i32>} : memref<6144xf32, #tpu.memory_space<vmem>>, vector<16xf32>,
          %add3A_694 = arith.constant 80 : i32
          %add3A_695 = arith.addi %shift_left3A_544, %add3A_694 : i32
          %broadcast_in_dim3A_696 = vector.broadcast %add3A_695 : i32 to vector<16xi32>
          %add3A_697 = arith.addi %broadcast_in_dim3A_696, %iota3A : vector<16xi32>
          %gather3A_698 = arith.constant 0 : i32
          %gather3A_699 = arith.constant 0 : i32
          %gather3A_700 = tpu.memref_slice %arg9[%scan3A_508, %gather3A_698, %gather3A_699] : memref<2x1536x8xf32, #tpu.memory_space<vmem>> -> memref<1x1536x8xf32, #tpu.memory_space<vmem>>
          %gather3A_701 = tpu.memref_squeeze %gather3A_700 : memref<1x1536x8xf32, #tpu.memory_space<vmem>> -> memref<1536x8xf32, #tpu.memory_space<vmem>>
          %gather3A_702 = tpu.vector_load_idx %gather3A_701[%add3A_697, %broadcast_in_dim3A] : memref<1536x8xf32, #tpu.memory_space<vmem>>[vector<16xi32>, vector<16xi32>], vector<16xf32>,
          %gather3A_703 = arith.constant 0 : i32
          %gather3A_704 = arith.constant 0 : i32
          %gather3A_705 = tpu.memref_slice %arg10[%scan3A_509, %gather3A_703, %gather3A_704] : memref<2x1536x8xf32, #tpu.memory_space<vmem>> -> memref<1x1536x8xf32, #tpu.memory_space<vmem>>
          %gather3A_706 = tpu.memref_squeeze %gather3A_705 : memref<1x1536x8xf32, #tpu.memory_space<vmem>> -> memref<1536x8xf32, #tpu.memory_space<vmem>>
          %gather3A_707 = tpu.vector_load_idx %gather3A_706[%add3A_697, %broadcast_in_dim3A] : memref<1536x8xf32, #tpu.memory_space<vmem>>[vector<16xi32>, vector<16xi32>], vector<16xf32>,
          %add3A_708 = arith.constant 80 : i32
          %add3A_709 = arith.addi %mul3A_546, %add3A_708 : i32
          %get3A_710 = arith.constant 0 : i32
          %get3A_711 = tpu.memref_slice %arg11[%scan3A_510, %get3A_710] : memref<2x6144xf32, #tpu.memory_space<vmem>> -> memref<1x6144xf32, #tpu.memory_space<vmem>>
          %get3A_712 = tpu.memref_squeeze %get3A_711 : memref<1x6144xf32, #tpu.memory_space<vmem>> -> memref<6144xf32, #tpu.memory_space<vmem>>
          %get3A_713 = arith.index_cast %add3A_709 : i32 to index
          %get3A_714 = tpu.vector_load %get3A_712[%get3A_713] {strides = array<i32>} : memref<6144xf32, #tpu.memory_space<vmem>>, vector<16xf32>,
          %mul3A_715 = arith.mulf %gather3A_702, %get3A_714 : vector<16xf32>
          %mul3A_716 = arith.mulf %mul3A_715, %gather3A_707 : vector<16xf32>
          %add3A_717 = arith.constant 80 : i32
          %add3A_718 = arith.addi %mul3A_546, %add3A_717 : i32
          %swap3A_719 = arith.constant 0 : i32
          %swap3A_720 = tpu.memref_slice %arg12[%scan3A_511, %swap3A_719] : memref<2x6144xf32, #tpu.memory_space<vmem>> -> memref<1x6144xf32, #tpu.memory_space<vmem>>
          %swap3A_721 = tpu.memref_squeeze %swap3A_720 : memref<1x6144xf32, #tpu.memory_space<vmem>> -> memref<6144xf32, #tpu.memory_space<vmem>>
          %swap3A_722 = arith.index_cast %add3A_718 : i32 to index
          %swap3A_723 = tpu.vector_load %swap3A_721[%swap3A_722] {strides = array<i32>} : memref<6144xf32, #tpu.memory_space<vmem>>, vector<16xf32>,
          tpu.vector_store %swap3A_721[%swap3A_722], %mul3A_716 {strides = array<i32>} : memref<6144xf32, #tpu.memory_space<vmem>>, vector<16xf32>,
          %add3A_724 = arith.constant 96 : i32
          %add3A_725 = arith.addi %shift_left3A_544, %add3A_724 : i32
          %broadcast_in_dim3A_726 = vector.broadcast %add3A_725 : i32 to vector<16xi32>
          %add3A_727 = arith.addi %broadcast_in_dim3A_726, %iota3A : vector<16xi32>
          %gather3A_728 = arith.constant 0 : i32
          %gather3A_729 = arith.constant 0 : i32
          %gather3A_730 = tpu.memref_slice %arg9[%scan3A_508, %gather3A_728, %gather3A_729] : memref<2x1536x8xf32, #tpu.memory_space<vmem>> -> memref<1x1536x8xf32, #tpu.memory_space<vmem>>
          %gather3A_731 = tpu.memref_squeeze %gather3A_730 : memref<1x1536x8xf32, #tpu.memory_space<vmem>> -> memref<1536x8xf32, #tpu.memory_space<vmem>>
          %gather3A_732 = tpu.vector_load_idx %gather3A_731[%add3A_727, %broadcast_in_dim3A] : memref<1536x8xf32, #tpu.memory_space<vmem>>[vector<16xi32>, vector<16xi32>], vector<16xf32>,
          %gather3A_733 = arith.constant 0 : i32
          %gather3A_734 = arith.constant 0 : i32
          %gather3A_735 = tpu.memref_slice %arg10[%scan3A_509, %gather3A_733, %gather3A_734] : memref<2x1536x8xf32, #tpu.memory_space<vmem>> -> memref<1x1536x8xf32, #tpu.memory_space<vmem>>
          %gather3A_736 = tpu.memref_squeeze %gather3A_735 : memref<1x1536x8xf32, #tpu.memory_space<vmem>> -> memref<1536x8xf32, #tpu.memory_space<vmem>>
          %gather3A_737 = tpu.vector_load_idx %gather3A_736[%add3A_727, %broadcast_in_dim3A] : memref<1536x8xf32, #tpu.memory_space<vmem>>[vector<16xi32>, vector<16xi32>], vector<16xf32>,
          %add3A_738 = arith.constant 96 : i32
          %add3A_739 = arith.addi %mul3A_546, %add3A_738 : i32
          %get3A_740 = arith.constant 0 : i32
          %get3A_741 = tpu.memref_slice %arg11[%scan3A_510, %get3A_740] : memref<2x6144xf32, #tpu.memory_space<vmem>> -> memref<1x6144xf32, #tpu.memory_space<vmem>>
          %get3A_742 = tpu.memref_squeeze %get3A_741 : memref<1x6144xf32, #tpu.memory_space<vmem>> -> memref<6144xf32, #tpu.memory_space<vmem>>
          %get3A_743 = arith.index_cast %add3A_739 : i32 to index
          %get3A_744 = tpu.vector_load %get3A_742[%get3A_743] {strides = array<i32>} : memref<6144xf32, #tpu.memory_space<vmem>>, vector<16xf32>,
          %mul3A_745 = arith.mulf %gather3A_732, %get3A_744 : vector<16xf32>
          %mul3A_746 = arith.mulf %mul3A_745, %gather3A_737 : vector<16xf32>
          %add3A_747 = arith.constant 96 : i32
          %add3A_748 = arith.addi %mul3A_546, %add3A_747 : i32
          %swap3A_749 = arith.constant 0 : i32
          %swap3A_750 = tpu.memref_slice %arg12[%scan3A_511, %swap3A_749] : memref<2x6144xf32, #tpu.memory_space<vmem>> -> memref<1x6144xf32, #tpu.memory_space<vmem>>
          %swap3A_751 = tpu.memref_squeeze %swap3A_750 : memref<1x6144xf32, #tpu.memory_space<vmem>> -> memref<6144xf32, #tpu.memory_space<vmem>>
          %swap3A_752 = arith.index_cast %add3A_748 : i32 to index
          %swap3A_753 = tpu.vector_load %swap3A_751[%swap3A_752] {strides = array<i32>} : memref<6144xf32, #tpu.memory_space<vmem>>, vector<16xf32>,
          tpu.vector_store %swap3A_751[%swap3A_752], %mul3A_746 {strides = array<i32>} : memref<6144xf32, #tpu.memory_space<vmem>>, vector<16xf32>,
          %add3A_754 = arith.constant 112 : i32
          %add3A_755 = arith.addi %shift_left3A_544, %add3A_754 : i32
          %broadcast_in_dim3A_756 = vector.broadcast %add3A_755 : i32 to vector<16xi32>
          %add3A_757 = arith.addi %broadcast_in_dim3A_756, %iota3A : vector<16xi32>
          %gather3A_758 = arith.constant 0 : i32
          %gather3A_759 = arith.constant 0 : i32
          %gather3A_760 = tpu.memref_slice %arg9[%scan3A_508, %gather3A_758, %gather3A_759] : memref<2x1536x8xf32, #tpu.memory_space<vmem>> -> memref<1x1536x8xf32, #tpu.memory_space<vmem>>
          %gather3A_761 = tpu.memref_squeeze %gather3A_760 : memref<1x1536x8xf32, #tpu.memory_space<vmem>> -> memref<1536x8xf32, #tpu.memory_space<vmem>>
          %gather3A_762 = tpu.vector_load_idx %gather3A_761[%add3A_757, %broadcast_in_dim3A] : memref<1536x8xf32, #tpu.memory_space<vmem>>[vector<16xi32>, vector<16xi32>], vector<16xf32>,
          %gather3A_763 = arith.constant 0 : i32
          %gather3A_764 = arith.constant 0 : i32
          %gather3A_765 = tpu.memref_slice %arg10[%scan3A_509, %gather3A_763, %gather3A_764] : memref<2x1536x8xf32, #tpu.memory_space<vmem>> -> memref<1x1536x8xf32, #tpu.memory_space<vmem>>
          %gather3A_766 = tpu.memref_squeeze %gather3A_765 : memref<1x1536x8xf32, #tpu.memory_space<vmem>> -> memref<1536x8xf32, #tpu.memory_space<vmem>>
          %gather3A_767 = tpu.vector_load_idx %gather3A_766[%add3A_757, %broadcast_in_dim3A] : memref<1536x8xf32, #tpu.memory_space<vmem>>[vector<16xi32>, vector<16xi32>], vector<16xf32>,
          %add3A_768 = arith.constant 112 : i32
          %add3A_769 = arith.addi %mul3A_546, %add3A_768 : i32
          %get3A_770 = arith.constant 0 : i32
          %get3A_771 = tpu.memref_slice %arg11[%scan3A_510, %get3A_770] : memref<2x6144xf32, #tpu.memory_space<vmem>> -> memref<1x6144xf32, #tpu.memory_space<vmem>>
          %get3A_772 = tpu.memref_squeeze %get3A_771 : memref<1x6144xf32, #tpu.memory_space<vmem>> -> memref<6144xf32, #tpu.memory_space<vmem>>
          %get3A_773 = arith.index_cast %add3A_769 : i32 to index
          %get3A_774 = tpu.vector_load %get3A_772[%get3A_773] {strides = array<i32>} : memref<6144xf32, #tpu.memory_space<vmem>>, vector<16xf32>,
          %mul3A_775 = arith.mulf %gather3A_762, %get3A_774 : vector<16xf32>
          %mul3A_776 = arith.mulf %mul3A_775, %gather3A_767 : vector<16xf32>
          %add3A_777 = arith.constant 112 : i32
          %add3A_778 = arith.addi %mul3A_546, %add3A_777 : i32
          %swap3A_779 = arith.constant 0 : i32
          %swap3A_780 = tpu.memref_slice %arg12[%scan3A_511, %swap3A_779] : memref<2x6144xf32, #tpu.memory_space<vmem>> -> memref<1x6144xf32, #tpu.memory_space<vmem>>
          %swap3A_781 = tpu.memref_squeeze %swap3A_780 : memref<1x6144xf32, #tpu.memory_space<vmem>> -> memref<6144xf32, #tpu.memory_space<vmem>>
          %swap3A_782 = arith.index_cast %add3A_778 : i32 to index
          %swap3A_783 = tpu.vector_load %swap3A_781[%swap3A_782] {strides = array<i32>} : memref<6144xf32, #tpu.memory_space<vmem>>, vector<16xf32>,
          tpu.vector_store %swap3A_781[%swap3A_782], %mul3A_776 {strides = array<i32>} : memref<6144xf32, #tpu.memory_space<vmem>>, vector<16xf32>,
        }
        %scan3A_516 = arith.constant 48 : i32
        %sub3A_517 = arith.constant 1 : i32
        %sub3A_518 = arith.subi %add3A_391, %sub3A_517 : i32
        %mul3A_519 = arith.constant 66 : i32
        %mul3A_520 = arith.muli %add3A, %mul3A_519 : i32
        %add3A_521 = arith.addi %mul3A_520, %sub3A_518 : i32
        %mul3A_522 = arith.constant 12 : i32
        %mul3A_523 = arith.muli %add3A_521, %mul3A_522 : i32
        %min3A_524 = arith.constant 24988 : i32
        %min3A_525 = arith.minsi %mul3A_523, %min3A_524 : i32
        %mul3A_526 = arith.constant 128 : i32
        %mul3A_527 = arith.muli %min3A_525, %mul3A_526 : i32
        %multiple_of3A_528 = tpu.assume_multiple %mul3A_527, 8 : i32
        %mul3A_529 = arith.constant 4 : i32
        %mul3A_530 = arith.muli %multiple_of3A_528, %mul3A_529 : i32
        %multiple_of3A_531 = tpu.assume_multiple %mul3A_530, 8 : i32
        %dma_start3A_532 = arith.constant 1 : i32
        %dma_start3A_533 = arith.constant 0 : i32
        %dma_start3A_534 = tpu.memref_slice %arg12[%dma_start3A_532, %dma_start3A_533] : memref<2x6144xf32, #tpu.memory_space<vmem>> -> memref<1x6144xf32, #tpu.memory_space<vmem>>
        %dma_start3A_535 = tpu.memref_squeeze %dma_start3A_534 : memref<1x6144xf32, #tpu.memory_space<vmem>> -> memref<6144xf32, #tpu.memory_space<vmem>>
        %dma_start3A_536 = tpu.memref_slice %arg6[%multiple_of3A_531] : memref<12800000xf32, #tpu.memory_space<hbm>> -> memref<6144xf32, #tpu.memory_space<hbm>>
        %dma_start3A_537 = tpu.memref_slice %arg6[%multiple_of3A_531] : memref<12800000xf32, #tpu.memory_space<hbm>> -> memref<6144xf32, #tpu.memory_space<hbm>>
        %dma_start3A_538 = arith.constant 0 : i32
        %dma_start3A_539 = tpu.memref_slice %arg12[%dma_start3A_532, %dma_start3A_538] : memref<2x6144xf32, #tpu.memory_space<vmem>> -> memref<1x6144xf32, #tpu.memory_space<vmem>>
        %dma_start3A_540 = tpu.memref_squeeze %dma_start3A_539 : memref<1x6144xf32, #tpu.memory_space<vmem>> -> memref<6144xf32, #tpu.memory_space<vmem>>
        tpu.enqueue_dma source(%dma_start3A_540 : memref<6144xf32, #tpu.memory_space<vmem>>) target(%dma_start3A_537 : memref<6144xf32, #tpu.memory_space<hbm>>) target_semaphore(%arg21 : memref<!tpu.dma_semaphore, #tpu.memory_space<semaphore_mem>>)
      } else {
      }
    }
    %scan3A_130 = arith.constant 33 : i32
    %dma_wait3A_131 = arith.constant 1 : i32
    %dma_wait3A_132 = arith.constant 1 : i32
    %dma_wait3A_133 = arith.constant 0 : i32
    %dma_wait3A_134 = arith.constant 0 : i32
    %dma_wait3A_135 = tpu.memref_slice %arg9[%dma_wait3A_132, %dma_wait3A_133, %dma_wait3A_134] : memref<2x1536x8xf32, #tpu.memory_space<vmem>> -> memref<1x1536x8xf32, #tpu.memory_space<vmem>>
    %dma_wait3A_136 = tpu.memref_squeeze %dma_wait3A_135 : memref<1x1536x8xf32, #tpu.memory_space<vmem>> -> memref<1536x8xf32, #tpu.memory_space<vmem>>
    %dma_wait3A_137 = arith.constant 0 : i32
    %dma_wait3A_138 = tpu.memref_slice %arg7[%dma_wait3A_131, %dma_wait3A_137] : memref<2x1536xi32, #tpu.memory_space<vmem>> -> memref<1x1536xi32, #tpu.memory_space<vmem>>
    %dma_wait3A_139 = tpu.memref_squeeze %dma_wait3A_138 : memref<1x1536xi32, #tpu.memory_space<vmem>> -> memref<1536xi32, #tpu.memory_space<vmem>>
    %dma_wait3A_140 = arith.constant 0 : i32
    %dma_wait3A_141 = arith.constant 0 : i32
    %dma_wait3A_142 = tpu.memref_slice %arg13[%dma_wait3A_140, %dma_wait3A_141] : memref<100096x8xf32, #tpu.memory_space<vmem_shared>> -> memref<100096x8xf32, #tpu.memory_space<vmem_shared>>
    tpu.wait_indirect_dma semaphore(%arg17 : memref<!tpu.dma_semaphore, #tpu.memory_space<semaphore_mem>>) src(%dma_wait3A_142 : memref<100096x8xf32, #tpu.memory_space<vmem_shared>>) dst(%dma_wait3A_136 : memref<1536x8xf32, #tpu.memory_space<vmem>>)
    %dma_wait3A_143 = arith.constant 1 : i32
    %dma_wait3A_144 = arith.constant 1 : i32
    %dma_wait3A_145 = arith.constant 0 : i32
    %dma_wait3A_146 = arith.constant 0 : i32
    %dma_wait3A_147 = tpu.memref_slice %arg10[%dma_wait3A_144, %dma_wait3A_145, %dma_wait3A_146] : memref<2x1536x8xf32, #tpu.memory_space<vmem>> -> memref<1x1536x8xf32, #tpu.memory_space<vmem>>
    %dma_wait3A_148 = tpu.memref_squeeze %dma_wait3A_147 : memref<1x1536x8xf32, #tpu.memory_space<vmem>> -> memref<1536x8xf32, #tpu.memory_space<vmem>>
    %dma_wait3A_149 = arith.constant 0 : i32
    %dma_wait3A_150 = tpu.memref_slice %arg8[%dma_wait3A_143, %dma_wait3A_149] : memref<2x1536xi32, #tpu.memory_space<vmem>> -> memref<1x1536xi32, #tpu.memory_space<vmem>>
    %dma_wait3A_151 = tpu.memref_squeeze %dma_wait3A_150 : memref<1x1536xi32, #tpu.memory_space<vmem>> -> memref<1536xi32, #tpu.memory_space<vmem>>
    %dma_wait3A_152 = arith.constant 0 : i32
    %dma_wait3A_153 = arith.constant 0 : i32
    %dma_wait3A_154 = tpu.memref_slice %arg13[%dma_wait3A_152, %dma_wait3A_153] : memref<100096x8xf32, #tpu.memory_space<vmem_shared>> -> memref<100096x8xf32, #tpu.memory_space<vmem_shared>>
    tpu.wait_indirect_dma semaphore(%arg17 : memref<!tpu.dma_semaphore, #tpu.memory_space<semaphore_mem>>) src(%dma_wait3A_154 : memref<100096x8xf32, #tpu.memory_space<vmem_shared>>) dst(%dma_wait3A_148 : memref<1536x8xf32, #tpu.memory_space<vmem>>)
    %dma_wait3A_155 = arith.constant 1 : i32
    %dma_wait3A_156 = arith.constant 0 : i32
    %dma_wait3A_157 = tpu.memref_slice %arg11[%dma_wait3A_155, %dma_wait3A_156] : memref<2x6144xf32, #tpu.memory_space<vmem>> -> memref<1x6144xf32, #tpu.memory_space<vmem>>
    %dma_wait3A_158 = tpu.memref_squeeze %dma_wait3A_157 : memref<1x6144xf32, #tpu.memory_space<vmem>> -> memref<6144xf32, #tpu.memory_space<vmem>>
    %dma_wait3A_159 = arith.constant 0 : i32
    %dma_wait3A_160 = tpu.memref_slice %arg3[%dma_wait3A_159] : memref<12800000xf32, #tpu.memory_space<hbm>> -> memref<6144xf32, #tpu.memory_space<hbm>>
    %dma_wait3A_161 = arith.constant 0 : i32
    %dma_wait3A_162 = tpu.memref_slice %arg11[%dma_wait3A_155, %dma_wait3A_161] : memref<2x6144xf32, #tpu.memory_space<vmem>> -> memref<1x6144xf32, #tpu.memory_space<vmem>>
    %dma_wait3A_163 = tpu.memref_squeeze %dma_wait3A_162 : memref<1x6144xf32, #tpu.memory_space<vmem>> -> memref<6144xf32, #tpu.memory_space<vmem>>
    %dma_wait3A_164 = arith.constant 0 : i32
    %dma_wait3A_165 = tpu.memref_slice %arg3[%dma_wait3A_164] : memref<12800000xf32, #tpu.memory_space<hbm>> -> memref<6144xf32, #tpu.memory_space<hbm>>
    tpu.wait_dma2 semaphore(%arg19 : memref<!tpu.dma_semaphore, #tpu.memory_space<semaphore_mem>>) src(%dma_wait3A_165 : memref<6144xf32, #tpu.memory_space<hbm>>) dst(%dma_wait3A_163 : memref<6144xf32, #tpu.memory_space<vmem>>)
    %dma_wait3A_166 = arith.constant 1 : i32
    %dma_wait3A_167 = arith.constant 0 : i32
    %dma_wait3A_168 = tpu.memref_slice %arg12[%dma_wait3A_166, %dma_wait3A_167] : memref<2x6144xf32, #tpu.memory_space<vmem>> -> memref<1x6144xf32, #tpu.memory_space<vmem>>
    %dma_wait3A_169 = tpu.memref_squeeze %dma_wait3A_168 : memref<1x6144xf32, #tpu.memory_space<vmem>> -> memref<6144xf32, #tpu.memory_space<vmem>>
    %dma_wait3A_170 = arith.constant 0 : i32
    %dma_wait3A_171 = tpu.memref_slice %arg6[%dma_wait3A_170] : memref<12800000xf32, #tpu.memory_space<hbm>> -> memref<6144xf32, #tpu.memory_space<hbm>>
    %dma_wait3A_172 = arith.constant 0 : i32
    %dma_wait3A_173 = tpu.memref_slice %arg6[%dma_wait3A_172] : memref<12800000xf32, #tpu.memory_space<hbm>> -> memref<6144xf32, #tpu.memory_space<hbm>>
    %dma_wait3A_174 = arith.constant 0 : i32
    %dma_wait3A_175 = tpu.memref_slice %arg12[%dma_wait3A_166, %dma_wait3A_174] : memref<2x6144xf32, #tpu.memory_space<vmem>> -> memref<1x6144xf32, #tpu.memory_space<vmem>>
    %dma_wait3A_176 = tpu.memref_squeeze %dma_wait3A_175 : memref<1x6144xf32, #tpu.memory_space<vmem>> -> memref<6144xf32, #tpu.memory_space<vmem>>
    tpu.wait_dma2 semaphore(%arg21 : memref<!tpu.dma_semaphore, #tpu.memory_space<semaphore_mem>>) src(%dma_wait3A_176 : memref<6144xf32, #tpu.memory_space<vmem>>) dst(%dma_wait3A_173 : memref<6144xf32, #tpu.memory_space<hbm>>)
    %scan3A_177 = arith.constant 0 : i32
    %scan3A_178 = arith.constant 1 : i32
    %scan3A_179 = arith.constant 1 : i32
    %scan3A_180 = arith.constant 1 : i32
    %scan3A_181 = arith.constant 1 : i32
    %scan3A_182 = arith.constant 0 : i32
    %scan3A_183 = arith.constant 48 : i32
    %scan3A_184 = arith.addi %scan3A_182, %scan3A_183 : i32
    %scan3A_185 = arith.constant 1 : i32
    scf.for %scan3A_232 = %scan3A_182 to %scan3A_184 step %scan3A_185  : i32 {
      %and3A = arith.constant 3 : i32
      %and3A_233 = arith.andi %scan3A_232, %and3A : i32
      %shift_right_logical3A = arith.constant 2 : i32
      %shift_right_logical3A_234 = arith.shrui %scan3A_232, %shift_right_logical3A : i32
      %shift_left3A = arith.constant 7 : i32
      %shift_left3A_235 = arith.shli %shift_right_logical3A_234, %shift_left3A : i32
      %broadcast_in_dim3A = vector.broadcast %and3A_233 : i32 to vector<16xi32>
      %mul3A_236 = arith.constant 128 : i32
      %mul3A_237 = arith.muli %scan3A_232, %mul3A_236 : i32
      %add3A_238 = arith.constant 0 : i32
      %add3A_239 = arith.addi %shift_left3A_235, %add3A_238 : i32
      %broadcast_in_dim3A_240 = vector.broadcast %add3A_239 : i32 to vector<16xi32>
      %add3A_241 = arith.addi %broadcast_in_dim3A_240, %iota3A : vector<16xi32>
      %gather3A = arith.constant 0 : i32
      %gather3A_242 = arith.constant 0 : i32
      %gather3A_243 = tpu.memref_slice %arg9[%scan3A_178, %gather3A, %gather3A_242] : memref<2x1536x8xf32, #tpu.memory_space<vmem>> -> memref<1x1536x8xf32, #tpu.memory_space<vmem>>
      %gather3A_244 = tpu.memref_squeeze %gather3A_243 : memref<1x1536x8xf32, #tpu.memory_space<vmem>> -> memref<1536x8xf32, #tpu.memory_space<vmem>>
      %gather3A_245 = tpu.vector_load_idx %gather3A_244[%add3A_241, %broadcast_in_dim3A] : memref<1536x8xf32, #tpu.memory_space<vmem>>[vector<16xi32>, vector<16xi32>], vector<16xf32>,
      %gather3A_246 = arith.constant 0 : i32
      %gather3A_247 = arith.constant 0 : i32
      %gather3A_248 = tpu.memref_slice %arg10[%scan3A_179, %gather3A_246, %gather3A_247] : memref<2x1536x8xf32, #tpu.memory_space<vmem>> -> memref<1x1536x8xf32, #tpu.memory_space<vmem>>
      %gather3A_249 = tpu.memref_squeeze %gather3A_248 : memref<1x1536x8xf32, #tpu.memory_space<vmem>> -> memref<1536x8xf32, #tpu.memory_space<vmem>>
      %gather3A_250 = tpu.vector_load_idx %gather3A_249[%add3A_241, %broadcast_in_dim3A] : memref<1536x8xf32, #tpu.memory_space<vmem>>[vector<16xi32>, vector<16xi32>], vector<16xf32>,
      %add3A_251 = arith.constant 0 : i32
      %add3A_252 = arith.addi %mul3A_237, %add3A_251 : i32
      %get3A = arith.constant 0 : i32
      %get3A_253 = tpu.memref_slice %arg11[%scan3A_180, %get3A] : memref<2x6144xf32, #tpu.memory_space<vmem>> -> memref<1x6144xf32, #tpu.memory_space<vmem>>
      %get3A_254 = tpu.memref_squeeze %get3A_253 : memref<1x6144xf32, #tpu.memory_space<vmem>> -> memref<6144xf32, #tpu.memory_space<vmem>>
      %get3A_255 = arith.index_cast %add3A_252 : i32 to index
      %get3A_256 = tpu.vector_load %get3A_254[%get3A_255] {strides = array<i32>} : memref<6144xf32, #tpu.memory_space<vmem>>, vector<16xf32>,
      %mul3A_257 = arith.mulf %gather3A_245, %get3A_256 : vector<16xf32>
      %mul3A_258 = arith.mulf %mul3A_257, %gather3A_250 : vector<16xf32>
      %add3A_259 = arith.constant 0 : i32
      %add3A_260 = arith.addi %mul3A_237, %add3A_259 : i32
      %swap3A = arith.constant 0 : i32
      %swap3A_261 = tpu.memref_slice %arg12[%scan3A_181, %swap3A] : memref<2x6144xf32, #tpu.memory_space<vmem>> -> memref<1x6144xf32, #tpu.memory_space<vmem>>
      %swap3A_262 = tpu.memref_squeeze %swap3A_261 : memref<1x6144xf32, #tpu.memory_space<vmem>> -> memref<6144xf32, #tpu.memory_space<vmem>>
      %swap3A_263 = arith.index_cast %add3A_260 : i32 to index
      %swap3A_264 = tpu.vector_load %swap3A_262[%swap3A_263] {strides = array<i32>} : memref<6144xf32, #tpu.memory_space<vmem>>, vector<16xf32>,
      tpu.vector_store %swap3A_262[%swap3A_263], %mul3A_258 {strides = array<i32>} : memref<6144xf32, #tpu.memory_space<vmem>>, vector<16xf32>,
      %add3A_265 = arith.constant 16 : i32
      %add3A_266 = arith.addi %shift_left3A_235, %add3A_265 : i32
      %broadcast_in_dim3A_267 = vector.broadcast %add3A_266 : i32 to vector<16xi32>
      %add3A_268 = arith.addi %broadcast_in_dim3A_267, %iota3A : vector<16xi32>
      %gather3A_269 = arith.constant 0 : i32
      %gather3A_270 = arith.constant 0 : i32
      %gather3A_271 = tpu.memref_slice %arg9[%scan3A_178, %gather3A_269, %gather3A_270] : memref<2x1536x8xf32, #tpu.memory_space<vmem>> -> memref<1x1536x8xf32, #tpu.memory_space<vmem>>
      %gather3A_272 = tpu.memref_squeeze %gather3A_271 : memref<1x1536x8xf32, #tpu.memory_space<vmem>> -> memref<1536x8xf32, #tpu.memory_space<vmem>>
      %gather3A_273 = tpu.vector_load_idx %gather3A_272[%add3A_268, %broadcast_in_dim3A] : memref<1536x8xf32, #tpu.memory_space<vmem>>[vector<16xi32>, vector<16xi32>], vector<16xf32>,
      %gather3A_274 = arith.constant 0 : i32
      %gather3A_275 = arith.constant 0 : i32
      %gather3A_276 = tpu.memref_slice %arg10[%scan3A_179, %gather3A_274, %gather3A_275] : memref<2x1536x8xf32, #tpu.memory_space<vmem>> -> memref<1x1536x8xf32, #tpu.memory_space<vmem>>
      %gather3A_277 = tpu.memref_squeeze %gather3A_276 : memref<1x1536x8xf32, #tpu.memory_space<vmem>> -> memref<1536x8xf32, #tpu.memory_space<vmem>>
      %gather3A_278 = tpu.vector_load_idx %gather3A_277[%add3A_268, %broadcast_in_dim3A] : memref<1536x8xf32, #tpu.memory_space<vmem>>[vector<16xi32>, vector<16xi32>], vector<16xf32>,
      %add3A_279 = arith.constant 16 : i32
      %add3A_280 = arith.addi %mul3A_237, %add3A_279 : i32
      %get3A_281 = arith.constant 0 : i32
      %get3A_282 = tpu.memref_slice %arg11[%scan3A_180, %get3A_281] : memref<2x6144xf32, #tpu.memory_space<vmem>> -> memref<1x6144xf32, #tpu.memory_space<vmem>>
      %get3A_283 = tpu.memref_squeeze %get3A_282 : memref<1x6144xf32, #tpu.memory_space<vmem>> -> memref<6144xf32, #tpu.memory_space<vmem>>
      %get3A_284 = arith.index_cast %add3A_280 : i32 to index
      %get3A_285 = tpu.vector_load %get3A_283[%get3A_284] {strides = array<i32>} : memref<6144xf32, #tpu.memory_space<vmem>>, vector<16xf32>,
      %mul3A_286 = arith.mulf %gather3A_273, %get3A_285 : vector<16xf32>
      %mul3A_287 = arith.mulf %mul3A_286, %gather3A_278 : vector<16xf32>
      %add3A_288 = arith.constant 16 : i32
      %add3A_289 = arith.addi %mul3A_237, %add3A_288 : i32
      %swap3A_290 = arith.constant 0 : i32
      %swap3A_291 = tpu.memref_slice %arg12[%scan3A_181, %swap3A_290] : memref<2x6144xf32, #tpu.memory_space<vmem>> -> memref<1x6144xf32, #tpu.memory_space<vmem>>
      %swap3A_292 = tpu.memref_squeeze %swap3A_291 : memref<1x6144xf32, #tpu.memory_space<vmem>> -> memref<6144xf32, #tpu.memory_space<vmem>>
      %swap3A_293 = arith.index_cast %add3A_289 : i32 to index
      %swap3A_294 = tpu.vector_load %swap3A_292[%swap3A_293] {strides = array<i32>} : memref<6144xf32, #tpu.memory_space<vmem>>, vector<16xf32>,
      tpu.vector_store %swap3A_292[%swap3A_293], %mul3A_287 {strides = array<i32>} : memref<6144xf32, #tpu.memory_space<vmem>>, vector<16xf32>,
      %add3A_295 = arith.constant 32 : i32
      %add3A_296 = arith.addi %shift_left3A_235, %add3A_295 : i32
      %broadcast_in_dim3A_297 = vector.broadcast %add3A_296 : i32 to vector<16xi32>
      %add3A_298 = arith.addi %broadcast_in_dim3A_297, %iota3A : vector<16xi32>
      %gather3A_299 = arith.constant 0 : i32
      %gather3A_300 = arith.constant 0 : i32
      %gather3A_301 = tpu.memref_slice %arg9[%scan3A_178, %gather3A_299, %gather3A_300] : memref<2x1536x8xf32, #tpu.memory_space<vmem>> -> memref<1x1536x8xf32, #tpu.memory_space<vmem>>
      %gather3A_302 = tpu.memref_squeeze %gather3A_301 : memref<1x1536x8xf32, #tpu.memory_space<vmem>> -> memref<1536x8xf32, #tpu.memory_space<vmem>>
      %gather3A_303 = tpu.vector_load_idx %gather3A_302[%add3A_298, %broadcast_in_dim3A] : memref<1536x8xf32, #tpu.memory_space<vmem>>[vector<16xi32>, vector<16xi32>], vector<16xf32>,
      %gather3A_304 = arith.constant 0 : i32
      %gather3A_305 = arith.constant 0 : i32
      %gather3A_306 = tpu.memref_slice %arg10[%scan3A_179, %gather3A_304, %gather3A_305] : memref<2x1536x8xf32, #tpu.memory_space<vmem>> -> memref<1x1536x8xf32, #tpu.memory_space<vmem>>
      %gather3A_307 = tpu.memref_squeeze %gather3A_306 : memref<1x1536x8xf32, #tpu.memory_space<vmem>> -> memref<1536x8xf32, #tpu.memory_space<vmem>>
      %gather3A_308 = tpu.vector_load_idx %gather3A_307[%add3A_298, %broadcast_in_dim3A] : memref<1536x8xf32, #tpu.memory_space<vmem>>[vector<16xi32>, vector<16xi32>], vector<16xf32>,
      %add3A_309 = arith.constant 32 : i32
      %add3A_310 = arith.addi %mul3A_237, %add3A_309 : i32
      %get3A_311 = arith.constant 0 : i32
      %get3A_312 = tpu.memref_slice %arg11[%scan3A_180, %get3A_311] : memref<2x6144xf32, #tpu.memory_space<vmem>> -> memref<1x6144xf32, #tpu.memory_space<vmem>>
      %get3A_313 = tpu.memref_squeeze %get3A_312 : memref<1x6144xf32, #tpu.memory_space<vmem>> -> memref<6144xf32, #tpu.memory_space<vmem>>
      %get3A_314 = arith.index_cast %add3A_310 : i32 to index
      %get3A_315 = tpu.vector_load %get3A_313[%get3A_314] {strides = array<i32>} : memref<6144xf32, #tpu.memory_space<vmem>>, vector<16xf32>,
      %mul3A_316 = arith.mulf %gather3A_303, %get3A_315 : vector<16xf32>
      %mul3A_317 = arith.mulf %mul3A_316, %gather3A_308 : vector<16xf32>
      %add3A_318 = arith.constant 32 : i32
      %add3A_319 = arith.addi %mul3A_237, %add3A_318 : i32
      %swap3A_320 = arith.constant 0 : i32
      %swap3A_321 = tpu.memref_slice %arg12[%scan3A_181, %swap3A_320] : memref<2x6144xf32, #tpu.memory_space<vmem>> -> memref<1x6144xf32, #tpu.memory_space<vmem>>
      %swap3A_322 = tpu.memref_squeeze %swap3A_321 : memref<1x6144xf32, #tpu.memory_space<vmem>> -> memref<6144xf32, #tpu.memory_space<vmem>>
      %swap3A_323 = arith.index_cast %add3A_319 : i32 to index
      %swap3A_324 = tpu.vector_load %swap3A_322[%swap3A_323] {strides = array<i32>} : memref<6144xf32, #tpu.memory_space<vmem>>, vector<16xf32>,
      tpu.vector_store %swap3A_322[%swap3A_323], %mul3A_317 {strides = array<i32>} : memref<6144xf32, #tpu.memory_space<vmem>>, vector<16xf32>,
      %add3A_325 = arith.constant 48 : i32
      %add3A_326 = arith.addi %shift_left3A_235, %add3A_325 : i32
      %broadcast_in_dim3A_327 = vector.broadcast %add3A_326 : i32 to vector<16xi32>
      %add3A_328 = arith.addi %broadcast_in_dim3A_327, %iota3A : vector<16xi32>
      %gather3A_329 = arith.constant 0 : i32
      %gather3A_330 = arith.constant 0 : i32
      %gather3A_331 = tpu.memref_slice %arg9[%scan3A_178, %gather3A_329, %gather3A_330] : memref<2x1536x8xf32, #tpu.memory_space<vmem>> -> memref<1x1536x8xf32, #tpu.memory_space<vmem>>
      %gather3A_332 = tpu.memref_squeeze %gather3A_331 : memref<1x1536x8xf32, #tpu.memory_space<vmem>> -> memref<1536x8xf32, #tpu.memory_space<vmem>>
      %gather3A_333 = tpu.vector_load_idx %gather3A_332[%add3A_328, %broadcast_in_dim3A] : memref<1536x8xf32, #tpu.memory_space<vmem>>[vector<16xi32>, vector<16xi32>], vector<16xf32>,
      %gather3A_334 = arith.constant 0 : i32
      %gather3A_335 = arith.constant 0 : i32
      %gather3A_336 = tpu.memref_slice %arg10[%scan3A_179, %gather3A_334, %gather3A_335] : memref<2x1536x8xf32, #tpu.memory_space<vmem>> -> memref<1x1536x8xf32, #tpu.memory_space<vmem>>
      %gather3A_337 = tpu.memref_squeeze %gather3A_336 : memref<1x1536x8xf32, #tpu.memory_space<vmem>> -> memref<1536x8xf32, #tpu.memory_space<vmem>>
      %gather3A_338 = tpu.vector_load_idx %gather3A_337[%add3A_328, %broadcast_in_dim3A] : memref<1536x8xf32, #tpu.memory_space<vmem>>[vector<16xi32>, vector<16xi32>], vector<16xf32>,
      %add3A_339 = arith.constant 48 : i32
      %add3A_340 = arith.addi %mul3A_237, %add3A_339 : i32
      %get3A_341 = arith.constant 0 : i32
      %get3A_342 = tpu.memref_slice %arg11[%scan3A_180, %get3A_341] : memref<2x6144xf32, #tpu.memory_space<vmem>> -> memref<1x6144xf32, #tpu.memory_space<vmem>>
      %get3A_343 = tpu.memref_squeeze %get3A_342 : memref<1x6144xf32, #tpu.memory_space<vmem>> -> memref<6144xf32, #tpu.memory_space<vmem>>
      %get3A_344 = arith.index_cast %add3A_340 : i32 to index
      %get3A_345 = tpu.vector_load %get3A_343[%get3A_344] {strides = array<i32>} : memref<6144xf32, #tpu.memory_space<vmem>>, vector<16xf32>,
      %mul3A_346 = arith.mulf %gather3A_333, %get3A_345 : vector<16xf32>
      %mul3A_347 = arith.mulf %mul3A_346, %gather3A_338 : vector<16xf32>
      %add3A_348 = arith.constant 48 : i32
      %add3A_349 = arith.addi %mul3A_237, %add3A_348 : i32
      %swap3A_350 = arith.constant 0 : i32
      %swap3A_351 = tpu.memref_slice %arg12[%scan3A_181, %swap3A_350] : memref<2x6144xf32, #tpu.memory_space<vmem>> -> memref<1x6144xf32, #tpu.memory_space<vmem>>
      %swap3A_352 = tpu.memref_squeeze %swap3A_351 : memref<1x6144xf32, #tpu.memory_space<vmem>> -> memref<6144xf32, #tpu.memory_space<vmem>>
      %swap3A_353 = arith.index_cast %add3A_349 : i32 to index
      %swap3A_354 = tpu.vector_load %swap3A_352[%swap3A_353] {strides = array<i32>} : memref<6144xf32, #tpu.memory_space<vmem>>, vector<16xf32>,
      tpu.vector_store %swap3A_352[%swap3A_353], %mul3A_347 {strides = array<i32>} : memref<6144xf32, #tpu.memory_space<vmem>>, vector<16xf32>,
      %add3A_355 = arith.constant 64 : i32
      %add3A_356 = arith.addi %shift_left3A_235, %add3A_355 : i32
      %broadcast_in_dim3A_357 = vector.broadcast %add3A_356 : i32 to vector<16xi32>
      %add3A_358 = arith.addi %broadcast_in_dim3A_357, %iota3A : vector<16xi32>
      %gather3A_359 = arith.constant 0 : i32
      %gather3A_360 = arith.constant 0 : i32
      %gather3A_361 = tpu.memref_slice %arg9[%scan3A_178, %gather3A_359, %gather3A_360] : memref<2x1536x8xf32, #tpu.memory_space<vmem>> -> memref<1x1536x8xf32, #tpu.memory_space<vmem>>
      %gather3A_362 = tpu.memref_squeeze %gather3A_361 : memref<1x1536x8xf32, #tpu.memory_space<vmem>> -> memref<1536x8xf32, #tpu.memory_space<vmem>>
      %gather3A_363 = tpu.vector_load_idx %gather3A_362[%add3A_358, %broadcast_in_dim3A] : memref<1536x8xf32, #tpu.memory_space<vmem>>[vector<16xi32>, vector<16xi32>], vector<16xf32>,
      %gather3A_364 = arith.constant 0 : i32
      %gather3A_365 = arith.constant 0 : i32
      %gather3A_366 = tpu.memref_slice %arg10[%scan3A_179, %gather3A_364, %gather3A_365] : memref<2x1536x8xf32, #tpu.memory_space<vmem>> -> memref<1x1536x8xf32, #tpu.memory_space<vmem>>
      %gather3A_367 = tpu.memref_squeeze %gather3A_366 : memref<1x1536x8xf32, #tpu.memory_space<vmem>> -> memref<1536x8xf32, #tpu.memory_space<vmem>>
      %gather3A_368 = tpu.vector_load_idx %gather3A_367[%add3A_358, %broadcast_in_dim3A] : memref<1536x8xf32, #tpu.memory_space<vmem>>[vector<16xi32>, vector<16xi32>], vector<16xf32>,
      %add3A_369 = arith.constant 64 : i32
      %add3A_370 = arith.addi %mul3A_237, %add3A_369 : i32
      %get3A_371 = arith.constant 0 : i32
      %get3A_372 = tpu.memref_slice %arg11[%scan3A_180, %get3A_371] : memref<2x6144xf32, #tpu.memory_space<vmem>> -> memref<1x6144xf32, #tpu.memory_space<vmem>>
      %get3A_373 = tpu.memref_squeeze %get3A_372 : memref<1x6144xf32, #tpu.memory_space<vmem>> -> memref<6144xf32, #tpu.memory_space<vmem>>
      %get3A_374 = arith.index_cast %add3A_370 : i32 to index
      %get3A_375 = tpu.vector_load %get3A_373[%get3A_374] {strides = array<i32>} : memref<6144xf32, #tpu.memory_space<vmem>>, vector<16xf32>,
      %mul3A_376 = arith.mulf %gather3A_363, %get3A_375 : vector<16xf32>
      %mul3A_377 = arith.mulf %mul3A_376, %gather3A_368 : vector<16xf32>
      %add3A_378 = arith.constant 64 : i32
      %add3A_379 = arith.addi %mul3A_237, %add3A_378 : i32
      %swap3A_380 = arith.constant 0 : i32
      %swap3A_381 = tpu.memref_slice %arg12[%scan3A_181, %swap3A_380] : memref<2x6144xf32, #tpu.memory_space<vmem>> -> memref<1x6144xf32, #tpu.memory_space<vmem>>
      %swap3A_382 = tpu.memref_squeeze %swap3A_381 : memref<1x6144xf32, #tpu.memory_space<vmem>> -> memref<6144xf32, #tpu.memory_space<vmem>>
      %swap3A_383 = arith.index_cast %add3A_379 : i32 to index
      %swap3A_384 = tpu.vector_load %swap3A_382[%swap3A_383] {strides = array<i32>} : memref<6144xf32, #tpu.memory_space<vmem>>, vector<16xf32>,
      tpu.vector_store %swap3A_382[%swap3A_383], %mul3A_377 {strides = array<i32>} : memref<6144xf32, #tpu.memory_space<vmem>>, vector<16xf32>,
      %add3A_385 = arith.constant 80 : i32
      %add3A_386 = arith.addi %shift_left3A_235, %add3A_385 : i32
      %broadcast_in_dim3A_387 = vector.broadcast %add3A_386 : i32 to vector<16xi32>
      %add3A_388 = arith.addi %broadcast_in_dim3A_387, %iota3A : vector<16xi32>
      %gather3A_389 = arith.constant 0 : i32
      %gather3A_390 = arith.constant 0 : i32
      %gather3A_391 = tpu.memref_slice %arg9[%scan3A_178, %gather3A_389, %gather3A_390] : memref<2x1536x8xf32, #tpu.memory_space<vmem>> -> memref<1x1536x8xf32, #tpu.memory_space<vmem>>
      %gather3A_392 = tpu.memref_squeeze %gather3A_391 : memref<1x1536x8xf32, #tpu.memory_space<vmem>> -> memref<1536x8xf32, #tpu.memory_space<vmem>>
      %gather3A_393 = tpu.vector_load_idx %gather3A_392[%add3A_388, %broadcast_in_dim3A] : memref<1536x8xf32, #tpu.memory_space<vmem>>[vector<16xi32>, vector<16xi32>], vector<16xf32>,
      %gather3A_394 = arith.constant 0 : i32
      %gather3A_395 = arith.constant 0 : i32
      %gather3A_396 = tpu.memref_slice %arg10[%scan3A_179, %gather3A_394, %gather3A_395] : memref<2x1536x8xf32, #tpu.memory_space<vmem>> -> memref<1x1536x8xf32, #tpu.memory_space<vmem>>
      %gather3A_397 = tpu.memref_squeeze %gather3A_396 : memref<1x1536x8xf32, #tpu.memory_space<vmem>> -> memref<1536x8xf32, #tpu.memory_space<vmem>>
      %gather3A_398 = tpu.vector_load_idx %gather3A_397[%add3A_388, %broadcast_in_dim3A] : memref<1536x8xf32, #tpu.memory_space<vmem>>[vector<16xi32>, vector<16xi32>], vector<16xf32>,
      %add3A_399 = arith.constant 80 : i32
      %add3A_400 = arith.addi %mul3A_237, %add3A_399 : i32
      %get3A_401 = arith.constant 0 : i32
      %get3A_402 = tpu.memref_slice %arg11[%scan3A_180, %get3A_401] : memref<2x6144xf32, #tpu.memory_space<vmem>> -> memref<1x6144xf32, #tpu.memory_space<vmem>>
      %get3A_403 = tpu.memref_squeeze %get3A_402 : memref<1x6144xf32, #tpu.memory_space<vmem>> -> memref<6144xf32, #tpu.memory_space<vmem>>
      %get3A_404 = arith.index_cast %add3A_400 : i32 to index
      %get3A_405 = tpu.vector_load %get3A_403[%get3A_404] {strides = array<i32>} : memref<6144xf32, #tpu.memory_space<vmem>>, vector<16xf32>,
      %mul3A_406 = arith.mulf %gather3A_393, %get3A_405 : vector<16xf32>
      %mul3A_407 = arith.mulf %mul3A_406, %gather3A_398 : vector<16xf32>
      %add3A_408 = arith.constant 80 : i32
      %add3A_409 = arith.addi %mul3A_237, %add3A_408 : i32
      %swap3A_410 = arith.constant 0 : i32
      %swap3A_411 = tpu.memref_slice %arg12[%scan3A_181, %swap3A_410] : memref<2x6144xf32, #tpu.memory_space<vmem>> -> memref<1x6144xf32, #tpu.memory_space<vmem>>
      %swap3A_412 = tpu.memref_squeeze %swap3A_411 : memref<1x6144xf32, #tpu.memory_space<vmem>> -> memref<6144xf32, #tpu.memory_space<vmem>>
      %swap3A_413 = arith.index_cast %add3A_409 : i32 to index
      %swap3A_414 = tpu.vector_load %swap3A_412[%swap3A_413] {strides = array<i32>} : memref<6144xf32, #tpu.memory_space<vmem>>, vector<16xf32>,
      tpu.vector_store %swap3A_412[%swap3A_413], %mul3A_407 {strides = array<i32>} : memref<6144xf32, #tpu.memory_space<vmem>>, vector<16xf32>,
      %add3A_415 = arith.constant 96 : i32
      %add3A_416 = arith.addi %shift_left3A_235, %add3A_415 : i32
      %broadcast_in_dim3A_417 = vector.broadcast %add3A_416 : i32 to vector<16xi32>
      %add3A_418 = arith.addi %broadcast_in_dim3A_417, %iota3A : vector<16xi32>
      %gather3A_419 = arith.constant 0 : i32
      %gather3A_420 = arith.constant 0 : i32
      %gather3A_421 = tpu.memref_slice %arg9[%scan3A_178, %gather3A_419, %gather3A_420] : memref<2x1536x8xf32, #tpu.memory_space<vmem>> -> memref<1x1536x8xf32, #tpu.memory_space<vmem>>
      %gather3A_422 = tpu.memref_squeeze %gather3A_421 : memref<1x1536x8xf32, #tpu.memory_space<vmem>> -> memref<1536x8xf32, #tpu.memory_space<vmem>>
      %gather3A_423 = tpu.vector_load_idx %gather3A_422[%add3A_418, %broadcast_in_dim3A] : memref<1536x8xf32, #tpu.memory_space<vmem>>[vector<16xi32>, vector<16xi32>], vector<16xf32>,
      %gather3A_424 = arith.constant 0 : i32
      %gather3A_425 = arith.constant 0 : i32
      %gather3A_426 = tpu.memref_slice %arg10[%scan3A_179, %gather3A_424, %gather3A_425] : memref<2x1536x8xf32, #tpu.memory_space<vmem>> -> memref<1x1536x8xf32, #tpu.memory_space<vmem>>
      %gather3A_427 = tpu.memref_squeeze %gather3A_426 : memref<1x1536x8xf32, #tpu.memory_space<vmem>> -> memref<1536x8xf32, #tpu.memory_space<vmem>>
      %gather3A_428 = tpu.vector_load_idx %gather3A_427[%add3A_418, %broadcast_in_dim3A] : memref<1536x8xf32, #tpu.memory_space<vmem>>[vector<16xi32>, vector<16xi32>], vector<16xf32>,
      %add3A_429 = arith.constant 96 : i32
      %add3A_430 = arith.addi %mul3A_237, %add3A_429 : i32
      %get3A_431 = arith.constant 0 : i32
      %get3A_432 = tpu.memref_slice %arg11[%scan3A_180, %get3A_431] : memref<2x6144xf32, #tpu.memory_space<vmem>> -> memref<1x6144xf32, #tpu.memory_space<vmem>>
      %get3A_433 = tpu.memref_squeeze %get3A_432 : memref<1x6144xf32, #tpu.memory_space<vmem>> -> memref<6144xf32, #tpu.memory_space<vmem>>
      %get3A_434 = arith.index_cast %add3A_430 : i32 to index
      %get3A_435 = tpu.vector_load %get3A_433[%get3A_434] {strides = array<i32>} : memref<6144xf32, #tpu.memory_space<vmem>>, vector<16xf32>,
      %mul3A_436 = arith.mulf %gather3A_423, %get3A_435 : vector<16xf32>
      %mul3A_437 = arith.mulf %mul3A_436, %gather3A_428 : vector<16xf32>
      %add3A_438 = arith.constant 96 : i32
      %add3A_439 = arith.addi %mul3A_237, %add3A_438 : i32
      %swap3A_440 = arith.constant 0 : i32
      %swap3A_441 = tpu.memref_slice %arg12[%scan3A_181, %swap3A_440] : memref<2x6144xf32, #tpu.memory_space<vmem>> -> memref<1x6144xf32, #tpu.memory_space<vmem>>
      %swap3A_442 = tpu.memref_squeeze %swap3A_441 : memref<1x6144xf32, #tpu.memory_space<vmem>> -> memref<6144xf32, #tpu.memory_space<vmem>>
      %swap3A_443 = arith.index_cast %add3A_439 : i32 to index
      %swap3A_444 = tpu.vector_load %swap3A_442[%swap3A_443] {strides = array<i32>} : memref<6144xf32, #tpu.memory_space<vmem>>, vector<16xf32>,
      tpu.vector_store %swap3A_442[%swap3A_443], %mul3A_437 {strides = array<i32>} : memref<6144xf32, #tpu.memory_space<vmem>>, vector<16xf32>,
      %add3A_445 = arith.constant 112 : i32
      %add3A_446 = arith.addi %shift_left3A_235, %add3A_445 : i32
      %broadcast_in_dim3A_447 = vector.broadcast %add3A_446 : i32 to vector<16xi32>
      %add3A_448 = arith.addi %broadcast_in_dim3A_447, %iota3A : vector<16xi32>
      %gather3A_449 = arith.constant 0 : i32
      %gather3A_450 = arith.constant 0 : i32
      %gather3A_451 = tpu.memref_slice %arg9[%scan3A_178, %gather3A_449, %gather3A_450] : memref<2x1536x8xf32, #tpu.memory_space<vmem>> -> memref<1x1536x8xf32, #tpu.memory_space<vmem>>
      %gather3A_452 = tpu.memref_squeeze %gather3A_451 : memref<1x1536x8xf32, #tpu.memory_space<vmem>> -> memref<1536x8xf32, #tpu.memory_space<vmem>>
      %gather3A_453 = tpu.vector_load_idx %gather3A_452[%add3A_448, %broadcast_in_dim3A] : memref<1536x8xf32, #tpu.memory_space<vmem>>[vector<16xi32>, vector<16xi32>], vector<16xf32>,
      %gather3A_454 = arith.constant 0 : i32
      %gather3A_455 = arith.constant 0 : i32
      %gather3A_456 = tpu.memref_slice %arg10[%scan3A_179, %gather3A_454, %gather3A_455] : memref<2x1536x8xf32, #tpu.memory_space<vmem>> -> memref<1x1536x8xf32, #tpu.memory_space<vmem>>
      %gather3A_457 = tpu.memref_squeeze %gather3A_456 : memref<1x1536x8xf32, #tpu.memory_space<vmem>> -> memref<1536x8xf32, #tpu.memory_space<vmem>>
      %gather3A_458 = tpu.vector_load_idx %gather3A_457[%add3A_448, %broadcast_in_dim3A] : memref<1536x8xf32, #tpu.memory_space<vmem>>[vector<16xi32>, vector<16xi32>], vector<16xf32>,
      %add3A_459 = arith.constant 112 : i32
      %add3A_460 = arith.addi %mul3A_237, %add3A_459 : i32
      %get3A_461 = arith.constant 0 : i32
      %get3A_462 = tpu.memref_slice %arg11[%scan3A_180, %get3A_461] : memref<2x6144xf32, #tpu.memory_space<vmem>> -> memref<1x6144xf32, #tpu.memory_space<vmem>>
      %get3A_463 = tpu.memref_squeeze %get3A_462 : memref<1x6144xf32, #tpu.memory_space<vmem>> -> memref<6144xf32, #tpu.memory_space<vmem>>
      %get3A_464 = arith.index_cast %add3A_460 : i32 to index
      %get3A_465 = tpu.vector_load %get3A_463[%get3A_464] {strides = array<i32>} : memref<6144xf32, #tpu.memory_space<vmem>>, vector<16xf32>,
      %mul3A_466 = arith.mulf %gather3A_453, %get3A_465 : vector<16xf32>
      %mul3A_467 = arith.mulf %mul3A_466, %gather3A_458 : vector<16xf32>
      %add3A_468 = arith.constant 112 : i32
      %add3A_469 = arith.addi %mul3A_237, %add3A_468 : i32
      %swap3A_470 = arith.constant 0 : i32
      %swap3A_471 = tpu.memref_slice %arg12[%scan3A_181, %swap3A_470] : memref<2x6144xf32, #tpu.memory_space<vmem>> -> memref<1x6144xf32, #tpu.memory_space<vmem>>
      %swap3A_472 = tpu.memref_squeeze %swap3A_471 : memref<1x6144xf32, #tpu.memory_space<vmem>> -> memref<6144xf32, #tpu.memory_space<vmem>>
      %swap3A_473 = arith.index_cast %add3A_469 : i32 to index
      %swap3A_474 = tpu.vector_load %swap3A_472[%swap3A_473] {strides = array<i32>} : memref<6144xf32, #tpu.memory_space<vmem>>, vector<16xf32>,
      tpu.vector_store %swap3A_472[%swap3A_473], %mul3A_467 {strides = array<i32>} : memref<6144xf32, #tpu.memory_space<vmem>>, vector<16xf32>,
    }
    %scan3A_186 = arith.constant 48 : i32
    %mul3A_187 = arith.constant 66 : i32
    %mul3A_188 = arith.muli %add3A, %mul3A_187 : i32
    %add3A_189 = arith.constant 65 : i32
    %add3A_190 = arith.addi %mul3A_188, %add3A_189 : i32
    %mul3A_191 = arith.constant 12 : i32
    %mul3A_192 = arith.muli %add3A_190, %mul3A_191 : i32
    %min3A_193 = arith.constant 24988 : i32
    %min3A_194 = arith.minsi %mul3A_192, %min3A_193 : i32
    %mul3A_195 = arith.constant 128 : i32
    %mul3A_196 = arith.muli %min3A_194, %mul3A_195 : i32
    %multiple_of3A_197 = tpu.assume_multiple %mul3A_196, 8 : i32
    %mul3A_198 = arith.constant 4 : i32
    %mul3A_199 = arith.muli %multiple_of3A_197, %mul3A_198 : i32
    %multiple_of3A_200 = tpu.assume_multiple %mul3A_199, 8 : i32
    %dma_start3A_201 = arith.constant 1 : i32
    %dma_start3A_202 = arith.constant 0 : i32
    %dma_start3A_203 = tpu.memref_slice %arg12[%dma_start3A_201, %dma_start3A_202] : memref<2x6144xf32, #tpu.memory_space<vmem>> -> memref<1x6144xf32, #tpu.memory_space<vmem>>
    %dma_start3A_204 = tpu.memref_squeeze %dma_start3A_203 : memref<1x6144xf32, #tpu.memory_space<vmem>> -> memref<6144xf32, #tpu.memory_space<vmem>>
    %dma_start3A_205 = tpu.memref_slice %arg6[%multiple_of3A_200] : memref<12800000xf32, #tpu.memory_space<hbm>> -> memref<6144xf32, #tpu.memory_space<hbm>>
    %dma_start3A_206 = tpu.memref_slice %arg6[%multiple_of3A_200] : memref<12800000xf32, #tpu.memory_space<hbm>> -> memref<6144xf32, #tpu.memory_space<hbm>>
    %dma_start3A_207 = arith.constant 0 : i32
    %dma_start3A_208 = tpu.memref_slice %arg12[%dma_start3A_201, %dma_start3A_207] : memref<2x6144xf32, #tpu.memory_space<vmem>> -> memref<1x6144xf32, #tpu.memory_space<vmem>>
    %dma_start3A_209 = tpu.memref_squeeze %dma_start3A_208 : memref<1x6144xf32, #tpu.memory_space<vmem>> -> memref<6144xf32, #tpu.memory_space<vmem>>
    tpu.enqueue_dma source(%dma_start3A_209 : memref<6144xf32, #tpu.memory_space<vmem>>) target(%dma_start3A_206 : memref<6144xf32, #tpu.memory_space<hbm>>) target_semaphore(%arg21 : memref<!tpu.dma_semaphore, #tpu.memory_space<semaphore_mem>>)
    %dma_wait3A_210 = arith.constant 1 : i32
    %dma_wait3A_211 = arith.constant 0 : i32
    %dma_wait3A_212 = tpu.memref_slice %arg12[%dma_wait3A_210, %dma_wait3A_211] : memref<2x6144xf32, #tpu.memory_space<vmem>> -> memref<1x6144xf32, #tpu.memory_space<vmem>>
    %dma_wait3A_213 = tpu.memref_squeeze %dma_wait3A_212 : memref<1x6144xf32, #tpu.memory_space<vmem>> -> memref<6144xf32, #tpu.memory_space<vmem>>
    %dma_wait3A_214 = arith.constant 0 : i32
    %dma_wait3A_215 = tpu.memref_slice %arg6[%dma_wait3A_214] : memref<12800000xf32, #tpu.memory_space<hbm>> -> memref<6144xf32, #tpu.memory_space<hbm>>
    %dma_wait3A_216 = arith.constant 0 : i32
    %dma_wait3A_217 = tpu.memref_slice %arg6[%dma_wait3A_216] : memref<12800000xf32, #tpu.memory_space<hbm>> -> memref<6144xf32, #tpu.memory_space<hbm>>
    %dma_wait3A_218 = arith.constant 0 : i32
    %dma_wait3A_219 = tpu.memref_slice %arg12[%dma_wait3A_210, %dma_wait3A_218] : memref<2x6144xf32, #tpu.memory_space<vmem>> -> memref<1x6144xf32, #tpu.memory_space<vmem>>
    %dma_wait3A_220 = tpu.memref_squeeze %dma_wait3A_219 : memref<1x6144xf32, #tpu.memory_space<vmem>> -> memref<6144xf32, #tpu.memory_space<vmem>>
    tpu.wait_dma2 semaphore(%arg21 : memref<!tpu.dma_semaphore, #tpu.memory_space<semaphore_mem>>) src(%dma_wait3A_220 : memref<6144xf32, #tpu.memory_space<vmem>>) dst(%dma_wait3A_217 : memref<6144xf32, #tpu.memory_space<hbm>>)
    %dma_wait3A_221 = arith.constant 0 : i32
    %dma_wait3A_222 = arith.constant 0 : i32
    %dma_wait3A_223 = tpu.memref_slice %arg12[%dma_wait3A_221, %dma_wait3A_222] : memref<2x6144xf32, #tpu.memory_space<vmem>> -> memref<1x6144xf32, #tpu.memory_space<vmem>>
    %dma_wait3A_224 = tpu.memref_squeeze %dma_wait3A_223 : memref<1x6144xf32, #tpu.memory_space<vmem>> -> memref<6144xf32, #tpu.memory_space<vmem>>
    %dma_wait3A_225 = arith.constant 0 : i32
    %dma_wait3A_226 = tpu.memref_slice %arg6[%dma_wait3A_225] : memref<12800000xf32, #tpu.memory_space<hbm>> -> memref<6144xf32, #tpu.memory_space<hbm>>
    %dma_wait3A_227 = arith.constant 0 : i32
    %dma_wait3A_228 = tpu.memref_slice %arg6[%dma_wait3A_227] : memref<12800000xf32, #tpu.memory_space<hbm>> -> memref<6144xf32, #tpu.memory_space<hbm>>
    %dma_wait3A_229 = arith.constant 0 : i32
    %dma_wait3A_230 = tpu.memref_slice %arg12[%dma_wait3A_221, %dma_wait3A_229] : memref<2x6144xf32, #tpu.memory_space<vmem>> -> memref<1x6144xf32, #tpu.memory_space<vmem>>
    %dma_wait3A_231 = tpu.memref_squeeze %dma_wait3A_230 : memref<1x6144xf32, #tpu.memory_space<vmem>> -> memref<6144xf32, #tpu.memory_space<vmem>>
    tpu.wait_dma2 semaphore(%arg20 : memref<!tpu.dma_semaphore, #tpu.memory_space<semaphore_mem>>) src(%dma_wait3A_231 : memref<6144xf32, #tpu.memory_space<vmem>>) dst(%dma_wait3A_228 : memref<6144xf32, #tpu.memory_space<hbm>>)
    return
  }
}

module attributes {stable_mosaic.version = 14 : i64} {
  func.func @_tc_diag_body(%arg0: memref<3128x128xf32, #tpu.memory_space<vmem>>, %arg1: memref<3128x256xf32, #tpu.memory_space<vmem>>, %arg2: memref<3128x128xf32, #tpu.memory_space<vmem>>) attributes {dimension_semantics = [], scalar_prefetch = 0 : i64, scratch_operands = 0 : i64, tpu.core_type = #tpu.core_type<tc>} {
    %get3A = arith.constant 0 : index
    %get3A_0 = arith.constant 0 : index
    %get3A_1 = vector.load %arg0[%get3A, %get3A_0] : memref<3128x128xf32, #tpu.memory_space<vmem>>, vector<3128x128xf32>
    %add3A = arith.constant 1.000000e+00 : f32
    %add3A_2 = vector.broadcast %add3A : f32 to vector<3128x128xf32>
    %add3A_3 = arith.addf %get3A_1, %add3A_2 : vector<3128x128xf32>
    %rsqrt3A = math.rsqrt %add3A_3 : vector<3128x128xf32>
    %div3A = arith.divf %get3A_1, %add3A_3 : vector<3128x128xf32>
    %swap3A = arith.constant 0 : index
    %swap3A_4 = arith.constant 0 : index
    %swap3A_5 = vector.load %arg2[%swap3A, %swap3A_4] : memref<3128x128xf32, #tpu.memory_space<vmem>>, vector<3128x128xf32>
    tpu.vector_store %arg2[%swap3A, %swap3A_4], %div3A {strides = array<i32>} : memref<3128x128xf32, #tpu.memory_space<vmem>>, vector<3128x128xf32>,
    %iota3A = tpu.iota {dimensions = array<i32: 0>} : vector<128x256xi32>
    %iota3A_6 = tpu.iota {dimensions = array<i32: 1>} : vector<128x256xi32>
    %shift_right_logical3A = arith.constant 3 : i32
    %shift_right_logical3A_7 = vector.broadcast %shift_right_logical3A : i32 to vector<128x256xi32>
    %shift_right_logical3A_8 = arith.shrui %iota3A_6, %shift_right_logical3A_7 : vector<128x256xi32>
    %mul3A = arith.constant 4 : i32
    %mul3A_9 = vector.broadcast %mul3A : i32 to vector<128x256xi32>
    %mul3A_10 = arith.muli %mul3A_9, %shift_right_logical3A_8 : vector<128x256xi32>
    %and3A = arith.constant 3 : i32
    %and3A_11 = vector.broadcast %and3A : i32 to vector<128x256xi32>
    %and3A_12 = arith.andi %iota3A_6, %and3A_11 : vector<128x256xi32>
    %add3A_13 = arith.addi %mul3A_10, %and3A_12 : vector<128x256xi32>
    %eq3A = arith.cmpi eq, %iota3A, %add3A_13 : vector<128x256xi32>
    %jit3A = arith.constant 1.000000e+00 : f32
    %jit3A_14 = arith.constant 0.000000e+00 : f32
    %broadcast_in_dim3A = vector.broadcast %jit3A : f32 to vector<128x256xf32>
    %broadcast_in_dim3A_15 = vector.broadcast %jit3A_14 : f32 to vector<128x256xf32>
    %select_n3A = arith.select %eq3A, %broadcast_in_dim3A, %broadcast_in_dim3A_15 : vector<128x256xi1>, vector<128x256xf32>
    %dot_general3A = arith.constant dense<0.000000e+00> : vector<3128x256xf32>
    %dot_general3A_16 = tpu.matmul %rsqrt3A, %select_n3A, %dot_general3A {dimension_numbers = #tpu.dot_dimension_numbers<[1], [0], [0], [1], [0, 0, 1, 1], [], []>, precision = #tpu.contract_precision<fp32>, transpose_lhs_hint = false} : vector<3128x128xf32>, vector<128x256xf32>, vector<3128x256xf32> -> vector<3128x256xf32>
    %swap3A_17 = arith.constant 0 : index
    %swap3A_18 = arith.constant 0 : index
    %swap3A_19 = vector.load %arg1[%swap3A_17, %swap3A_18] : memref<3128x256xf32, #tpu.memory_space<vmem>>, vector<3128x256xf32>
    tpu.vector_store %arg1[%swap3A_17, %swap3A_18], %dot_general3A_16 {strides = array<i32>} : memref<3128x256xf32, #tpu.memory_space<vmem>>, vector<3128x256xf32>,
    return
  }
}

</mosaic_0001>

<sc_bundles>
// kernel: kernel.4.cloned.1.call-start
scs
__scs_entry_jumppad:
0x0: {  	(pc) =	sbr.rel $0x88, $3  }
0x1: {  	(tag) =	ssettag $0x0;
	lr =	simm.s32 $0x1  }
0x2: {  	[smem:$0x3F9D] =	sst lr;
	_ =	strace $0xD0000000  }
0x3: {  	_ = 	snop  }
0x4: {  	_ = 	snop  }
0x5: {  	_ = 	snop  }
0x6: {  	_ = 	snop  }
0x7: {  	_ = 	snop  }
__scs_overlays_trampoline_lowered:
0x8: {  	[smem:$0x3FAC] =	sst s0  }
0x9: {  	[smem:$0x3FAD] =	sst s1  }
0xa: {  	[smem:$0x3FAE] =	sst s2  }
0xb: {  	[smem:$0x3FAF] =	sst s3  }
0xc: {  	[smem:$0x3FB0] =	sst s4  }
0xd: {  	[smem:$0x3FB1] =	sst s5  }
0xe: {  	[smem:$0x3FB2] =	sst s6  }
0xf: {  	[smem:$0x3FB3] =	sst s7  }
0x10: {  	[smem:$0x3FB4] =	sst s8  }
0x11: {  	[smem:$0x3FB5] =	sst s9;
	s0 =	simm.s32 @!p0 $0x0  }
0x12: {  	s1 =	sld [smem:$0x3F9B];
	s0 =	simm.s32 @p0 $0x1  }
0x13: {  	[smem:$0x3FB6] =	sst s0;
	s0 =	simm.s32 @!p1 $0x0  }
0x14: {  	s2 =	sld [smem:$0x3F9A];
	s0 =	simm.s32 @p1 $0x1  }
0x15: {  	[smem:$0x3FB7] =	sst s0;
	s0 =	simm.s32 @!p2 $0x0  }
0x16: {  	s3 =	sld [smem:$0x3FDB];
	s0 =	simm.s32 @p2 $0x1  }
0x17: {  	s4 =	simm.s32 $0x1BF5;
	[smem:$0x3FB9] =	sst s0  }
0x18: {  	s0 =	sld [smem:$0x3F9C];
	_ =	swait.ge [sflag:s4], $0x0  }
0x19: {  	s7 =	sld [smem:$0x3F9D]  }
0x1a: {  	s8 =	sadd.s32 $0xFFFFE003, lr  }
0x1b: {  	s9 =	sadd.s32 $0xFFFFFEF7, lr;
	s5 =	simm.s32 $0xFFFFFFFF;
	p2 =	slt.u32 s8, $0xFFFFF086  }
0x1c: {  	p1 =	slt.u32 s9, $0xF7A;
	s5 =	simm.s32 @!p2 $0x0  }
0x1d: {  	s5 =	simm.s32 @p1 $0x1;
	p0 =	seq.s32 s7, s2  }
0x1e: {  	s7 =	smul.u32 @!p0 $0xF7A, s2;
	p2 =	seq.s32 @!p0 s5, $0x0  }
0x1f: {  	s9 =	smul.u32 $0xF7A, s1;
	s8 =	simm.s32 @!p0 $0x1BF5;
	p2 =	por !p2, p0  }
0x20: {  	[sflag:s8] =	ssyncset.s32 @!p0 $0xFFFFF086;
	s6 =	sadd.s32 @!p0 s3, s7;
	s7 =	simm.s32 @!p0 $0x108  }
0x21: {  	s3 =	sadd.s32 s3, s9;
	s6 =	sadd.s32 @!p0 $0x88, s6;
	s7 =	simm.s32 @p2 $0x1082  }
0x22: {  	[simem:s7], [sflag:s8] =	dma.local @!p0 [hbm:s6], $0xF7A  }
0x23: {  	s9 =	sor.u32 $0xD0000000, s2;
	s6 =	simm.s32 $0x108;
	_ =	swait.ge @!p0 [sflag:s8], $0x0  }
0x24: {  	s3 =	sadd.s32 $0x88, s3;
	s6 =	simm.s32 @!p1 $0x1082;
	[sflag:s4] =	ssyncset.s32 $0xFFFFF086  }
0x25: {  	[simem:s6], [sflag:s4] =	dma.local [hbm:s3], $0xF7A  }
0x26: {  	[smem:$0x3F9D] =	sst s1;
	(tag) =	ssettag s2;
	_ =	strace s9  }
0x27: {  	s1 =	sld [smem:$0x3FAD]  }
0x28: {  	s2 =	sld [smem:$0x3FAE]  }
0x29: {  	s4 =	sld [smem:$0x3FB0]  }
0x2a: {  	p0 =	seq.s32 s5, $0x0;
	s5 =	sld [smem:$0x3FB1]  }
0x2b: {  	s6 =	sld [smem:$0x3FB2]  }
0x2c: {  	s7 =	sld [smem:$0x3FB3]  }
0x2d: {  	s3 =	simm.s32 $0x108;
	s8 =	sld [smem:$0x3FB4]  }
0x2e: {  	s3 =	simm.s32 @!p0 $0x1082;
	s9 =	sld [smem:$0x3FB5]  }
0x2f: {  	lr =	sadd.s32 s0, s3;
	s0 =	sld [smem:$0x3FAC]  }
0x30: {  	s3 =	sld [smem:$0x3FAF]  }
0x31: {  	[smem:$0x3FB8] =	sst s10  }
0x32: {  	s10 =	sld [smem:$0x3FB6];
	_ =	sdelay $0x3  }
0x33: {  	p0 =	seq.s32 s10, $0x1;
	s10 =	sld [smem:$0x3FB8];
	_ =	sdelay $0x3  }
0x34: {  	[smem:$0x3FB8] =	sst s10  }
0x35: {  	s10 =	sld [smem:$0x3FB7];
	_ =	sdelay $0x3  }
0x36: {  	p1 =	seq.s32 s10, $0x1;
	s10 =	sld [smem:$0x3FB8];
	_ =	sdelay $0x3  }
0x37: {  	[smem:$0x3FB8] =	sst s10  }
0x38: {  	s10 =	sld [smem:$0x3FB9]  }
0x39: {  	_ = 	snop;
	(pc) =	sbr.ind lr, $3  }
0x3a: {  	_ = 	snop  }
0x3b: {  	_ = 	snop  }
0x3c: {  	p2 =	seq.s32 s10, $0x1;
	s10 =	sld [smem:$0x3FB8]  }
0x3d: {  	_ =	shalt  }
0x3e: {  	_ =	shalt  }
0x3f: {  	_ =	shalt  }
0x40: {  	_ =	shalt  }
0x41: {  	_ =	shalt  }
0x42: {  	_ =	shalt  }
0x43: {  	_ =	shalt  }
0x44: {  	_ =	shalt  }
0x45: {  	_ =	shalt  }
0x46: {  	_ =	shalt  }
0x47: {  	_ =	shalt  }
0x48: {  	_ =	shalt  }
0x49: {  	_ =	shalt  }
0x4a: {  	_ =	shalt  }
0x4b: {  	_ =	shalt  }
0x4c: {  	_ =	shalt  }
0x4d: {  	_ =	shalt  }
0x4e: {  	_ =	shalt  }
0x4f: {  	_ =	shalt  }
0x50: {  	_ =	shalt  }
0x51: {  	_ =	shalt  }
0x52: {  	_ =	shalt  }
0x53: {  	_ =	shalt  }
0x54: {  	_ =	shalt  }
0x55: {  	_ =	shalt  }
0x56: {  	_ =	shalt  }
0x57: {  	_ =	shalt  }
0x58: {  	_ =	shalt  }
0x59: {  	_ =	shalt  }
0x5a: {  	_ =	shalt  }
0x5b: {  	_ =	shalt  }
0x5c: {  	_ =	shalt  }
0x5d: {  	_ =	shalt  }
0x5e: {  	_ =	shalt  }
0x5f: {  	_ =	shalt  }
0x60: {  	_ =	shalt  }
0x61: {  	_ =	shalt  }
0x62: {  	_ =	shalt  }
0x63: {  	_ =	shalt  }
0x64: {  	_ =	shalt  }
0x65: {  	_ =	shalt  }
0x66: {  	_ =	shalt  }
0x67: {  	_ =	shalt  }
0x68: {  	_ =	shalt  }
0x69: {  	_ =	shalt  }
0x6a: {  	_ =	shalt  }
0x6b: {  	_ =	shalt  }
0x6c: {  	_ =	shalt  }
0x6d: {  	_ =	shalt  }
0x6e: {  	_ =	shalt  }
0x6f: {  	_ =	shalt  }
0x70: {  	_ =	shalt  }
0x71: {  	_ =	shalt  }
0x72: {  	_ =	shalt  }
0x73: {  	_ =	shalt  }
0x74: {  	_ =	shalt  }
0x75: {  	_ =	shalt  }
0x76: {  	_ =	shalt  }
0x77: {  	_ =	shalt  }
0x78: {  	_ =	shalt  }
0x79: {  	_ =	shalt  }
0x7a: {  	_ =	shalt  }
0x7b: {  	_ =	shalt  }
0x7c: {  	_ =	shalt  }
0x7d: {  	_ =	shalt  }
0x7e: {  	_ =	shalt  }
0x7f: {  	_ =	shalt  }
0x80: {  	_ =	shalt  }
0x81: {  	_ =	shalt  }
0x82: {  	_ =	shalt  }
0x83: {  	_ =	shalt  }
0x84: {  	_ =	shalt  }
0x85: {  	_ =	shalt  }
0x86: {  	_ =	shalt  }
0x87: {  	_ =	shalt  }
.Lfunc_end0:
.L_simem_size_0:
called_computation_lowered:
.L_overlay_start_0:
0x88: {  	s2 =	sld [smem:$0x3FD9]  }
0x89: {  	s3 =	sld [smem:$0x3FFE];
	_ =	sdelay $0x1  }
0x8a: {  	s1 =	srdreg.scid  }
0x8b: {  	s0 =	sand.u32 $0x1, s1  }
0x8c: {  	s14 =	sshll.u32 s0, $0xA;
	s2 =	sadd.s32 s3, s2  }
0x8d: {  	s2 =	sadd.s32 s2, s14  }
0x8e: {  	[smem:$0x3FC4] =	sst s2  }
0x8f: {  	_ = 	snop  }
0x90: {  	s2 =	sld [smem:$0x3FD0]  }
0x91: {  	s15 =	sld [smem:$0x3FC8]  }
0x92: {  	s4 =	sld [smem:$0x3FC7]  }
0x93: {  	s6 =	simm.s32 $0xA;
	s7 =	simm.s32 $0x10;
	s5 =	sld [smem:$0x3FC6]  }
0x94: {  	[smem:s7], [sflag:s6] =	dma.local [hbm:s2], $0x1  }
0x95: {  	_ =	swait.eq [sflag:s6], $0x1  }
0x96: {  	[sflag:s6] =	ssyncset.done $0x0  }
0x97: {  	[sflag:s6] =	ssyncadd.s32 $0xFFFFFFFF  }
0x98: {  	s16 =	sld [smem:$0x11];
	(tm) =	ssettm $0x1  }
0x99: {  	s17 =	sld [smem:$0x3FFB];
	_ =	sdelay $0x3  }
0x9a: {  	_ =	strace s17  }
0x9b: {  	s6 =	sld [smem:$0x3FFC];
	_ =	sdelay $0x3  }
0x9c: {  	_ =	strace s6  }
0x9d: {  	s6 =	sld [smem:$0x3FFD];
	_ =	sdelay $0x3  }
0x9e: {  	_ =	strace s6  }
0x9f: {  	_ =	strace $0x8FFFFFFF  }
0xa0: {  	s18 =	sld [smem:$0x3FDB];
	_ =	sdelay $0x1  }
0xa1: {  	s19 =	simm.s32 $_scs_section_size  }
0xa2: {  	s8 =	simm.s32 $_size__tile_overlayer_lowered;
	s9 =	simm.s32 $_tile_overlayer_lowered  }
0xa3: {  	s22 =	simm.s32 $0x1BFF;
	s21 =	sshll.u32 s9, $0x1;
	s6 =	sadd.s32 s19, s18  }
0xa4: {  	s10 =	simm.s32 $0x0;
	s20 =	sshll.u32 s8, $0x1;
	s8 =	sadd.s32 s21, s6  }
0xa5: {  	[timem:s10], [sflag:s22] =	dma.local [hbm:s8], s20  }
0xa6: {  	_ =	swait.ge [sflag:s22], s20  }
0xa7: {  	s7 =	ssub.s32 $0x0, s20;
	[sflag:s22] =	ssyncset.done $0x0  }
0xa8: {  	[sflag:s22] =	ssyncadd.s32 s7;
	_ =	sdelay $0x1  }
0xa9: {  	s23 =	simm.s32 $0x1B8B  }
0xaa: {  	_ =	swait.ge [sflag:s23], $0x1  }
0xab: {  	[sflag:s23] =	ssyncset.done $0x0  }
0xac: {  	s25 =	simm.s32 $0x1B8E;
	s24 =	sld [smem:$0x3FFE];
	[sflag:s23] =	ssyncadd.s32 $0xFFFFFFFF  }
0xad: {  	s26 =	simm.s32 $execute0_lowered;
	[smem:$0x3FD2] =	sst s25  }
0xae: {  	s8 =	sshll.u32 s26, $0x1;
	_ =	strace $0x80000046;
	[dreg:$0x1] =	wrdreg $0xFFFFFFFF  }
0xaf: {  	s28 =	simm.s32 $_size_execute0_lowered;
	s6 =	sadd.s32 s6, s8;
	[dreg:$0x0] =	wrdreg $0x0  }
0xb0: {  	s8 =	sshll.u32 s28, $0x1;
	[dreg:$0x2] =	wrdreg s6  }
0xb1: {  	[dreg:$0x3] =	wrdreg s8  }
0xb2: {  	[dreg:$0x4] =	wrdreg $0xC0  }
0xb3: {  	_ =	task [dreg:s10], $0x5FFFF  }
0xb4: {  	[dreg:$0x1] =	wrdreg $0xFFFFFFFF  }
0xb5: {  	[dreg:$0x0] =	wrdreg $0x60  }
0xb6: {  	[dreg:$0x2] =	wrdreg s24  }
0xb7: {  	[dreg:$0x3] =	wrdreg s15  }
0xb8: {  	[dreg:$0x4] =	wrdreg s4  }
0xb9: {  	[dreg:$0x5] =	wrdreg s5  }
0xba: {  	[dreg:$0x6] =	wrdreg s16  }
0xbb: {  	[dreg:$0x7] =	wrdreg $0x138000  }
0xbc: {  	[dreg:$0x8] =	wrdreg $0x9  }
0xbd: {  	_ =	task.clear_ibuf [dreg:s10], $0x9FFFF;
	_ =	strace $0x90000046  }
0xbe: {  	s29 =	simm.s32 $0x9;
	_ =	strace $0x80000048  }
0xbf: {  	_ =	swait.ge [sflag:s29], $0x1  }
0xc0: {  	[sflag:s29] =	ssyncadd.s32 $0xFFFFFFFF  }
0xc1: {  	_ =	strace $0x90000048  }
0xc2: {  	_ =	sfence  }
0xc3: {  	s30 =	sld [smem:$0x0];
	_ =	sdelay $0x2  }
0xc4: {  	s31 =	sshll.u32 s1, $0xD;
	s1 =	sshrl.u32 s1, $0x2  }
0xc5: {  	s3 =	sand.u32 $0x4000, s31;
	s1 =	sadd.s32 s1, s30  }
0xc6: {  	s0 =	sor.u32 s3, s0;
	s1 =	sshll.u32 s1, $0x11  }
0xc7: {  	s0 =	sor.u32 s1, s0  }
0xc8: {  	s0 =	sadd.s32 $0x8F2B, s0  }
0xc9: {  	[sflag:s0] =	ssyncadd.remote.s32 $0x1  }
0xca: {  	_ =	sfence.sel $0xFFFF  }
0xcb: {  	[dreg:$0x0] =	wrdreg $0xFFFFFFFF;
	(pc) =	sbr.abs _section_cstart, $3  }
0xcc: {  	[dreg:$0x1] =	wrdreg $0xFFFFFFFF  }
0xcd: {  	_ =	task.clear_ibuf [dreg:s10], $0x2FFFF;
	_ =	strace $0x9FFFFFFF  }
0xce: {  	(tm) =	ssettm $0x7FFFFFFF  }
0xcf: {  	_ =	shalt  }
tec
execute0_lowered:
.L_overlay_start_1:
0x0: {  	(tag) =	ssettag $0x1  }
0x1: {  	s0 =	rddreg [dreg:$0x0]  }
0x2: {  	s2 =	rddreg [dreg:$0x1]  }
0x3: {  	s3 =	rddreg [dreg:$0x2]  }
0x4: {  	s12 =	rddreg [dreg:$0x3]  }
0x5: {  	s13 =	rddreg [dreg:$0x4];
	s1 =	srdreg.scid  }
0x6: {  	s4 =	stileid.u32;
	s5 =	rddreg [dreg:$0x5]  }
0x7: {  	s6 =	simm.s32 $0x0;
	s29 =	simm.s32 $0x4800;
	s30 =	simm.s32 $0xA800  }
0x8: {  	s31 =	simm.s32 $0x3;
	s1 =	sand.u32 $0x1, s1;
	s7 =	sshll.u32 s4, $0x1  }
0x9: {  	[smem:$0x7FF] =	sst s6;
	s0 =	sadd.s32 $0x600, s0;
	s7 =	sor.u32 s1, s7  }
0xa: {  	s15 =	smov.u32 s13;
	p0 =	sne.s32 s4, $0x0;
	s8 =	smul.u32 $0x3180, s7  }
0xb: {  	s4 =	simm.s32 $0x5;
	s1 =	ssub.s32 $0x2, s1;
	s10 =	smul.u32 $0xC600, s7  }
0xc: {  	_ =	strace $0x80000047;
	s9 =	sshrl.u32 s1, $0x1;
	s21 =	smul.u32 $0x318, s7  }
0xd: {  	[dreg:$0x7] =	wrdreg s0;
	s11 =	smul.u32 $0x42, s7;
	s20 =	ssub.s32 s1, s9  }
0xe: {  	s9 =	simm.s32 $0x6;
	s22 =	sadd.s32 s3, s8;
	s23 =	sadd.s32 s12, s8  }
0xf: {  	s2 =	sadd.s32 s2, s10;
	s24 =	sadd.s32 $0xC0, s8;
	[dreg:$0x8] =	wrdreg s22  }
0x10: {  	s1 =	smin.u32 s21, $0x5E90;
	s14 =	sor.u32 $0x1, s11;
	[dreg:$0x9] =	wrdreg s23  }
0x11: {  	s28 =	sadd.s32 $0x3, s11;
	s0 =	smax.u32 s20, $0x1;
	[dreg:$0xa] =	wrdreg s2  }
0x12: {  	s20 =	simm.s32 $0x1;
	s8 =	simm.s32 $0x4;
	[dreg:$0xd] =	wrdreg s28  }
0x13: {  	s25 =	sadd.s32 s3, s24;
	s26 =	sadd.s32 s12, s24;
	[dreg:$0xf] =	wrdreg s0  }
0x14: {  	s1 =	sshll.u32 s1, $0x6;
	s0 =	sshrl.u32 @!p0 s5, $0x3;
	[dreg:$0xb] =	wrdreg s25  }
0x15: {  	s22 =	simm.s32 $0x600;
	s23 =	simm.s32 $0x1800;
	[dreg:$0xc] =	wrdreg s26  }
0x16: {  	s24 =	simm.s32 $0x7800;
	s1 =	sadd.s32 s1, s13;
	[dreg:$0x10] =	wrdreg s0  }
0x17: {  	v0 =	vlaneseq.u32;
	s25 =	simm.s32 $0x1200;
	s26 =	simm.s32 $0x2;
	s1 =	sadd.s32 $0xC300, s1  }
0x18: {  	v0 =	vmul.u32 $0x8, v0;
	s13 =	simm.s32 $0x7;
	[dreg:$0xe] =	wrdreg s1;
	s1 =	simm.s32 $0x0  }
.LBB2_1:
0x19: {  	[dreg:$0x11] =	wrdreg s1  }
0x1a: {  	s1 =	rddreg [dreg:$0x7]  }
0x1b: {  	s0 =	simm.s32 @!p0 $0x1C09;
	s2 =	rddreg [dreg:$0x10]  }
0x1c: {  	[spmem:s2], [sflag:s0] =	dma.local @!p0 [hbm:s1], $0x18700  }
0x1d: {  	s0 =	simm.s32 @!p0 $0x9  }
0x1e: {  	_ =	swait.ge @!p0 [sflag:s0], $0x18700  }
0x1f: {  	[sflag:s0] =	ssyncset.done @!p0 $0x0  }
0x20: {  	[sflag:s0] =	ssyncadd.s32 @!p0 $0xFFFE7900  }
0x21: {  	[bflag:$0x0] =	sbarrier.arrive $0xFFFF  }
0x22: {  	s12 =	rddreg [dreg:$0x8]  }
0x23: {  	[tilespmem:s6], [sflag:$0x1] =	stream.linear.gather [hbm4b:s12+s6], $0x600, $0x38;
	[tilespmem:$0x1FB80] =	vst v63  }
0x24: {  	s17 =	simm.s32 $0xC00;
	s16 =	rddreg [dreg:$0x9]  }
0x25: {  	[tilespmem:s17], [sflag:$0x1] =	stream.linear.gather [hbm4b:s16+s6], $0x600, $0x38;
	[tilespmem:$0x1FB80] =	vst v63  }
0x26: {  	_ =	swait.ge [sflag:s20], $0x600  }
0x27: {  	[sflag:s20] =	ssyncset.done $0x0  }
0x28: {  	[sflag:s20] =	ssyncadd.s32 $0xFFFFFA00  }
0x29: {  	_ =	swait.ge [sflag:s20], $0x600  }
0x2a: {  	[sflag:s20] =	ssyncset.done $0x0  }
0x2b: {  	s19 =	simm.s32 $0xD800;
	s18 =	rddreg [dreg:$0xa];
	[sflag:s20] =	ssyncadd.s32 $0xFFFFFA00  }
0x2c: {  	[tilespmem:s19], [sflag:$0x5] =	stream.linear.gather [hbm4b:s18+s6], $0x1800, $0x38;
	[tilespmem:$0x1FB80] =	vst v63  }
0x2d: {  	_ = 	snop  }
0x2e: {  	[tilespmem:s23], [sflag:$0x3] =	stream.indirect.gather [spmem:s5], $0x8, s6, s22, $0xb8;
	[tilespmem:$0x1FB80] =	vst v63  }
0x2f: {  	_ = 	snop  }
0x30: {  	[tilespmem:s24], [sflag:$0x3] =	stream.indirect.gather [spmem:s5], $0x8, s17, s22, $0xb8;
	[tilespmem:$0x1FB80] =	vst v63  }
0x31: {  	s21 =	rddreg [dreg:$0xb]  }
0x32: {  	[tilespmem:s22], [sflag:$0x2] =	stream.linear.gather [hbm4b:s21+s6], $0x600, $0x38;
	[tilespmem:$0x1FB80] =	vst v63  }
0x33: {  	s28 =	rddreg [dreg:$0xc];
	s17 =	simm.s32 $0x0  }
0x34: {  	[tilespmem:s25], [sflag:$0x2] =	stream.linear.gather [hbm4b:s28+s6], $0x600, $0x38;
	[tilespmem:$0x1FB80] =	vst v63  }
.LBB2_2:
0x35: {  	_ =	swait.ge [sflag:s26], $0x600  }
0x36: {  	s10 =	sshll.u32 s17, $0x1;
	[sflag:s26] =	ssyncset.done $0x0  }
0x37: {  	s0 =	sadd.s32 s10, s14;
	[sflag:s26] =	ssyncadd.s32 $0xFFFFFA00  }
0x38: {  	s0 =	smul.u32 $0xC, s0;
	_ =	swait.ge [sflag:s26], $0x600  }
0x39: {  	[sflag:s26] =	ssyncset.done $0x0  }
0x3a: {  	s0 =	smin.u32 s0, $0x619C;
	[sflag:s26] =	ssyncadd.s32 $0xFFFFFA00  }
0x3b: {  	s18 =	sshll.u32 s0, $0x6;
	s28 =	rddreg [dreg:$0x1]  }
0x3c: {  	s1 =	simm.s32 $0xF000;
	s0 =	sadd.s32 s28, s18  }
0x3d: {  	[tilespmem:s1], [sflag:$0x6] =	stream.linear.gather [hbm4b:s0+s6], $0x1800, $0x38;
	[tilespmem:$0x1FB80] =	vst v63  }
0x3e: {  	_ = 	snop  }
0x3f: {  	[tilespmem:s29], [sflag:$0x4] =	stream.indirect.gather [spmem:s5], $0x8, s22, s22, $0xb8;
	[tilespmem:$0x1FB80] =	vst v63  }
0x40: {  	_ = 	snop  }
0x41: {  	[tilespmem:s30], [sflag:$0x4] =	stream.indirect.gather [spmem:s5], $0x8, s25, s22, $0xb8;
	[tilespmem:$0x1FB80] =	vst v63  }
0x42: {  	_ =	swait.ge [sflag:s31], $0x3000  }
0x43: {  	[sflag:s31] =	ssyncset.done $0x0  }
0x44: {  	[sflag:s31] =	ssyncadd.s32 $0xFFFFD000  }
0x45: {  	_ =	swait.ge [sflag:s31], $0x3000  }
0x46: {  	p2 =	seq.s32 s17, $0x20;
	s16 =	sadd.s32 $0x2, s10;
	[sflag:s31] =	ssyncset.done $0x0  }
0x47: {  	s0 =	sadd.s32 @!p2 s11, s16;
	[sflag:s31] =	ssyncadd.s32 $0xFFFFD000  }
0x48: {  	s0 =	smul.u32 @!p2 $0xC, s0;
	_ =	swait.ge [sflag:s4], $0x1800  }
0x49: {  	[sflag:s4] =	ssyncset.done $0x0  }
0x4a: {  	p1 =	seq.s32 @!p2 s17, $0x0;
	s0 =	smin.u32 @!p2 s0, $0x619C;
	[sflag:s4] =	ssyncadd.s32 $0xFFFFE800  }
0x4b: {  	p1 =	por p2, !p1;
	s0 =	sshll.u32 @!p2 s0, $0x4;
	s1 =	rddreg [dreg:$0x2]  }
.Ltmp0:
0x4c: {  	s7 =	simm.s32 @!p2 $0x0;
	s1 =	sadd.s32 @!p2 s1, s0;
	(pc) =	sbr.rel @!p1 .LBB2_3-.Ltmp0, $4  }
0x4d: {  	[tilespmem:s7], [sflag:$0x1] =	stream.linear.gather @!p2 [hbm4b:s1+s7], $0x600, $0x38;
	[tilespmem:$0x1FB80] =	vst v63  }
0x4e: {  	s1 =	rddreg [dreg:$0x3]  }
0x4f: {  	s0 =	sadd.s32 @!p2 s1, s0;
	s1 =	simm.s32 @!p2 $0xC00  }
0x50: {  	[tilespmem:s1], [sflag:$0x1] =	stream.linear.gather @!p2 [hbm4b:s0+s7], $0x600, $0x38;
	[tilespmem:$0x1FB80] =	vst v63  }
.Ltmp1:
0x51: {  	(pc) =	sbr.rel .LBB2_5-.Ltmp1, $4  }
0x52: {  	_ = 	snop  }
0x53: {  	_ =	swait.ge [sflag:s13], $0x1800  }
0x54: {  	[sflag:s13] =	ssyncset.done $0x0  }
0x55: {  	p1 =	por $0x0, $0x0;
	[sflag:s13] =	ssyncadd.s32 $0xFFFFE800  }
.LBB2_3:
0x56: {  	p1 =	por @!p2 $0x1, $0x1  }
.LBB2_5:
0x57: {  	s7 =	simm.s32 $0x0  }
0x58: {  	s1 =	sand.u32 $0x780, s7  }
0x59: {  	v1 =	vmov s1  }
0x5a: {  	v1 =	vshll.u32 v1, $0x3  }
0x5b: {  	s0 =	sand.u32 $0x3, s7;
	v1 =	vor.u32 v0, v1  }
0x5c: {  	v1 =	vor.u32 s0, v1;
	_ =	sdelay $0x2  }
0x5d: {  	s21 =	simm.s32 $0xD840  }
0x5e: {  	v3 =	vld [tilespmem:s21+$0xFFFFFFC0]  }
0x5f: {  	v2 =	vld.idx.msk [tilespmem:v1+s23+$0x0], $0xffff  }
0x60: {  	s12 =	sor.u32 $0x10, s1  }
0x61: {  	v4 =	vmov s12;
	v1 =	vld.idx.msk [tilespmem:v1+s24+$0x0], $0xffff  }
0x62: {  	v4 =	vshll.u32 v4, $0x3  }
0x63: {  	v4 =	vor.u32 v0, v4  }
0x64: {  	v2 =	vmul.f32 v3, v2;
	v3 =	vor.u32 s0, v4;
	_ =	sdelay $0x1  }
0x65: {  	v1 =	vmul.f32 v2, v1  }
0x66: {  	s28 =	simm.s32 $0x10840  }
0x67: {  	[tilespmem:s28+$0xFFFFFFC0] =	vst v1  }
0x68: {  	v1 =	vld.idx.msk [tilespmem:v3+s23+$0x0], $0xffff  }
0x69: {  	v2 =	vld [tilespmem:s21+$0xFFFFFFD0]  }
0x6a: {  	s19 =	sor.u32 $0x20, s1  }
0x6b: {  	v4 =	vmov s19;
	v3 =	vld.idx.msk [tilespmem:v3+s24+$0x0], $0xffff  }
0x6c: {  	v4 =	vshll.u32 v4, $0x3  }
0x6d: {  	v4 =	vor.u32 v0, v4  }
0x6e: {  	v1 =	vmul.f32 v2, v1;
	v2 =	vor.u32 s0, v4;
	_ =	sdelay $0x1  }
0x6f: {  	v1 =	vmul.f32 v1, v3;
	_ =	sdelay $0x1  }
0x70: {  	[tilespmem:s28+$0xFFFFFFD0] =	vst v1  }
0x71: {  	v1 =	vld.idx.msk [tilespmem:v2+s23+$0x0], $0xffff  }
0x72: {  	v3 =	vld [tilespmem:s21+$0xFFFFFFE0]  }
0x73: {  	s2 =	sor.u32 $0x30, s1  }
0x74: {  	v4 =	vmov s2;
	v2 =	vld.idx.msk [tilespmem:v2+s24+$0x0], $0xffff  }
0x75: {  	v4 =	vshll.u32 v4, $0x3  }
0x76: {  	v4 =	vor.u32 v0, v4  }
0x77: {  	v1 =	vmul.f32 v3, v1;
	v3 =	vor.u32 s0, v4;
	_ =	sdelay $0x1  }
0x78: {  	v1 =	vmul.f32 v1, v2;
	_ =	sdelay $0x1  }
0x79: {  	[tilespmem:s28+$0xFFFFFFE0] =	vst v1  }
0x7a: {  	v1 =	vld.idx.msk [tilespmem:v3+s23+$0x0], $0xffff  }
0x7b: {  	v2 =	vld [tilespmem:s21+$0xFFFFFFF0]  }
0x7c: {  	s3 =	sor.u32 $0x40, s1  }
0x7d: {  	v4 =	vmov s3;
	v3 =	vld.idx.msk [tilespmem:v3+s24+$0x0], $0xffff  }
0x7e: {  	v4 =	vshll.u32 v4, $0x3  }
0x7f: {  	v4 =	vor.u32 v0, v4  }
0x80: {  	v1 =	vmul.f32 v2, v1;
	v2 =	vor.u32 s0, v4;
	_ =	sdelay $0x1  }
0x81: {  	v1 =	vmul.f32 v1, v3;
	_ =	sdelay $0x1  }
0x82: {  	[tilespmem:s28+$0xFFFFFFF0] =	vst v1  }
0x83: {  	v1 =	vld.idx.msk [tilespmem:v2+s23+$0x0], $0xffff  }
0x84: {  	v3 =	vld [tilespmem:s21+$0x0]  }
0x85: {  	s1 =	sor.u32 $0x50, s1  }
0x86: {  	v4 =	vmov s1;
	v2 =	vld.idx.msk [tilespmem:v2+s24+$0x0], $0xffff  }
0x87: {  	v4 =	vshll.u32 v4, $0x3  }
0x88: {  	v4 =	vor.u32 v0, v4  }
0x89: {  	v1 =	vmul.f32 v3, v1;
	v3 =	vor.u32 s0, v4;
	_ =	sdelay $0x1  }
0x8a: {  	v1 =	vmul.f32 v1, v2;
	_ =	sdelay $0x1  }
0x8b: {  	[tilespmem:s28+$0x0] =	vst v1  }
0x8c: {  	v1 =	vld.idx.msk [tilespmem:v3+s23+$0x0], $0xffff  }
0x8d: {  	v2 =	vld [tilespmem:s21+$0x10]  }
0x8e: {  	s12 =	sor.u32 $0x60, s7  }
0x8f: {  	v4 =	vmov s12;
	v3 =	vld.idx.msk [tilespmem:v3+s24+$0x0], $0xffff  }
0x90: {  	v4 =	vshll.u32 v4, $0x3  }
0x91: {  	v4 =	vor.u32 v0, v4  }
0x92: {  	v1 =	vmul.f32 v2, v1;
	v2 =	vor.u32 s0, v4;
	_ =	sdelay $0x1  }
0x93: {  	v1 =	vmul.f32 v1, v3;
	_ =	sdelay $0x1  }
0x94: {  	[tilespmem:s28+$0x10] =	vst v1  }
0x95: {  	v1 =	vld.idx.msk [tilespmem:v2+s23+$0x0], $0xffff  }
0x96: {  	v3 =	vld [tilespmem:s21+$0x20]  }
0x97: {  	s19 =	sor.u32 $0x70, s7  }
0x98: {  	v4 =	vmov s19;
	v2 =	vld.idx.msk [tilespmem:v2+s24+$0x0], $0xffff  }
0x99: {  	v4 =	vshll.u32 v4, $0x3  }
0x9a: {  	v4 =	vor.u32 v0, v4  }
0x9b: {  	v1 =	vmul.f32 v3, v1;
	v3 =	vor.u32 s0, v4;
	_ =	sdelay $0x1  }
0x9c: {  	v1 =	vmul.f32 v1, v2;
	_ =	sdelay $0x1  }
0x9d: {  	[tilespmem:s28+$0x20] =	vst v1  }
0x9e: {  	v1 =	vld.idx.msk [tilespmem:v3+s23+$0x0], $0xffff  }
0x9f: {  	s7 =	simm.s32 $0x20;
	v2 =	vld [tilespmem:s21+$0x30]  }
0xa0: {  	s0 =	sand.u32 $0x780, s7  }
0xa1: {  	v4 =	vmov s0;
	s2 =	sor.u32 $0x10, s0;
	s3 =	sor.u32 $0x20, s0;
	v3 =	vld.idx.msk [tilespmem:v3+s24+$0x0], $0xffff  }
0xa2: {  	s19 =	simm.s32 $0x1;
	v4 =	vshll.u32 v4, $0x3;
	v5 =	vmov s2;
	v6 =	vmov s3  }
0xa3: {  	s12 =	sand.u32 $0x3, s19;
	v4 =	vor.u32 v0, v4;
	v5 =	vshll.u32 v5, $0x3;
	v7 =	vshll.u32 v6, $0x3  }
0xa4: {  	s2 =	sor.u32 $0x30, s0;
	s3 =	sor.u32 $0x40, s0;
	v6 =	vor.u32 s12, v4;
	v5 =	vor.u32 v0, v5;
	v1 =	vmul.f32 v2, v1  }
0xa5: {  	v4 =	vor.u32 v0, v7;
	v7 =	vmov s3;
	v2 =	vmov s2  }
0xa6: {  	s0 =	sor.u32 $0x50, s0;
	v8 =	vshll.u32 v7, $0x3;
	v2 =	vshll.u32 v2, $0x3;
	v7 =	vmul.f32 v1, v3  }
0xa7: {  	s19 =	simm.s32 $0x2;
	v3 =	vor.u32 v0, v2;
	v2 =	vor.u32 v0, v8;
	v1 =	vmov s0  }
.LBB2_6:
0xa8: {  	[tilespmem:s28+$0x30] =	vst v7;
	s28 =	sadd.s32 $0x80, s28  }
0xa9: {  	s21 =	sadd.s32 $0x80, s21;
	s0 =	smov.u32 s19;
	s1 =	sadd.s32 $0x1, s19  }
0xaa: {  	p3 =	sne.s32 s19, $0x2F;
	v7 =	vld.idx.msk [tilespmem:v6+s23+$0x0], $0xffff  }
0xab: {  	v8 =	vld [tilespmem:s21+$0xFFFFFFC0]  }
0xac: {  	v6 =	vld.idx.msk [tilespmem:v6+s24+$0x0], $0xffff;
	_ =	sdelay $0x3  }
0xad: {  	v5 =	vor.u32 s12, v5;
	v7 =	vmul.f32 v8, v7;
	_ =	sdelay $0x1  }
0xae: {  	v6 =	vmul.f32 v7, v6;
	_ =	sdelay $0x1  }
0xaf: {  	[tilespmem:s28+$0xFFFFFFC0] =	vst v6  }
0xb0: {  	v6 =	vld.idx.msk [tilespmem:v5+s23+$0x0], $0xffff  }
0xb1: {  	v7 =	vld [tilespmem:s21+$0xFFFFFFD0]  }
0xb2: {  	v5 =	vld.idx.msk [tilespmem:v5+s24+$0x0], $0xffff;
	_ =	sdelay $0x3  }
0xb3: {  	v4 =	vor.u32 s12, v4;
	v6 =	vmul.f32 v7, v6;
	_ =	sdelay $0x1  }
0xb4: {  	v5 =	vmul.f32 v6, v5;
	_ =	sdelay $0x1  }
0xb5: {  	[tilespmem:s28+$0xFFFFFFD0] =	vst v5  }
0xb6: {  	v5 =	vld.idx.msk [tilespmem:v4+s23+$0x0], $0xffff  }
0xb7: {  	v6 =	vld [tilespmem:s21+$0xFFFFFFE0]  }
0xb8: {  	v4 =	vld.idx.msk [tilespmem:v4+s24+$0x0], $0xffff;
	_ =	sdelay $0x3  }
0xb9: {  	v3 =	vor.u32 s12, v3;
	v5 =	vmul.f32 v6, v5;
	_ =	sdelay $0x1  }
0xba: {  	v4 =	vmul.f32 v5, v4;
	_ =	sdelay $0x1  }
0xbb: {  	[tilespmem:s28+$0xFFFFFFE0] =	vst v4  }
0xbc: {  	v4 =	vld.idx.msk [tilespmem:v3+s23+$0x0], $0xffff  }
0xbd: {  	v5 =	vld [tilespmem:s21+$0xFFFFFFF0]  }
0xbe: {  	v3 =	vld.idx.msk [tilespmem:v3+s24+$0x0], $0xffff;
	_ =	sdelay $0x3  }
0xbf: {  	v2 =	vor.u32 s12, v2;
	v4 =	vmul.f32 v5, v4;
	_ =	sdelay $0x1  }
0xc0: {  	v3 =	vmul.f32 v4, v3;
	_ =	sdelay $0x1  }
0xc1: {  	[tilespmem:s28+$0xFFFFFFF0] =	vst v3  }
0xc2: {  	v3 =	vld.idx.msk [tilespmem:v2+s23+$0x0], $0xffff  }
0xc3: {  	v4 =	vld [tilespmem:s21+$0x0]  }
0xc4: {  	v2 =	vld.idx.msk [tilespmem:v2+s24+$0x0], $0xffff;
	_ =	sdelay $0x1  }
0xc5: {  	v1 =	vshll.u32 v1, $0x3  }
0xc6: {  	v1 =	vor.u32 v0, v1  }
0xc7: {  	v1 =	vor.u32 s12, v1;
	v3 =	vmul.f32 v4, v3;
	_ =	sdelay $0x1  }
0xc8: {  	v2 =	vmul.f32 v3, v2;
	_ =	sdelay $0x1  }
0xc9: {  	[tilespmem:s28+$0x0] =	vst v2  }
0xca: {  	v2 =	vld.idx.msk [tilespmem:v1+s23+$0x0], $0xffff  }
0xcb: {  	v3 =	vld [tilespmem:s21+$0x10]  }
0xcc: {  	s19 =	sor.u32 $0x60, s7;
	v1 =	vld.idx.msk [tilespmem:v1+s24+$0x0], $0xffff  }
0xcd: {  	v4 =	vmov s19  }
0xce: {  	v4 =	vshll.u32 v4, $0x3  }
0xcf: {  	v4 =	vor.u32 v0, v4  }
0xd0: {  	v2 =	vmul.f32 v3, v2;
	v3 =	vor.u32 s12, v4;
	_ =	sdelay $0x1  }
0xd1: {  	v1 =	vmul.f32 v2, v1;
	_ =	sdelay $0x1  }
0xd2: {  	[tilespmem:s28+$0x10] =	vst v1  }
0xd3: {  	v1 =	vld.idx.msk [tilespmem:v3+s23+$0x0], $0xffff  }
0xd4: {  	v2 =	vld [tilespmem:s21+$0x20]  }
0xd5: {  	s19 =	sor.u32 $0x70, s7;
	v3 =	vld.idx.msk [tilespmem:v3+s24+$0x0], $0xffff  }
0xd6: {  	v4 =	vmov s19  }
0xd7: {  	v4 =	vshll.u32 v4, $0x3  }
0xd8: {  	v4 =	vor.u32 v0, v4  }
0xd9: {  	v1 =	vmul.f32 v2, v1;
	v2 =	vor.u32 s12, v4;
	_ =	sdelay $0x1  }
0xda: {  	v1 =	vmul.f32 v1, v3;
	_ =	sdelay $0x1  }
0xdb: {  	[tilespmem:s28+$0x20] =	vst v1  }
0xdc: {  	v1 =	vld.idx.msk [tilespmem:v2+s23+$0x0], $0xffff  }
0xdd: {  	s7 =	sadd.s32 $0x20, s7;
	v3 =	vld [tilespmem:s21+$0x30]  }
0xde: {  	s12 =	sand.u32 $0x780, s7;
	v2 =	vld.idx.msk [tilespmem:v2+s24+$0x0], $0xffff  }
0xdf: {  	v4 =	vmov s12;
	s19 =	sor.u32 $0x10, s12;
	s2 =	sor.u32 $0x20, s12;
	s3 =	sor.u32 $0x30, s12  }
0xe0: {  	v4 =	vshll.u32 v4, $0x3;
	v5 =	vmov s19;
	v6 =	vmov s2;
	s2 =	sor.u32 $0x40, s12;
	s19 =	sor.u32 $0x50, s12  }
.Ltmp2:
0xe1: {  	s12 =	sand.u32 $0x3, s0;
	v4 =	vor.u32 v0, v4;
	v5 =	vshll.u32 v5, $0x3;
	v7 =	vshll.u32 v6, $0x3;
	(pc) =	sbr.rel @p3 .LBB2_6-.Ltmp2, $4  }
0xe2: {  	v6 =	vor.u32 s12, v4;
	v5 =	vor.u32 v0, v5;
	v1 =	vmul.f32 v3, v1  }
0xe3: {  	v4 =	vor.u32 v0, v7;
	v7 =	vmov s2;
	v3 =	vmov s3  }
0xe4: {  	v8 =	vshll.u32 v7, $0x3;
	v3 =	vshll.u32 v3, $0x3;
	v7 =	vmul.f32 v1, v2  }
0xe5: {  	v3 =	vor.u32 v0, v3;
	v2 =	vor.u32 v0, v8;
	v1 =	vmov s19;
	s19 =	smov.u32 s1  }
0xe6: {  	_ =	sdelay $0x2  }
0xe7: {  	[tilespmem:s28+$0x30] =	vst v7  }
0xe8: {  	s1 =	sadd.s32 $0x80, s21;
	v7 =	vld.idx.msk [tilespmem:v6+s23+$0x0], $0xffff  }
0xe9: {  	v8 =	vld [tilespmem:s1+$0xFFFFFFC0];
	_ =	sdelay $0x1  }
0xea: {  	v57 =	vld.idx.msk [tilespmem:v6+s24+$0x0], $0xffff;
	_ =	sdelay $0x2  }
0xeb: {  	v5 =	vor.u32 s12, v5;
	v7 =	vmul.f32 v8, v7;
	_ =	sdelay $0x1  }
0xec: {  	v6 =	vmul.f32 v7, v57  }
0xed: {  	s0 =	sadd.s32 $0x80, s28  }
0xee: {  	[tilespmem:s0+$0xFFFFFFC0] =	vst v6  }
0xef: {  	v6 =	vld.idx.msk [tilespmem:v5+s23+$0x0], $0xffff  }
0xf0: {  	v58 =	vld [tilespmem:s1+$0xFFFFFFD0];
	_ =	sdelay $0x1  }
0xf1: {  	v5 =	vld.idx.msk [tilespmem:v5+s24+$0x0], $0xffff;
	_ =	sdelay $0x2  }
0xf2: {  	v4 =	vor.u32 s12, v4;
	v6 =	vmul.f32 v58, v6;
	_ =	sdelay $0x1  }
0xf3: {  	v5 =	vmul.f32 v6, v5;
	_ =	sdelay $0x1  }
0xf4: {  	[tilespmem:s0+$0xFFFFFFD0] =	vst v5  }
0xf5: {  	v5 =	vld.idx.msk [tilespmem:v4+s23+$0x0], $0xffff  }
0xf6: {  	v59 =	vld [tilespmem:s1+$0xFFFFFFE0];
	_ =	sdelay $0x1  }
0xf7: {  	v4 =	vld.idx.msk [tilespmem:v4+s24+$0x0], $0xffff;
	_ =	sdelay $0x2  }
0xf8: {  	v3 =	vor.u32 s12, v3;
	v5 =	vmul.f32 v59, v5;
	_ =	sdelay $0x1  }
0xf9: {  	v4 =	vmul.f32 v5, v4;
	_ =	sdelay $0x1  }
0xfa: {  	[tilespmem:s0+$0xFFFFFFE0] =	vst v4  }
0xfb: {  	v4 =	vld.idx.msk [tilespmem:v3+s23+$0x0], $0xffff  }
0xfc: {  	v60 =	vld [tilespmem:s1+$0xFFFFFFF0];
	_ =	sdelay $0x1  }
0xfd: {  	v3 =	vld.idx.msk [tilespmem:v3+s24+$0x0], $0xffff;
	_ =	sdelay $0x2  }
0xfe: {  	v2 =	vor.u32 s12, v2;
	v4 =	vmul.f32 v60, v4;
	_ =	sdelay $0x1  }
0xff: {  	v3 =	vmul.f32 v4, v3;
	_ =	sdelay $0x1  }
0x100: {  	[tilespmem:s0+$0xFFFFFFF0] =	vst v3  }
0x101: {  	v3 =	vld.idx.msk [tilespmem:v2+s23+$0x0], $0xffff  }
0x102: {  	v61 =	vld [tilespmem:s1+$0x0];
	_ =	sdelay $0x1  }
0x103: {  	v2 =	vld.idx.msk [tilespmem:v2+s24+$0x0], $0xffff  }
0x104: {  	v1 =	vshll.u32 v1, $0x3  }
0x105: {  	v1 =	vor.u32 v0, v1  }
0x106: {  	v1 =	vor.u32 s12, v1;
	v3 =	vmul.f32 v61, v3;
	_ =	sdelay $0x1  }
0x107: {  	v2 =	vmul.f32 v3, v2;
	_ =	sdelay $0x1  }
0x108: {  	[tilespmem:s0+$0x0] =	vst v2  }
0x109: {  	v2 =	vld.idx.msk [tilespmem:v1+s23+$0x0], $0xffff  }
0x10a: {  	v3 =	vld [tilespmem:s1+$0x10]  }
0x10b: {  	s2 =	sor.u32 $0x60, s7  }
0x10c: {  	v62 =	vmov s2;
	v1 =	vld.idx.msk [tilespmem:v1+s24+$0x0], $0xffff  }
0x10d: {  	v4 =	vshll.u32 v62, $0x3  }
0x10e: {  	v4 =	vor.u32 v0, v4  }
0x10f: {  	v2 =	vmul.f32 v3, v2;
	v3 =	vor.u32 s12, v4;
	_ =	sdelay $0x1  }
0x110: {  	v1 =	vmul.f32 v2, v1;
	_ =	sdelay $0x1  }
0x111: {  	[tilespmem:s0+$0x10] =	vst v1  }
0x112: {  	v1 =	vld.idx.msk [tilespmem:v3+s23+$0x0], $0xffff  }
0x113: {  	v2 =	vld [tilespmem:s1+$0x20]  }
0x114: {  	s7 =	sor.u32 $0x70, s7  }
0x115: {  	v63 =	vmov s7;
	v3 =	vld.idx.msk [tilespmem:v3+s24+$0x0], $0xffff  }
0x116: {  	v4 =	vshll.u32 v63, $0x3  }
0x117: {  	v4 =	vor.u32 v0, v4  }
0x118: {  	v1 =	vmul.f32 v2, v1;
	v2 =	vor.u32 s12, v4;
	_ =	sdelay $0x1  }
0x119: {  	v1 =	vmul.f32 v1, v3;
	_ =	sdelay $0x1  }
0x11a: {  	[tilespmem:s0+$0x20] =	vst v1  }
0x11b: {  	v1 =	vld.idx.msk [tilespmem:v2+s23+$0x0], $0xffff  }
0x11c: {  	v3 =	vld [tilespmem:s1+$0x30];
	_ =	sdelay $0x1  }
0x11d: {  	v2 =	vld.idx.msk [tilespmem:v2+s24+$0x0], $0xffff;
	_ =	sdelay $0x1  }
0x11e: {  	s19 =	sadd.s32 s11, s10  }
0x11f: {  	s1 =	smul.u32 $0xC, s19;
	v1 =	vmul.f32 v3, v1  }
.Ltmp3:
0x120: {  	_ = 	snop;
	(pc) =	sbr.rel @p2 .LBB2_11-.Ltmp3, $4  }
0x121: {  	s1 =	smin.u32 s1, $0x619C;
	v1 =	vmul.f32 v1, v2  }
0x122: {  	s1 =	sshll.u32 s1, $0x6  }
0x123: {  	s28 =	simm.s32 $0x10800;
	s21 =	sadd.s32 s15, s1;
	[tilespmem:s0+$0x30] =	vst v1  }
0x124: {  	[hbm4b:s21+s6] =	stream.linear.scatter [tilespmem:s28], [sflag:$0x7], $0x1800, $0x38;
	[tilespmem:$0x1FB80] =	vst v63  }
0x125: {  	_ =	swait.ge [sflag:s20], $0x600  }
0x126: {  	[sflag:s20] =	ssyncset.done $0x0  }
0x127: {  	s0 =	sadd.s32 s11, s16;
	[sflag:s20] =	ssyncadd.s32 $0xFFFFFA00  }
0x128: {  	s0 =	smul.u32 $0xC, s0;
	_ =	swait.ge [sflag:s20], $0x600  }
0x129: {  	[sflag:s20] =	ssyncset.done $0x0  }
0x12a: {  	s0 =	smin.u32 s0, $0x619C;
	[sflag:s20] =	ssyncadd.s32 $0xFFFFFA00  }
0x12b: {  	s0 =	sshll.u32 s0, $0x6;
	s1 =	rddreg [dreg:$0x1]  }
0x12c: {  	s28 =	simm.s32 $0xD800;
	s0 =	sadd.s32 s1, s0  }
0x12d: {  	[tilespmem:s28], [sflag:$0x5] =	stream.linear.gather [hbm4b:s0+s6], $0x1800, $0x38;
	[tilespmem:$0x1FB80] =	vst v63  }
0x12e: {  	_ = 	snop  }
0x12f: {  	[tilespmem:s23], [sflag:$0x3] =	stream.indirect.gather [spmem:s5], $0x8, s6, s22, $0xb8;
	[tilespmem:$0x1FB80] =	vst v63  }
0x130: {  	s2 =	simm.s32 $0xC00  }
0x131: {  	[tilespmem:s24], [sflag:$0x3] =	stream.indirect.gather [spmem:s5], $0x8, s2, s22, $0xb8;
	[tilespmem:$0x1FB80] =	vst v63  }
0x132: {  	_ =	swait.ge [sflag:s8], $0x3000  }
0x133: {  	[sflag:s8] =	ssyncset.done $0x0  }
0x134: {  	[sflag:s8] =	ssyncadd.s32 $0xFFFFD000  }
0x135: {  	_ =	swait.ge [sflag:s8], $0x3000  }
0x136: {  	s3 =	rddreg [dreg:$0xd];
	[sflag:s8] =	ssyncset.done $0x0  }
0x137: {  	s0 =	sadd.s32 s10, s3;
	[sflag:s8] =	ssyncadd.s32 $0xFFFFD000  }
0x138: {  	s0 =	smul.u32 $0xC, s0;
	_ =	swait.ge [sflag:s9], $0x1800  }
0x139: {  	[sflag:s9] =	ssyncset.done $0x0  }
0x13a: {  	s7 =	smin.u32 s0, $0x619C;
	[sflag:s9] =	ssyncadd.s32 $0xFFFFE800  }
0x13b: {  	s0 =	simm.s32 $0x0;
	s1 =	sshll.u32 s7, $0x4;
	s2 =	rddreg [dreg:$0x2]  }
0x13c: {  	s12 =	sand.u32 $0x780, s0;
	s10 =	rddreg [dreg:$0x3];
	s2 =	sadd.s32 s2, s1  }
0x13d: {  	v1 =	vmov s12;
	[tilespmem:s22], [sflag:$0x2] =	stream.linear.gather [hbm4b:s2+s6], $0x600, $0x38;
	[tilespmem:$0x1FB80] =	vst v63  }
0x13e: {  	s7 =	sand.u32 $0x3, s0;
	s1 =	sadd.s32 s10, s1;
	v1 =	vshll.u32 v1, $0x3  }
0x13f: {  	v1 =	vor.u32 v0, v1;
	[tilespmem:s25], [sflag:$0x2] =	stream.linear.gather [hbm4b:s1+s6], $0x600, $0x38;
	[tilespmem:$0x1FB80] =	vst v63  }
0x140: {  	v1 =	vor.u32 s7, v1;
	s1 =	simm.s32 @!p1 $0x8  }
0x141: {  	_ =	swait.ge @!p1 [sflag:s1], $0x1800  }
0x142: {  	[sflag:s1] =	ssyncset.done @!p1 $0x0  }
0x143: {  	s10 =	simm.s32 $0xF070;
	[sflag:s1] =	ssyncadd.s32 @!p1 $0xFFFFE800  }
0x144: {  	v3 =	vld [tilespmem:s10+$0xFFFFFF90]  }
0x145: {  	v2 =	vld.idx.msk [tilespmem:v1+s29+$0x0], $0xffff  }
0x146: {  	s16 =	sor.u32 $0x10, s12  }
0x147: {  	v4 =	vmov s16;
	v1 =	vld.idx.msk [tilespmem:v1+s30+$0x0], $0xffff  }
0x148: {  	v4 =	vshll.u32 v4, $0x3  }
0x149: {  	v4 =	vor.u32 v0, v4  }
0x14a: {  	v2 =	vmul.f32 v3, v2;
	v3 =	vor.u32 s7, v4;
	_ =	sdelay $0x1  }
0x14b: {  	v1 =	vmul.f32 v2, v1  }
0x14c: {  	s16 =	simm.s32 $0x12070  }
0x14d: {  	[tilespmem:s16+$0xFFFFFF90] =	vst v1  }
0x14e: {  	v1 =	vld.idx.msk [tilespmem:v3+s29+$0x0], $0xffff  }
0x14f: {  	v2 =	vld [tilespmem:s10+$0xFFFFFFA0]  }
0x150: {  	s19 =	sor.u32 $0x20, s12  }
0x151: {  	v4 =	vmov s19;
	v3 =	vld.idx.msk [tilespmem:v3+s30+$0x0], $0xffff  }
0x152: {  	v4 =	vshll.u32 v4, $0x3  }
0x153: {  	v4 =	vor.u32 v0, v4  }
0x154: {  	v1 =	vmul.f32 v2, v1;
	v2 =	vor.u32 s7, v4;
	_ =	sdelay $0x1  }
0x155: {  	v1 =	vmul.f32 v1, v3;
	_ =	sdelay $0x1  }
0x156: {  	[tilespmem:s16+$0xFFFFFFA0] =	vst v1  }
0x157: {  	v1 =	vld.idx.msk [tilespmem:v2+s29+$0x0], $0xffff  }
0x158: {  	v3 =	vld [tilespmem:s10+$0xFFFFFFB0]  }
0x159: {  	s21 =	sor.u32 $0x30, s12  }
0x15a: {  	v4 =	vmov s21;
	v2 =	vld.idx.msk [tilespmem:v2+s30+$0x0], $0xffff  }
0x15b: {  	v4 =	vshll.u32 v4, $0x3  }
0x15c: {  	v4 =	vor.u32 v0, v4  }
0x15d: {  	v1 =	vmul.f32 v3, v1;
	v3 =	vor.u32 s7, v4;
	_ =	sdelay $0x1  }
0x15e: {  	v1 =	vmul.f32 v1, v2;
	_ =	sdelay $0x1  }
0x15f: {  	[tilespmem:s16+$0xFFFFFFB0] =	vst v1  }
0x160: {  	v1 =	vld.idx.msk [tilespmem:v3+s29+$0x0], $0xffff  }
0x161: {  	v2 =	vld [tilespmem:s10+$0xFFFFFFC0]  }
0x162: {  	s28 =	sor.u32 $0x40, s12  }
0x163: {  	v4 =	vmov s28;
	v3 =	vld.idx.msk [tilespmem:v3+s30+$0x0], $0xffff  }
0x164: {  	v4 =	vshll.u32 v4, $0x3  }
0x165: {  	v4 =	vor.u32 v0, v4  }
0x166: {  	v1 =	vmul.f32 v2, v1;
	v2 =	vor.u32 s7, v4;
	_ =	sdelay $0x1  }
0x167: {  	v1 =	vmul.f32 v1, v3;
	_ =	sdelay $0x1  }
0x168: {  	[tilespmem:s16+$0xFFFFFFC0] =	vst v1  }
0x169: {  	v1 =	vld.idx.msk [tilespmem:v2+s29+$0x0], $0xffff  }
0x16a: {  	v3 =	vld [tilespmem:s10+$0xFFFFFFD0]  }
0x16b: {  	s2 =	sor.u32 $0x50, s12  }
0x16c: {  	v4 =	vmov s2;
	v2 =	vld.idx.msk [tilespmem:v2+s30+$0x0], $0xffff  }
0x16d: {  	v4 =	vshll.u32 v4, $0x3  }
0x16e: {  	v4 =	vor.u32 v0, v4  }
0x16f: {  	v1 =	vmul.f32 v3, v1;
	v3 =	vor.u32 s7, v4;
	_ =	sdelay $0x1  }
0x170: {  	v1 =	vmul.f32 v1, v2;
	_ =	sdelay $0x1  }
0x171: {  	[tilespmem:s16+$0xFFFFFFD0] =	vst v1  }
0x172: {  	v1 =	vld.idx.msk [tilespmem:v3+s29+$0x0], $0xffff  }
0x173: {  	v2 =	vld [tilespmem:s10+$0xFFFFFFE0]  }
0x174: {  	s3 =	sor.u32 $0x60, s0  }
0x175: {  	v4 =	vmov s3;
	v3 =	vld.idx.msk [tilespmem:v3+s30+$0x0], $0xffff  }
0x176: {  	v4 =	vshll.u32 v4, $0x3  }
0x177: {  	v4 =	vor.u32 v0, v4  }
0x178: {  	v1 =	vmul.f32 v2, v1;
	v2 =	vor.u32 s7, v4;
	_ =	sdelay $0x1  }
0x179: {  	v1 =	vmul.f32 v1, v3;
	_ =	sdelay $0x1  }
0x17a: {  	[tilespmem:s16+$0xFFFFFFE0] =	vst v1  }
0x17b: {  	v1 =	vld.idx.msk [tilespmem:v2+s29+$0x0], $0xffff  }
0x17c: {  	v3 =	vld [tilespmem:s10+$0xFFFFFFF0]  }
0x17d: {  	s0 =	sor.u32 $0x70, s0  }
0x17e: {  	v4 =	vmov s0;
	v2 =	vld.idx.msk [tilespmem:v2+s30+$0x0], $0xffff  }
0x17f: {  	v4 =	vshll.u32 v4, $0x3  }
0x180: {  	v4 =	vor.u32 v0, v4  }
0x181: {  	v1 =	vmul.f32 v3, v1;
	v3 =	vor.u32 s7, v4;
	_ =	sdelay $0x1  }
0x182: {  	v1 =	vmul.f32 v1, v2;
	_ =	sdelay $0x1  }
0x183: {  	[tilespmem:s16+$0xFFFFFFF0] =	vst v1  }
0x184: {  	s21 =	simm.s32 $0x20;
	v1 =	vld.idx.msk [tilespmem:v3+s29+$0x0], $0xffff  }
0x185: {  	s0 =	sand.u32 $0x780, s21;
	v2 =	vld [tilespmem:s10+$0x0]  }
0x186: {  	s12 =	sor.u32 $0x20, s0  }
0x187: {  	s19 =	sor.u32 $0x30, s0;
	s28 =	sor.u32 $0x40, s0;
	v6 =	vmov s12;
	v3 =	vld.idx.msk [tilespmem:v3+s30+$0x0], $0xffff  }
0x188: {  	v7 =	vmov s19;
	v8 =	vmov s28;
	v4 =	vmov s0  }
0x189: {  	s3 =	simm.s32 $0x1;
	v9 =	vshll.u32 v6, $0x3;
	v63 =	vshll.u32 v7, $0x3;
	s7 =	sor.u32 $0x10, s0;
	v4 =	vshll.u32 v4, $0x3  }
0x18a: {  	v5 =	vmov s7;
	s7 =	sand.u32 $0x3, s3;
	v4 =	vor.u32 v0, v4;
	v2 =	vmul.f32 v2, v1  }
0x18b: {  	v8 =	vshll.u32 v8, $0x3;
	v5 =	vshll.u32 v5, $0x3;
	v6 =	vor.u32 s7, v4  }
0x18c: {  	s0 =	sor.u32 $0x50, s0;
	v5 =	vor.u32 v0, v5;
	v4 =	vor.u32 v0, v9;
	v7 =	vmul.f32 v2, v3  }
0x18d: {  	s1 =	simm.s32 $0x2;
	v1 =	vmov s0;
	v3 =	vor.u32 v0, v63;
	v2 =	vor.u32 v0, v8  }
.LBB2_9:
0x18e: {  	[tilespmem:s16+$0x0] =	vst v7;
	s16 =	sadd.s32 $0x80, s16  }
0x18f: {  	s10 =	sadd.s32 $0x80, s10;
	s0 =	smov.u32 s1;
	s12 =	sadd.s32 $0x1, s1  }
0x190: {  	p1 =	sne.s32 s1, $0x2F;
	v7 =	vld.idx.msk [tilespmem:v6+s29+$0x0], $0xffff  }
0x191: {  	v8 =	vld [tilespmem:s10+$0xFFFFFF90]  }
0x192: {  	v6 =	vld.idx.msk [tilespmem:v6+s30+$0x0], $0xffff;
	_ =	sdelay $0x3  }
0x193: {  	v5 =	vor.u32 s7, v5;
	v7 =	vmul.f32 v8, v7;
	_ =	sdelay $0x1  }
0x194: {  	v6 =	vmul.f32 v7, v6;
	_ =	sdelay $0x1  }
0x195: {  	[tilespmem:s16+$0xFFFFFF90] =	vst v6  }
0x196: {  	v6 =	vld.idx.msk [tilespmem:v5+s29+$0x0], $0xffff  }
0x197: {  	v7 =	vld [tilespmem:s10+$0xFFFFFFA0]  }
0x198: {  	v5 =	vld.idx.msk [tilespmem:v5+s30+$0x0], $0xffff;
	_ =	sdelay $0x3  }
0x199: {  	v4 =	vor.u32 s7, v4;
	v6 =	vmul.f32 v7, v6;
	_ =	sdelay $0x1  }
0x19a: {  	v5 =	vmul.f32 v6, v5;
	_ =	sdelay $0x1  }
0x19b: {  	[tilespmem:s16+$0xFFFFFFA0] =	vst v5  }
0x19c: {  	v5 =	vld.idx.msk [tilespmem:v4+s29+$0x0], $0xffff  }
0x19d: {  	v6 =	vld [tilespmem:s10+$0xFFFFFFB0]  }
0x19e: {  	v4 =	vld.idx.msk [tilespmem:v4+s30+$0x0], $0xffff;
	_ =	sdelay $0x3  }
0x19f: {  	v3 =	vor.u32 s7, v3;
	v5 =	vmul.f32 v6, v5;
	_ =	sdelay $0x1  }
0x1a0: {  	v4 =	vmul.f32 v5, v4;
	_ =	sdelay $0x1  }
0x1a1: {  	[tilespmem:s16+$0xFFFFFFB0] =	vst v4  }
0x1a2: {  	v4 =	vld.idx.msk [tilespmem:v3+s29+$0x0], $0xffff  }
0x1a3: {  	v5 =	vld [tilespmem:s10+$0xFFFFFFC0]  }
0x1a4: {  	v3 =	vld.idx.msk [tilespmem:v3+s30+$0x0], $0xffff;
	_ =	sdelay $0x3  }
0x1a5: {  	v2 =	vor.u32 s7, v2;
	v4 =	vmul.f32 v5, v4;
	_ =	sdelay $0x1  }
0x1a6: {  	v3 =	vmul.f32 v4, v3;
	_ =	sdelay $0x1  }
0x1a7: {  	[tilespmem:s16+$0xFFFFFFC0] =	vst v3  }
0x1a8: {  	v3 =	vld.idx.msk [tilespmem:v2+s29+$0x0], $0xffff  }
0x1a9: {  	v4 =	vld [tilespmem:s10+$0xFFFFFFD0]  }
0x1aa: {  	v2 =	vld.idx.msk [tilespmem:v2+s30+$0x0], $0xffff;
	_ =	sdelay $0x1  }
0x1ab: {  	v1 =	vshll.u32 v1, $0x3  }
0x1ac: {  	v1 =	vor.u32 v0, v1  }
0x1ad: {  	v1 =	vor.u32 s7, v1;
	v3 =	vmul.f32 v4, v3;
	_ =	sdelay $0x1  }
0x1ae: {  	v2 =	vmul.f32 v3, v2;
	_ =	sdelay $0x1  }
0x1af: {  	[tilespmem:s16+$0xFFFFFFD0] =	vst v2  }
0x1b0: {  	v2 =	vld.idx.msk [tilespmem:v1+s29+$0x0], $0xffff  }
0x1b1: {  	v3 =	vld [tilespmem:s10+$0xFFFFFFE0]  }
0x1b2: {  	s1 =	sor.u32 $0x60, s21;
	v1 =	vld.idx.msk [tilespmem:v1+s30+$0x0], $0xffff  }
0x1b3: {  	v4 =	vmov s1  }
0x1b4: {  	v4 =	vshll.u32 v4, $0x3  }
0x1b5: {  	v4 =	vor.u32 v0, v4  }
0x1b6: {  	v2 =	vmul.f32 v3, v2;
	v3 =	vor.u32 s7, v4;
	_ =	sdelay $0x1  }
0x1b7: {  	v1 =	vmul.f32 v2, v1;
	_ =	sdelay $0x1  }
0x1b8: {  	[tilespmem:s16+$0xFFFFFFE0] =	vst v1  }
0x1b9: {  	v1 =	vld.idx.msk [tilespmem:v3+s29+$0x0], $0xffff  }
0x1ba: {  	v2 =	vld [tilespmem:s10+$0xFFFFFFF0]  }
0x1bb: {  	s1 =	sor.u32 $0x70, s21;
	v3 =	vld.idx.msk [tilespmem:v3+s30+$0x0], $0xffff  }
0x1bc: {  	v4 =	vmov s1  }
0x1bd: {  	v4 =	vshll.u32 v4, $0x3  }
0x1be: {  	v4 =	vor.u32 v0, v4  }
0x1bf: {  	v1 =	vmul.f32 v2, v1;
	v2 =	vor.u32 s7, v4;
	_ =	sdelay $0x1  }
0x1c0: {  	v1 =	vmul.f32 v1, v3;
	_ =	sdelay $0x1  }
0x1c1: {  	[tilespmem:s16+$0xFFFFFFF0] =	vst v1  }
0x1c2: {  	v1 =	vld.idx.msk [tilespmem:v2+s29+$0x0], $0xffff  }
0x1c3: {  	s21 =	sadd.s32 $0x20, s21;
	v3 =	vld [tilespmem:s10+$0x0]  }
0x1c4: {  	s1 =	sand.u32 $0x780, s21;
	v2 =	vld.idx.msk [tilespmem:v2+s30+$0x0], $0xffff  }
0x1c5: {  	s2 =	sor.u32 $0x10, s1;
	s3 =	sor.u32 $0x20, s1;
	s19 =	sor.u32 $0x30, s1;
	v4 =	vmov s1  }
0x1c6: {  	v5 =	vmov s2;
	v6 =	vmov s3;
	s2 =	sor.u32 $0x40, s1;
	s1 =	sor.u32 $0x50, s1;
	v4 =	vshll.u32 v4, $0x3  }
.Ltmp4:
0x1c7: {  	v5 =	vshll.u32 v5, $0x3;
	v7 =	vshll.u32 v6, $0x3;
	s7 =	sand.u32 $0x3, s0;
	v4 =	vor.u32 v0, v4;
	(pc) =	sbr.rel @p1 .LBB2_9-.Ltmp4, $4  }
0x1c8: {  	v5 =	vor.u32 v0, v5;
	v6 =	vor.u32 s7, v4;
	v1 =	vmul.f32 v3, v1  }
0x1c9: {  	v4 =	vor.u32 v0, v7;
	v7 =	vmov s2;
	v3 =	vmov s19  }
0x1ca: {  	v8 =	vshll.u32 v7, $0x3;
	v3 =	vshll.u32 v3, $0x3;
	v7 =	vmul.f32 v1, v2  }
0x1cb: {  	v3 =	vor.u32 v0, v3;
	v2 =	vor.u32 v0, v8;
	v1 =	vmov s1;
	s1 =	smov.u32 s12  }
0x1cc: {  	_ =	sdelay $0x2  }
0x1cd: {  	[tilespmem:s16+$0x0] =	vst v7  }
0x1ce: {  	s0 =	sadd.s32 $0x80, s10;
	v7 =	vld.idx.msk [tilespmem:v6+s29+$0x0], $0xffff  }
0x1cf: {  	v8 =	vld [tilespmem:s0+$0xFFFFFF90];
	_ =	sdelay $0x1  }
0x1d0: {  	v57 =	vld.idx.msk [tilespmem:v6+s30+$0x0], $0xffff;
	_ =	sdelay $0x2  }
0x1d1: {  	v5 =	vor.u32 s7, v5;
	v7 =	vmul.f32 v8, v7;
	_ =	sdelay $0x1  }
0x1d2: {  	v6 =	vmul.f32 v7, v57  }
0x1d3: {  	s1 =	sadd.s32 $0x80, s16  }
0x1d4: {  	[tilespmem:s1+$0xFFFFFF90] =	vst v6  }
0x1d5: {  	v6 =	vld.idx.msk [tilespmem:v5+s29+$0x0], $0xffff  }
0x1d6: {  	v58 =	vld [tilespmem:s0+$0xFFFFFFA0];
	_ =	sdelay $0x1  }
0x1d7: {  	v5 =	vld.idx.msk [tilespmem:v5+s30+$0x0], $0xffff;
	_ =	sdelay $0x2  }
0x1d8: {  	v4 =	vor.u32 s7, v4;
	v6 =	vmul.f32 v58, v6;
	_ =	sdelay $0x1  }
0x1d9: {  	v5 =	vmul.f32 v6, v5;
	_ =	sdelay $0x1  }
0x1da: {  	[tilespmem:s1+$0xFFFFFFA0] =	vst v5  }
0x1db: {  	v5 =	vld.idx.msk [tilespmem:v4+s29+$0x0], $0xffff  }
0x1dc: {  	v59 =	vld [tilespmem:s0+$0xFFFFFFB0];
	_ =	sdelay $0x1  }
0x1dd: {  	v4 =	vld.idx.msk [tilespmem:v4+s30+$0x0], $0xffff;
	_ =	sdelay $0x2  }
0x1de: {  	v3 =	vor.u32 s7, v3;
	v5 =	vmul.f32 v59, v5;
	_ =	sdelay $0x1  }
0x1df: {  	v4 =	vmul.f32 v5, v4;
	_ =	sdelay $0x1  }
0x1e0: {  	[tilespmem:s1+$0xFFFFFFB0] =	vst v4  }
0x1e1: {  	v4 =	vld.idx.msk [tilespmem:v3+s29+$0x0], $0xffff  }
0x1e2: {  	v60 =	vld [tilespmem:s0+$0xFFFFFFC0];
	_ =	sdelay $0x1  }
0x1e3: {  	v3 =	vld.idx.msk [tilespmem:v3+s30+$0x0], $0xffff;
	_ =	sdelay $0x2  }
0x1e4: {  	v2 =	vor.u32 s7, v2;
	v4 =	vmul.f32 v60, v4;
	_ =	sdelay $0x1  }
0x1e5: {  	v3 =	vmul.f32 v4, v3;
	_ =	sdelay $0x1  }
0x1e6: {  	[tilespmem:s1+$0xFFFFFFC0] =	vst v3  }
0x1e7: {  	v3 =	vld.idx.msk [tilespmem:v2+s29+$0x0], $0xffff  }
0x1e8: {  	v61 =	vld [tilespmem:s0+$0xFFFFFFD0];
	_ =	sdelay $0x1  }
0x1e9: {  	v2 =	vld.idx.msk [tilespmem:v2+s30+$0x0], $0xffff  }
0x1ea: {  	v1 =	vshll.u32 v1, $0x3  }
0x1eb: {  	v1 =	vor.u32 v0, v1  }
0x1ec: {  	v1 =	vor.u32 s7, v1;
	v3 =	vmul.f32 v61, v3;
	_ =	sdelay $0x1  }
0x1ed: {  	v2 =	vmul.f32 v3, v2;
	_ =	sdelay $0x1  }
0x1ee: {  	[tilespmem:s1+$0xFFFFFFD0] =	vst v2  }
0x1ef: {  	v2 =	vld.idx.msk [tilespmem:v1+s29+$0x0], $0xffff  }
0x1f0: {  	v3 =	vld [tilespmem:s0+$0xFFFFFFE0]  }
0x1f1: {  	s2 =	sor.u32 $0x60, s21  }
0x1f2: {  	v62 =	vmov s2;
	v1 =	vld.idx.msk [tilespmem:v1+s30+$0x0], $0xffff  }
0x1f3: {  	v4 =	vshll.u32 v62, $0x3  }
0x1f4: {  	v4 =	vor.u32 v0, v4  }
0x1f5: {  	v2 =	vmul.f32 v3, v2;
	v3 =	vor.u32 s7, v4;
	_ =	sdelay $0x1  }
0x1f6: {  	v1 =	vmul.f32 v2, v1;
	_ =	sdelay $0x1  }
0x1f7: {  	[tilespmem:s1+$0xFFFFFFE0] =	vst v1  }
0x1f8: {  	v1 =	vld.idx.msk [tilespmem:v3+s29+$0x0], $0xffff  }
0x1f9: {  	v2 =	vld [tilespmem:s0+$0xFFFFFFF0]  }
0x1fa: {  	s19 =	sor.u32 $0x70, s21  }
0x1fb: {  	v63 =	vmov s19;
	v3 =	vld.idx.msk [tilespmem:v3+s30+$0x0], $0xffff  }
0x1fc: {  	v4 =	vshll.u32 v63, $0x3  }
0x1fd: {  	v4 =	vor.u32 v0, v4  }
0x1fe: {  	v1 =	vmul.f32 v2, v1;
	v2 =	vor.u32 s7, v4;
	_ =	sdelay $0x1  }
0x1ff: {  	v1 =	vmul.f32 v1, v3;
	_ =	sdelay $0x1  }
0x200: {  	[tilespmem:s1+$0xFFFFFFF0] =	vst v1  }
0x201: {  	v1 =	vld.idx.msk [tilespmem:v2+s29+$0x0], $0xffff  }
0x202: {  	v3 =	vld [tilespmem:s0+$0x0];
	_ =	sdelay $0x1  }
0x203: {  	v2 =	vld.idx.msk [tilespmem:v2+s30+$0x0], $0xffff;
	_ =	sdelay $0x2  }
0x204: {  	v1 =	vmul.f32 v3, v1  }
.Ltmp5:
0x205: {  	_ = 	snop;
	(pc) =	sbr.rel .LBB2_2-.Ltmp5, $3  }
0x206: {  	v1 =	vmul.f32 v1, v2;
	_ =	sdelay $0x1  }
0x207: {  	s21 =	sadd.s32 s15, s18;
	s28 =	simm.s32 $0x12000;
	s17 =	sadd.s32 $0x1, s17;
	[tilespmem:s1+$0x0] =	vst v1  }
0x208: {  	[hbm4b:s21+s6] =	stream.linear.scatter [tilespmem:s28], [sflag:$0x8], $0x1800, $0x38;
	[tilespmem:$0x1FB80] =	vst v63  }
.LBB2_11:
0x209: {  	_ =	swait.ge [sflag:s8], $0x3000  }
0x20a: {  	[sflag:s8] =	ssyncset.done $0x0  }
0x20b: {  	s0 =	simm.s32 $0x0;
	[sflag:s8] =	ssyncadd.s32 $0xFFFFD000  }
0x20c: {  	s1 =	sand.u32 $0x780, s0;
	_ =	swait.ge [sflag:s8], $0x3000  }
0x20d: {  	v1 =	vmov s1;
	[sflag:s8] =	ssyncset.done $0x0  }
0x20e: {  	v1 =	vshll.u32 v1, $0x3;
	[sflag:s8] =	ssyncadd.s32 $0xFFFFD000  }
0x20f: {  	s7 =	sand.u32 $0x3, s0;
	v1 =	vor.u32 v0, v1;
	_ =	swait.ge [sflag:s9], $0x1800  }
0x210: {  	v1 =	vor.u32 s7, v1;
	[sflag:s9] =	ssyncset.done $0x0  }
0x211: {  	s2 =	simm.s32 $0x8;
	[sflag:s9] =	ssyncadd.s32 $0xFFFFE800  }
0x212: {  	_ =	swait.ge [sflag:s2], $0x1800  }
0x213: {  	[sflag:s2] =	ssyncset.done $0x0  }
0x214: {  	[sflag:s2] =	ssyncadd.s32 $0xFFFFE800  }
0x215: {  	s10 =	simm.s32 $0xF070;
	v2 =	vld.idx.msk [tilespmem:v1+s29+$0x0], $0xffff  }
0x216: {  	v3 =	vld [tilespmem:s10+$0xFFFFFF90]  }
0x217: {  	s19 =	sor.u32 $0x10, s1  }
0x218: {  	v4 =	vmov s19;
	v1 =	vld.idx.msk [tilespmem:v1+s30+$0x0], $0xffff  }
0x219: {  	v4 =	vshll.u32 v4, $0x3  }
0x21a: {  	v4 =	vor.u32 v0, v4  }
0x21b: {  	v2 =	vmul.f32 v3, v2;
	v3 =	vor.u32 s7, v4;
	_ =	sdelay $0x1  }
0x21c: {  	v1 =	vmul.f32 v2, v1  }
0x21d: {  	s16 =	simm.s32 $0x12070  }
0x21e: {  	[tilespmem:s16+$0xFFFFFF90] =	vst v1  }
0x21f: {  	v1 =	vld.idx.msk [tilespmem:v3+s29+$0x0], $0xffff  }
0x220: {  	v2 =	vld [tilespmem:s10+$0xFFFFFFA0]  }
0x221: {  	s21 =	sor.u32 $0x20, s1  }
0x222: {  	v4 =	vmov s21;
	v3 =	vld.idx.msk [tilespmem:v3+s30+$0x0], $0xffff  }
0x223: {  	v4 =	vshll.u32 v4, $0x3  }
0x224: {  	v4 =	vor.u32 v0, v4  }
0x225: {  	v1 =	vmul.f32 v2, v1;
	v2 =	vor.u32 s7, v4;
	_ =	sdelay $0x1  }
0x226: {  	v1 =	vmul.f32 v1, v3;
	_ =	sdelay $0x1  }
0x227: {  	[tilespmem:s16+$0xFFFFFFA0] =	vst v1  }
0x228: {  	v1 =	vld.idx.msk [tilespmem:v2+s29+$0x0], $0xffff  }
0x229: {  	v3 =	vld [tilespmem:s10+$0xFFFFFFB0]  }
0x22a: {  	s28 =	sor.u32 $0x30, s1  }
0x22b: {  	v4 =	vmov s28;
	v2 =	vld.idx.msk [tilespmem:v2+s30+$0x0], $0xffff  }
0x22c: {  	v4 =	vshll.u32 v4, $0x3  }
0x22d: {  	v4 =	vor.u32 v0, v4  }
0x22e: {  	v1 =	vmul.f32 v3, v1;
	v3 =	vor.u32 s7, v4;
	_ =	sdelay $0x1  }
0x22f: {  	v1 =	vmul.f32 v1, v2;
	_ =	sdelay $0x1  }
0x230: {  	[tilespmem:s16+$0xFFFFFFB0] =	vst v1  }
0x231: {  	v1 =	vld.idx.msk [tilespmem:v3+s29+$0x0], $0xffff  }
0x232: {  	v2 =	vld [tilespmem:s10+$0xFFFFFFC0]  }
0x233: {  	s3 =	sor.u32 $0x40, s1  }
0x234: {  	v4 =	vmov s3;
	v3 =	vld.idx.msk [tilespmem:v3+s30+$0x0], $0xffff  }
0x235: {  	v4 =	vshll.u32 v4, $0x3  }
0x236: {  	v4 =	vor.u32 v0, v4  }
0x237: {  	v1 =	vmul.f32 v2, v1;
	v2 =	vor.u32 s7, v4;
	_ =	sdelay $0x1  }
0x238: {  	v1 =	vmul.f32 v1, v3;
	_ =	sdelay $0x1  }
0x239: {  	[tilespmem:s16+$0xFFFFFFC0] =	vst v1  }
0x23a: {  	v1 =	vld.idx.msk [tilespmem:v2+s29+$0x0], $0xffff  }
0x23b: {  	v3 =	vld [tilespmem:s10+$0xFFFFFFD0]  }
0x23c: {  	s1 =	sor.u32 $0x50, s1  }
0x23d: {  	v4 =	vmov s1;
	v2 =	vld.idx.msk [tilespmem:v2+s30+$0x0], $0xffff  }
0x23e: {  	v4 =	vshll.u32 v4, $0x3  }
0x23f: {  	v4 =	vor.u32 v0, v4  }
0x240: {  	v1 =	vmul.f32 v3, v1;
	v3 =	vor.u32 s7, v4;
	_ =	sdelay $0x1  }
0x241: {  	v1 =	vmul.f32 v1, v2;
	_ =	sdelay $0x1  }
0x242: {  	[tilespmem:s16+$0xFFFFFFD0] =	vst v1  }
0x243: {  	v1 =	vld.idx.msk [tilespmem:v3+s29+$0x0], $0xffff  }
0x244: {  	v2 =	vld [tilespmem:s10+$0xFFFFFFE0]  }
0x245: {  	s12 =	sor.u32 $0x60, s0  }
0x246: {  	v4 =	vmov s12;
	v3 =	vld.idx.msk [tilespmem:v3+s30+$0x0], $0xffff  }
0x247: {  	v4 =	vshll.u32 v4, $0x3  }
0x248: {  	v4 =	vor.u32 v0, v4  }
0x249: {  	v1 =	vmul.f32 v2, v1;
	v2 =	vor.u32 s7, v4;
	_ =	sdelay $0x1  }
0x24a: {  	v1 =	vmul.f32 v1, v3;
	_ =	sdelay $0x1  }
0x24b: {  	[tilespmem:s16+$0xFFFFFFE0] =	vst v1  }
0x24c: {  	v1 =	vld.idx.msk [tilespmem:v2+s29+$0x0], $0xffff  }
0x24d: {  	v3 =	vld [tilespmem:s10+$0xFFFFFFF0]  }
0x24e: {  	s0 =	sor.u32 $0x70, s0  }
0x24f: {  	v4 =	vmov s0;
	v2 =	vld.idx.msk [tilespmem:v2+s30+$0x0], $0xffff  }
0x250: {  	v4 =	vshll.u32 v4, $0x3  }
0x251: {  	v4 =	vor.u32 v0, v4  }
0x252: {  	v1 =	vmul.f32 v3, v1;
	v3 =	vor.u32 s7, v4;
	_ =	sdelay $0x1  }
0x253: {  	v1 =	vmul.f32 v1, v2;
	_ =	sdelay $0x1  }
0x254: {  	[tilespmem:s16+$0xFFFFFFF0] =	vst v1  }
0x255: {  	v1 =	vld.idx.msk [tilespmem:v3+s29+$0x0], $0xffff  }
0x256: {  	s7 =	simm.s32 $0x20;
	v2 =	vld [tilespmem:s10+$0x0]  }
0x257: {  	s17 =	sand.u32 $0x780, s7  }
0x258: {  	v4 =	vmov s17;
	s18 =	sor.u32 $0x10, s17;
	s19 =	sor.u32 $0x20, s17;
	v3 =	vld.idx.msk [tilespmem:v3+s30+$0x0], $0xffff  }
0x259: {  	s3 =	simm.s32 $0x1;
	v4 =	vshll.u32 v4, $0x3;
	v5 =	vmov s18;
	v6 =	vmov s19  }
0x25a: {  	s12 =	sand.u32 $0x3, s3;
	v4 =	vor.u32 v0, v4;
	v5 =	vshll.u32 v5, $0x3;
	v7 =	vshll.u32 v6, $0x3  }
0x25b: {  	s21 =	sor.u32 $0x30, s17;
	s28 =	sor.u32 $0x40, s17;
	v6 =	vor.u32 s12, v4;
	v5 =	vor.u32 v0, v5;
	v1 =	vmul.f32 v2, v1  }
0x25c: {  	v4 =	vor.u32 v0, v7;
	v7 =	vmov s28;
	v2 =	vmov s21  }
0x25d: {  	s0 =	sor.u32 $0x50, s17;
	v8 =	vshll.u32 v7, $0x3;
	v2 =	vshll.u32 v2, $0x3;
	v7 =	vmul.f32 v1, v3  }
0x25e: {  	s1 =	simm.s32 $0x2;
	v3 =	vor.u32 v0, v2;
	v2 =	vor.u32 v0, v8;
	v1 =	vmov s0  }
.LBB2_12:
0x25f: {  	[tilespmem:s16+$0x0] =	vst v7;
	s16 =	sadd.s32 $0x80, s16  }
0x260: {  	s10 =	sadd.s32 $0x80, s10;
	s0 =	smov.u32 s1;
	s17 =	sadd.s32 $0x1, s1  }
0x261: {  	p1 =	sne.s32 s1, $0x2F;
	v7 =	vld.idx.msk [tilespmem:v6+s29+$0x0], $0xffff  }
0x262: {  	v8 =	vld [tilespmem:s10+$0xFFFFFF90]  }
0x263: {  	v6 =	vld.idx.msk [tilespmem:v6+s30+$0x0], $0xffff;
	_ =	sdelay $0x3  }
0x264: {  	v5 =	vor.u32 s12, v5;
	v7 =	vmul.f32 v8, v7;
	_ =	sdelay $0x1  }
0x265: {  	v6 =	vmul.f32 v7, v6;
	_ =	sdelay $0x1  }
0x266: {  	[tilespmem:s16+$0xFFFFFF90] =	vst v6  }
0x267: {  	v6 =	vld.idx.msk [tilespmem:v5+s29+$0x0], $0xffff  }
0x268: {  	v7 =	vld [tilespmem:s10+$0xFFFFFFA0]  }
0x269: {  	v5 =	vld.idx.msk [tilespmem:v5+s30+$0x0], $0xffff;
	_ =	sdelay $0x3  }
0x26a: {  	v4 =	vor.u32 s12, v4;
	v6 =	vmul.f32 v7, v6;
	_ =	sdelay $0x1  }
0x26b: {  	v5 =	vmul.f32 v6, v5;
	_ =	sdelay $0x1  }
0x26c: {  	[tilespmem:s16+$0xFFFFFFA0] =	vst v5  }
0x26d: {  	v5 =	vld.idx.msk [tilespmem:v4+s29+$0x0], $0xffff  }
0x26e: {  	v6 =	vld [tilespmem:s10+$0xFFFFFFB0]  }
0x26f: {  	v4 =	vld.idx.msk [tilespmem:v4+s30+$0x0], $0xffff;
	_ =	sdelay $0x3  }
0x270: {  	v3 =	vor.u32 s12, v3;
	v5 =	vmul.f32 v6, v5;
	_ =	sdelay $0x1  }
0x271: {  	v4 =	vmul.f32 v5, v4;
	_ =	sdelay $0x1  }
0x272: {  	[tilespmem:s16+$0xFFFFFFB0] =	vst v4  }
0x273: {  	v4 =	vld.idx.msk [tilespmem:v3+s29+$0x0], $0xffff  }
0x274: {  	v5 =	vld [tilespmem:s10+$0xFFFFFFC0]  }
0x275: {  	v3 =	vld.idx.msk [tilespmem:v3+s30+$0x0], $0xffff;
	_ =	sdelay $0x3  }
0x276: {  	v2 =	vor.u32 s12, v2;
	v4 =	vmul.f32 v5, v4;
	_ =	sdelay $0x1  }
0x277: {  	v3 =	vmul.f32 v4, v3;
	_ =	sdelay $0x1  }
0x278: {  	[tilespmem:s16+$0xFFFFFFC0] =	vst v3  }
0x279: {  	v3 =	vld.idx.msk [tilespmem:v2+s29+$0x0], $0xffff  }
0x27a: {  	v4 =	vld [tilespmem:s10+$0xFFFFFFD0]  }
0x27b: {  	v2 =	vld.idx.msk [tilespmem:v2+s30+$0x0], $0xffff;
	_ =	sdelay $0x1  }
0x27c: {  	v1 =	vshll.u32 v1, $0x3  }
0x27d: {  	v1 =	vor.u32 v0, v1  }
0x27e: {  	v1 =	vor.u32 s12, v1;
	v3 =	vmul.f32 v4, v3;
	_ =	sdelay $0x1  }
0x27f: {  	v2 =	vmul.f32 v3, v2;
	_ =	sdelay $0x1  }
0x280: {  	[tilespmem:s16+$0xFFFFFFD0] =	vst v2  }
0x281: {  	v2 =	vld.idx.msk [tilespmem:v1+s29+$0x0], $0xffff  }
0x282: {  	v3 =	vld [tilespmem:s10+$0xFFFFFFE0]  }
0x283: {  	s1 =	sor.u32 $0x60, s7;
	v1 =	vld.idx.msk [tilespmem:v1+s30+$0x0], $0xffff  }
0x284: {  	v4 =	vmov s1  }
0x285: {  	v4 =	vshll.u32 v4, $0x3  }
0x286: {  	v4 =	vor.u32 v0, v4  }
0x287: {  	v2 =	vmul.f32 v3, v2;
	v3 =	vor.u32 s12, v4;
	_ =	sdelay $0x1  }
0x288: {  	v1 =	vmul.f32 v2, v1;
	_ =	sdelay $0x1  }
0x289: {  	[tilespmem:s16+$0xFFFFFFE0] =	vst v1  }
0x28a: {  	v1 =	vld.idx.msk [tilespmem:v3+s29+$0x0], $0xffff  }
0x28b: {  	v2 =	vld [tilespmem:s10+$0xFFFFFFF0]  }
0x28c: {  	s1 =	sor.u32 $0x70, s7;
	v3 =	vld.idx.msk [tilespmem:v3+s30+$0x0], $0xffff  }
0x28d: {  	v4 =	vmov s1  }
0x28e: {  	v4 =	vshll.u32 v4, $0x3  }
0x28f: {  	v4 =	vor.u32 v0, v4  }
0x290: {  	v1 =	vmul.f32 v2, v1;
	v2 =	vor.u32 s12, v4;
	_ =	sdelay $0x1  }
0x291: {  	v1 =	vmul.f32 v1, v3;
	_ =	sdelay $0x1  }
0x292: {  	[tilespmem:s16+$0xFFFFFFF0] =	vst v1  }
0x293: {  	v1 =	vld.idx.msk [tilespmem:v2+s29+$0x0], $0xffff  }
0x294: {  	s7 =	sadd.s32 $0x20, s7;
	v3 =	vld [tilespmem:s10+$0x0]  }
0x295: {  	s1 =	sand.u32 $0x780, s7;
	v2 =	vld.idx.msk [tilespmem:v2+s30+$0x0], $0xffff  }
0x296: {  	s2 =	sor.u32 $0x10, s1;
	s3 =	sor.u32 $0x20, s1;
	s18 =	sor.u32 $0x30, s1;
	v4 =	vmov s1  }
0x297: {  	v5 =	vmov s2;
	v6 =	vmov s3;
	s2 =	sor.u32 $0x40, s1;
	s1 =	sor.u32 $0x50, s1;
	v4 =	vshll.u32 v4, $0x3  }
.Ltmp6:
0x298: {  	v5 =	vshll.u32 v5, $0x3;
	v7 =	vshll.u32 v6, $0x3;
	s12 =	sand.u32 $0x3, s0;
	v4 =	vor.u32 v0, v4;
	(pc) =	sbr.rel @p1 .LBB2_12-.Ltmp6, $4  }
0x299: {  	v5 =	vor.u32 v0, v5;
	v6 =	vor.u32 s12, v4;
	v1 =	vmul.f32 v3, v1  }
0x29a: {  	v4 =	vor.u32 v0, v7;
	v7 =	vmov s2;
	v3 =	vmov s18  }
0x29b: {  	v8 =	vshll.u32 v7, $0x3;
	v3 =	vshll.u32 v3, $0x3;
	v7 =	vmul.f32 v1, v2  }
0x29c: {  	v3 =	vor.u32 v0, v3;
	v2 =	vor.u32 v0, v8;
	v1 =	vmov s1;
	s1 =	smov.u32 s17  }
0x29d: {  	_ =	sdelay $0x2  }
0x29e: {  	[tilespmem:s16+$0x0] =	vst v7  }
0x29f: {  	s0 =	sadd.s32 $0x80, s10;
	v7 =	vld.idx.msk [tilespmem:v6+s29+$0x0], $0xffff  }
0x2a0: {  	v8 =	vld [tilespmem:s0+$0xFFFFFF90];
	_ =	sdelay $0x1  }
0x2a1: {  	v57 =	vld.idx.msk [tilespmem:v6+s30+$0x0], $0xffff;
	_ =	sdelay $0x2  }
0x2a2: {  	v5 =	vor.u32 s12, v5;
	v7 =	vmul.f32 v8, v7;
	_ =	sdelay $0x1  }
0x2a3: {  	v6 =	vmul.f32 v7, v57  }
0x2a4: {  	s1 =	sadd.s32 $0x80, s16  }
0x2a5: {  	[tilespmem:s1+$0xFFFFFF90] =	vst v6  }
0x2a6: {  	v6 =	vld.idx.msk [tilespmem:v5+s29+$0x0], $0xffff  }
0x2a7: {  	v58 =	vld [tilespmem:s0+$0xFFFFFFA0];
	_ =	sdelay $0x1  }
0x2a8: {  	v5 =	vld.idx.msk [tilespmem:v5+s30+$0x0], $0xffff;
	_ =	sdelay $0x2  }
0x2a9: {  	v4 =	vor.u32 s12, v4;
	v6 =	vmul.f32 v58, v6;
	_ =	sdelay $0x1  }
0x2aa: {  	v5 =	vmul.f32 v6, v5;
	_ =	sdelay $0x1  }
0x2ab: {  	[tilespmem:s1+$0xFFFFFFA0] =	vst v5  }
0x2ac: {  	v5 =	vld.idx.msk [tilespmem:v4+s29+$0x0], $0xffff  }
0x2ad: {  	v59 =	vld [tilespmem:s0+$0xFFFFFFB0];
	_ =	sdelay $0x1  }
0x2ae: {  	v4 =	vld.idx.msk [tilespmem:v4+s30+$0x0], $0xffff;
	_ =	sdelay $0x2  }
0x2af: {  	v3 =	vor.u32 s12, v3;
	v5 =	vmul.f32 v59, v5;
	_ =	sdelay $0x1  }
0x2b0: {  	v4 =	vmul.f32 v5, v4;
	_ =	sdelay $0x1  }
0x2b1: {  	[tilespmem:s1+$0xFFFFFFB0] =	vst v4  }
0x2b2: {  	v4 =	vld.idx.msk [tilespmem:v3+s29+$0x0], $0xffff  }
0x2b3: {  	v60 =	vld [tilespmem:s0+$0xFFFFFFC0];
	_ =	sdelay $0x1  }
0x2b4: {  	v3 =	vld.idx.msk [tilespmem:v3+s30+$0x0], $0xffff;
	_ =	sdelay $0x2  }
0x2b5: {  	v2 =	vor.u32 s12, v2;
	v4 =	vmul.f32 v60, v4;
	_ =	sdelay $0x1  }
0x2b6: {  	v3 =	vmul.f32 v4, v3;
	_ =	sdelay $0x1  }
0x2b7: {  	[tilespmem:s1+$0xFFFFFFC0] =	vst v3  }
0x2b8: {  	v3 =	vld.idx.msk [tilespmem:v2+s29+$0x0], $0xffff  }
0x2b9: {  	v61 =	vld [tilespmem:s0+$0xFFFFFFD0];
	_ =	sdelay $0x1  }
0x2ba: {  	v2 =	vld.idx.msk [tilespmem:v2+s30+$0x0], $0xffff  }
0x2bb: {  	v1 =	vshll.u32 v1, $0x3  }
0x2bc: {  	v1 =	vor.u32 v0, v1  }
0x2bd: {  	v1 =	vor.u32 s12, v1;
	v3 =	vmul.f32 v61, v3;
	_ =	sdelay $0x1  }
0x2be: {  	v2 =	vmul.f32 v3, v2;
	_ =	sdelay $0x1  }
0x2bf: {  	[tilespmem:s1+$0xFFFFFFD0] =	vst v2  }
0x2c0: {  	v2 =	vld.idx.msk [tilespmem:v1+s29+$0x0], $0xffff  }
0x2c1: {  	v3 =	vld [tilespmem:s0+$0xFFFFFFE0]  }
0x2c2: {  	s2 =	sor.u32 $0x60, s7  }
0x2c3: {  	v62 =	vmov s2;
	v1 =	vld.idx.msk [tilespmem:v1+s30+$0x0], $0xffff  }
0x2c4: {  	v4 =	vshll.u32 v62, $0x3  }
0x2c5: {  	v4 =	vor.u32 v0, v4  }
0x2c6: {  	v2 =	vmul.f32 v3, v2;
	v3 =	vor.u32 s12, v4;
	_ =	sdelay $0x1  }
0x2c7: {  	v1 =	vmul.f32 v2, v1;
	_ =	sdelay $0x1  }
0x2c8: {  	[tilespmem:s1+$0xFFFFFFE0] =	vst v1  }
0x2c9: {  	v1 =	vld.idx.msk [tilespmem:v3+s29+$0x0], $0xffff  }
0x2ca: {  	v2 =	vld [tilespmem:s0+$0xFFFFFFF0]  }
0x2cb: {  	s16 =	sor.u32 $0x70, s7  }
0x2cc: {  	v63 =	vmov s16;
	v3 =	vld.idx.msk [tilespmem:v3+s30+$0x0], $0xffff  }
0x2cd: {  	v4 =	vshll.u32 v63, $0x3  }
0x2ce: {  	v4 =	vor.u32 v0, v4  }
0x2cf: {  	v1 =	vmul.f32 v2, v1;
	v2 =	vor.u32 s12, v4;
	_ =	sdelay $0x1  }
0x2d0: {  	v1 =	vmul.f32 v1, v3;
	_ =	sdelay $0x1  }
0x2d1: {  	[tilespmem:s1+$0xFFFFFFF0] =	vst v1  }
0x2d2: {  	v1 =	vld.idx.msk [tilespmem:v2+s29+$0x0], $0xffff  }
0x2d3: {  	v3 =	vld [tilespmem:s0+$0x0];
	_ =	sdelay $0x1  }
0x2d4: {  	v2 =	vld.idx.msk [tilespmem:v2+s30+$0x0], $0xffff;
	_ =	sdelay $0x2  }
0x2d5: {  	v1 =	vmul.f32 v3, v1;
	_ =	sdelay $0x1  }
0x2d6: {  	v1 =	vmul.f32 v1, v2;
	_ =	sdelay $0x1  }
0x2d7: {  	s17 =	rddreg [dreg:$0xe];
	s18 =	simm.s32 $0x12000;
	s19 =	simm.s32 $0x8;
	[tilespmem:s1+$0x0] =	vst v1  }
0x2d8: {  	[hbm4b:s17+s6] =	stream.linear.scatter [tilespmem:s18], [sflag:$0x8], $0x1800, $0x38;
	[tilespmem:$0x1FB80] =	vst v63  }
0x2d9: {  	_ =	swait.ge [sflag:s19], $0x1800  }
0x2da: {  	[sflag:s19] =	ssyncset.done $0x0  }
0x2db: {  	[sflag:s19] =	ssyncadd.s32 $0xFFFFE800  }
0x2dc: {  	_ =	swait.ge [sflag:s13], $0x1800  }
0x2dd: {  	s21 =	rddreg [dreg:$0x11]  }
0x2de: {  	s28 =	rddreg [dreg:$0xf];
	s1 =	sadd.s32 $0x1, s21  }
0x2df: {  	p1 =	sne.s32 s1, s28  }
.Ltmp7:
0x2e0: {  	_ = 	snop;
	(pc) =	sbr.rel @p1 .LBB2_1-.Ltmp7, $3  }
0x2e1: {  	_ =	sdelay $0x1  }
0x2e2: {  	[sflag:s13] =	ssyncset.done $0x0  }
0x2e3: {  	[sflag:s13] =	ssyncadd.s32 $0xFFFFE800  }
0x2e4: {  	_ =	sfence.sel $0x180000  }
0x2e5: {  	[bflag:$0x0] =	sbarrier.arrive $0xFFFF  }
0x2e6: {  	_ =	strace $0x90000047  }
0x2e7: {  	[bflag:$0x2] =	sbarrier.arrive $0xFFFF  }
0x2e8: {  	s0 =	rddreg [dreg:$0x6]  }
0x2e9: {  	s0 =	sadd.s32 @!p0 $0x100000, s0  }
0x2ea: {  	[sflag:s0] =	ssyncadd.tile.s32 @!p0 $0x1;
	_ =	shalt  }
.Lfunc_end2:
_tile_overlayer_lowered:
.L_overlay_start_2:
0x2eb: {  	(tag) =	ssettag $0x2  }
0x2ec: {  	s0 =	rddreg [dreg:$0x0];
	s2 =	stileid.u32  }
0x2ed: {  	s1 =	rddreg [dreg:$0x1];
	p0 =	sne.s32 s2, $0x0  }
0x2ee: {  	s3 =	rddreg [dreg:$0x2];
	[bflag:$0x3] =	sbarrier.arrive $0xFFFF;
	s2 =	simm.s32 @!p0 $0x1C09  }
0x2ef: {  	[timem:s3], [sflag:s2] =	dma.local @!p0 [hbm:s0], s1  }
0x2f0: {  	s0 =	simm.s32 @!p0 $0x9  }
0x2f1: {  	_ =	swait.ge @!p0 [sflag:s0], s1  }
0x2f2: {  	s1 =	ssub.s32 @!p0 $0x0, s1;
	[sflag:s0] =	ssyncset.done @!p0 $0x0  }
0x2f3: {  	[sflag:s0] =	ssyncadd.s32 @!p0 s1  }
0x2f4: {  	[bflag:$0x3] =	sbarrier.arrive $0xFFFF  }
0x2f5: {  	_ =	shalt  }

</sc_bundles>
